<compile_context>
chip_gen: v7x
topology: tpu7x:2x2x1
jax: 0.10.2.dev20260603
libtpu: 0.0.44.dev20260713+nightly
codegen_flags: <defaults>
</compile_context>

<pallas_src>
import functools

import jax
import jax.numpy as jnp
import numpy as np
from jax import lax
from jax.experimental import pallas as pl
from jax.experimental.pallas import tpu as pltpu
from jax.experimental.pallas import tpu_sc as plsc

N_NODES = 10000
N_EDGES = 320000
IN_DIM = 128
HID_DIM = 128
OUT_DIM = 64
HALF = HID_DIM // 2

NC, NS = 2, 16
NW = NC * NS
BLK = 128
NBUF = 5
LAG = 2
EROWS = N_EDGES // BLK
NB1 = 160
NB2 = 80
PADROWS = 60
NPAD = 10240
RPT = NPAD // NS
ROWB = 1000

_MESH = plsc.VectorSubcoreMesh(core_axis_name="c", subcore_axis_name="s",
                               num_cores=NC, num_subcores=NS)
_SC_PARAMS = pltpu.CompilerParams(use_tc_tiling_on_sc=False)


def _load_blocks(hbm, pad_hbm, dst_ref, slot, nb):
    last = (EROWS // nb) * nb
    real = EROWS - last
    lastslot = EROWS // nb

    @pl.when(slot < lastslot)
    def _():
        pltpu.sync_copy(hbm.at[pl.ds(slot * nb, nb)], dst_ref)

    @pl.when(slot == lastslot)
    def _():
        pltpu.sync_copy(hbm.at[pl.ds(last, real)], dst_ref.at[pl.ds(0, real)])
        pltpu.sync_copy(pad_hbm, dst_ref.at[pl.ds(real, PADROWS)])



@functools.partial(
    pl.kernel,
    out_type=jax.ShapeDtypeStruct((NC * NPAD,), jnp.float32),
    mesh=_MESH,
    compiler_params=_SC_PARAMS,
    scratch_types=[
        pltpu.VMEM((NB2, BLK), jnp.int32),
        pltpu.VMEM((BLK,), jnp.float32),
        pltpu.VMEM((RPT,), jnp.float32),
        pltpu.VMEM_SHARED((NPAD,), jnp.float32),
    ],
)
def _deg_kernel(dst_hbm, pad_dst_hbm, out_hbm, dst_v, ones_v, buf_v, acc):
    c = lax.axis_index("c")
    s = lax.axis_index("s")
    w = c * NS + s

    for i in range(BLK // 16):
        ones_v[pl.ds(i * 16, 16)] = jnp.ones((16,), jnp.float32)

    def _zero(i, carry):
        buf_v[pl.ds(i * 16, 16)] = jnp.zeros((16,), jnp.float32)
        return carry
    lax.fori_loop(0, RPT // 16, _zero, 0)
    pltpu.sync_copy(buf_v, acc.at[pl.ds(s * RPT, RPT)])
    _load_blocks(dst_hbm, pad_dst_hbm, dst_v, w, NB2)
    plsc.subcore_barrier()

    def _block(j, carry):
        pltpu.sync_copy(ones_v, acc.at[dst_v.at[j]], add=True)
        return carry
    lax.fori_loop(0, NB2, _block, 0)
    plsc.subcore_barrier()

    pltpu.sync_copy(acc.at[pl.ds(s * RPT, RPT)], buf_v)
    pltpu.sync_copy(buf_v, out_hbm.at[pl.ds(c * NPAD + s * RPT, RPT)])


def _make_agg(D, nb, feature_split):

    @functools.partial(
        pl.kernel,
        out_type=jax.ShapeDtypeStruct((NC * NPAD, D), jnp.float32),
        mesh=_MESH,
        compiler_params=_SC_PARAMS,
        scratch_types=[
            pltpu.VMEM((nb, BLK), jnp.int32),
            pltpu.VMEM((nb, BLK), jnp.int32),
            *[pltpu.VMEM((BLK, D), jnp.float32) for _ in range(NBUF)],
            pltpu.VMEM_SHARED((NPAD, D), jnp.float32),
            pltpu.SemaphoreType.DMA,
            pltpu.SemaphoreType.DMA,
        ],
    )
    def _agg(g_hbm, src_hbm, dst_hbm, pad_src_hbm, pad_dst_hbm, out_hbm,
             src_v, dst_v, *rest):
        ring = list(rest[:NBUF])
        acc, semg, sems = rest[NBUF:]
        buf_v = ring[0]
        c = lax.axis_index("c")
        s = lax.axis_index("s")
        slot = s if feature_split else c * NS + s

        def _zero(i, carry):
            for j in range(D // 16):
                buf_v[i, pl.ds(j * 16, 16)] = jnp.zeros((16,), jnp.float32)
            return carry
        lax.fori_loop(0, 128, _zero, 0)
        for k in range(RPT // 128):
            pltpu.sync_copy(buf_v, acc.at[pl.ds(s * RPT + k * 128, 128)])
        _load_blocks(src_hbm, pad_src_hbm, src_v, slot, nb)
        _load_blocks(dst_hbm, pad_dst_hbm, dst_v, slot, nb)
        if feature_split:
            off = c.astype(jnp.int32)

            def _shift(i, carry):
                for k in range(BLK // 16):
                    sl = pl.ds(k * 16, 16)
                    v = src_v[i, sl]
                    src_v[i, sl] = v + v + off
                return carry
            lax.fori_loop(0, nb, _shift, 0)
        plsc.subcore_barrier()

        def _gather_start(j, buf):
            pltpu.async_copy(g_hbm.at[src_v.at[j]], buf, semg)

        def _gather_wait(j, buf):
            pltpu.make_async_copy(g_hbm.at[src_v.at[j]], buf, semg).wait()

        def _scatter_start(j, buf):
            pltpu.async_copy(buf, acc.at[dst_v.at[j]], sems, add=True)

        def _scatter_wait(j, buf):
            pltpu.make_async_copy(buf, acc.at[dst_v.at[j]], sems).wait()

        for u in range(NBUF):
            _gather_start(u, ring[u])

        def _group(i, carry):
            for u in range(NBUF):
                j = NBUF * i + u
                _gather_wait(j, ring[u])
                _scatter_start(j, ring[u])
                up = (u - LAG) % NBUF
                jr = j - LAG + NBUF

                @pl.when(jnp.logical_and(j >= LAG, jr < nb))
                def _():
                    _scatter_wait(j - LAG, ring[up])
                    _gather_start(jr, ring[up])
            return carry
        lax.fori_loop(0, nb // NBUF, _group, 0)
        for u in range(NBUF):
            _scatter_wait(nb - NBUF + u, ring[u])
        plsc.subcore_barrier()

        for k in range(RPT // 128):
            r0 = s * RPT + k * 128
            pltpu.sync_copy(acc.at[pl.ds(r0, 128)], buf_v)
            pltpu.sync_copy(buf_v, out_hbm.at[pl.ds(c * NPAD + r0, 128)])

    return _agg


_agg1 = _make_agg(HALF, NB1, feature_split=True)
_agg2 = _make_agg(OUT_DIM, NB2, feature_split=False)



def _tc_first(x, W1, dinv):
    def body(x_ref, w_ref, d_ref, o_ref):
        o_ref[...] = jnp.dot(x_ref[...], w_ref[...],
                             preferred_element_type=jnp.float32) * d_ref[...]
    return pl.pallas_call(
        body,
        grid=(N_NODES // ROWB,),
        in_specs=[
            pl.BlockSpec((ROWB, IN_DIM), lambda i: (i, 0)),
            pl.BlockSpec((IN_DIM, HID_DIM), lambda i: (0, 0)),
            pl.BlockSpec((ROWB, 1), lambda i: (i, 0)),
        ],
        out_specs=pl.BlockSpec((ROWB, HID_DIM), lambda i: (i, 0)),
        out_shape=jax.ShapeDtypeStruct((N_NODES, HID_DIM), jnp.float32),
    )(x, W1, dinv)


def _tc_mid(p, t1, dinv, b1, W2):
    def body(p_ref, t_ref, d_ref, b_ref, w_ref, o_ref):
        d = d_ref[...]
        h0 = jnp.maximum((p_ref[0] + t_ref[:, :HALF]) * d + b_ref[:, :HALF],
                         0.0)
        h1 = jnp.maximum((p_ref[1] + t_ref[:, HALF:]) * d + b_ref[:, HALF:],
                         0.0)
        t = (jnp.dot(h0, w_ref[:HALF, :], preferred_element_type=jnp.float32)
             + jnp.dot(h1, w_ref[HALF:, :], preferred_element_type=jnp.float32))
        o_ref[...] = t * d
    return pl.pallas_call(
        body,
        grid=(N_NODES // ROWB,),
        in_specs=[
            pl.BlockSpec((2, ROWB, HALF), lambda i: (0, i, 0)),
            pl.BlockSpec((ROWB, HID_DIM), lambda i: (i, 0)),
            pl.BlockSpec((ROWB, 1), lambda i: (i, 0)),
            pl.BlockSpec((1, HID_DIM), lambda i: (0, 0)),
            pl.BlockSpec((HID_DIM, OUT_DIM), lambda i: (0, 0)),
        ],
        out_specs=pl.BlockSpec((ROWB, OUT_DIM), lambda i: (i, 0)),
        out_shape=jax.ShapeDtypeStruct((N_NODES, OUT_DIM), jnp.float32),
    )(p, t1, dinv, b1, W2)


def _tc_last(p, g2, dinv, b2):
    def body(p_ref, g_ref, d_ref, b_ref, o_ref):
        y = (p_ref[0] + p_ref[1] + g_ref[...]) * d_ref[...] + b_ref[...]
        m = jnp.max(y, axis=1, keepdims=True)
        ex = jnp.exp(y - m)
        o_ref[...] = y - m - jnp.log(jnp.sum(ex, axis=1, keepdims=True))
    return pl.pallas_call(
        body,
        grid=(N_NODES // ROWB,),
        in_specs=[
            pl.BlockSpec((2, ROWB, OUT_DIM), lambda i: (0, i, 0)),
            pl.BlockSpec((ROWB, OUT_DIM), lambda i: (i, 0)),
            pl.BlockSpec((ROWB, 1), lambda i: (i, 0)),
            pl.BlockSpec((1, OUT_DIM), lambda i: (0, 0)),
        ],
        out_specs=pl.BlockSpec((ROWB, OUT_DIM), lambda i: (i, 0)),
        out_shape=jax.ShapeDtypeStruct((N_NODES, OUT_DIM), jnp.float32),
    )(p, g2, dinv, b2)



_ids = np.arange(PADROWS * BLK)
_PAD_SRC = np.asarray((_ids % N_NODES).reshape(PADROWS, BLK), np.int32)
_PAD_DST = np.asarray((N_NODES + _ids % (NPAD - N_NODES))
                      .reshape(PADROWS, BLK), np.int32)


def kernel(x, edge_index, W1, b1, W2, b2):
    src2d = edge_index[0].reshape(EROWS, BLK)
    dst2d = edge_index[1].reshape(EROWS, BLK)

    degp = _deg_kernel(dst2d, _PAD_DST).reshape(NC, NPAD)
    dinv = lax.rsqrt(degp[0] + degp[1] + 1.0)[:, None]

    t1 = _tc_first(x, W1, dinv[:N_NODES])
    p1 = _agg1(t1.reshape(NC * N_NODES, HALF),
               src2d, dst2d, _PAD_SRC, _PAD_DST).reshape(NC, NPAD, HALF)
    g2 = _tc_mid(p1, t1, dinv[:N_NODES], b1[None, :], W2)
    p2 = _agg2(g2, src2d, dst2d, _PAD_SRC, _PAD_DST).reshape(NC, NPAD, OUT_DIM)
    return _tc_last(p2, g2, dinv[:N_NODES], b2[None, :])

# --- scband reference (transcript-rebuilt; emitter-appended) ---
"""Pipeline reference for scband-hyperbolic-gcn-34239479283761 (READ-ONLY COPY).

The authoritative reference and input builder live on the scoring server;
editing this copy changes nothing except your own understanding.
"""

import jax, jax.numpy as jnp
import numpy as np

N_NODES = 10000
N_EDGES = 320000
IN_DIM = 128
HID_DIM = 128
OUT_DIM = 64


def setup_inputs(seed: int = 0) -> dict:
    key = jax.random.key(seed)
    k1, k2, k3, k4, k5, k6 = jax.random.split(key, 6)
    x = jax.random.normal(k1, (N_NODES, IN_DIM), dtype=jnp.float32)
    edge_index = jax.random.randint(k2, (2, N_EDGES), 0, N_NODES, dtype=jnp.int32)
    W1 = jax.random.normal(k3, (IN_DIM, HID_DIM), dtype=jnp.float32) * (1.0 / np.sqrt(IN_DIM))
    b1 = jnp.zeros((HID_DIM,), dtype=jnp.float32)
    W2 = jax.random.normal(k4, (HID_DIM, OUT_DIM), dtype=jnp.float32) * (1.0 / np.sqrt(HID_DIM))
    b2 = jnp.zeros((OUT_DIM,), dtype=jnp.float32)
    return {"x": x, "edge_index": edge_index, "W1": W1, "b1": b1, "W2": W2, "b2": b2}


def _gcn_conv(x, edge_index, W, b):
    # PyG GCNConv: add self-loops, symmetric normalization D^-1/2 (A+I) D^-1/2 X W + b
    n = x.shape[0]
    loop = jnp.arange(n, dtype=edge_index.dtype)
    src = jnp.concatenate([edge_index[0], loop])
    dst = jnp.concatenate([edge_index[1], loop])
    ones = jnp.ones_like(dst, dtype=x.dtype)
    deg = jax.ops.segment_sum(ones, dst, num_segments=n)
    deg_inv_sqrt = jnp.where(deg > 0, deg ** -0.5, 0.0)
    norm = deg_inv_sqrt[src] * deg_inv_sqrt[dst]
    h = x @ W
    msg = h[src] * norm[:, None]
    out = jax.ops.segment_sum(msg, dst, num_segments=n)
    return out + b


def reference(x, edge_index, W1, b1, W2, b2):
    h = jax.nn.relu(_gcn_conv(x, edge_index, W1, b1))
    h = _gcn_conv(h, edge_index, W2, b2)
    return jax.nn.log_softmax(h, axis=1)

if __name__ == "__main__":
    import jax
    _d = setup_inputs()
    print(jax.jit(kernel)(*tuple(_d.values())))

</pallas_src>

<mosaic_0001>
#map = affine_map<(d0, d1) -> (0, 0)>
#map1 = affine_map<(d0, d1) -> (0)>
module attributes {stable_mosaic.version = 14 : i64} {
  func.func @_deg_kernel(%arg0: i32, %arg1: i32, %arg2: memref<2500x128xi32, #tpu.memory_space<hbm>>, %arg3: memref<60x128xi32, #tpu.memory_space<hbm>>, %arg4: memref<20480xf32, #tpu.memory_space<hbm>>, %arg5: memref<80x128xi32, #tpu.memory_space<vmem>>, %arg6: memref<128xf32, #tpu.memory_space<vmem>>, %arg7: memref<640xf32, #tpu.memory_space<vmem>>, %arg8: memref<10240xf32, #tpu.memory_space<vmem_shared>>) attributes {dimension_semantics = [#tpu.dimension_semantics<core_parallel>, #tpu.dimension_semantics<subcore_parallel>], iteration_bounds = array<i64: 2, 16>, scalar_prefetch = 0 : i64, scratch_operands = 4 : i64, tpu.core_type = #tpu.core_type<sc_vector_subcore>, window_params = [{transform_indices = #map}, {transform_indices = #map}, {transform_indices = #map1}]} {
    %mul3A = arith.constant 16 : i32
    %mul3A_0 = arith.muli %arg0, %mul3A : i32
    %add3A = arith.addi %mul3A_0, %arg1 : i32
    %broadcast_in_dim3A = arith.constant 1.000000e+00 : f32
    %broadcast_in_dim3A_1 = vector.broadcast %broadcast_in_dim3A : f32 to vector<16xf32>
    %swap3A = arith.constant 0 : index
    %swap3A_2 = tpu.vector_load %arg6[%swap3A] {strides = array<i32>} : memref<128xf32, #tpu.memory_space<vmem>>, vector<16xf32>,
    %swap3A_3 = vector.shape_cast %swap3A_2 : vector<16xf32> to vector<16xf32>
    %swap3A_4 = vector.shape_cast %broadcast_in_dim3A_1 : vector<16xf32> to vector<16xf32>
    tpu.vector_store %arg6[%swap3A], %swap3A_4 {strides = array<i32>} : memref<128xf32, #tpu.memory_space<vmem>>, vector<16xf32>,
    %broadcast_in_dim3A_5 = arith.constant 1.000000e+00 : f32
    %broadcast_in_dim3A_6 = vector.broadcast %broadcast_in_dim3A_5 : f32 to vector<16xf32>
    %swap3A_7 = arith.constant 16 : index
    %swap3A_8 = tpu.vector_load %arg6[%swap3A_7] {strides = array<i32>} : memref<128xf32, #tpu.memory_space<vmem>>, vector<16xf32>,
    %swap3A_9 = vector.shape_cast %swap3A_8 : vector<16xf32> to vector<16xf32>
    %swap3A_10 = vector.shape_cast %broadcast_in_dim3A_6 : vector<16xf32> to vector<16xf32>
    tpu.vector_store %arg6[%swap3A_7], %swap3A_10 {strides = array<i32>} : memref<128xf32, #tpu.memory_space<vmem>>, vector<16xf32>,
    %broadcast_in_dim3A_11 = arith.constant 1.000000e+00 : f32
    %broadcast_in_dim3A_12 = vector.broadcast %broadcast_in_dim3A_11 : f32 to vector<16xf32>
    %swap3A_13 = arith.constant 32 : index
    %swap3A_14 = tpu.vector_load %arg6[%swap3A_13] {strides = array<i32>} : memref<128xf32, #tpu.memory_space<vmem>>, vector<16xf32>,
    %swap3A_15 = vector.shape_cast %swap3A_14 : vector<16xf32> to vector<16xf32>
    %swap3A_16 = vector.shape_cast %broadcast_in_dim3A_12 : vector<16xf32> to vector<16xf32>
    tpu.vector_store %arg6[%swap3A_13], %swap3A_16 {strides = array<i32>} : memref<128xf32, #tpu.memory_space<vmem>>, vector<16xf32>,
    %broadcast_in_dim3A_17 = arith.constant 1.000000e+00 : f32
    %broadcast_in_dim3A_18 = vector.broadcast %broadcast_in_dim3A_17 : f32 to vector<16xf32>
    %swap3A_19 = arith.constant 48 : index
    %swap3A_20 = tpu.vector_load %arg6[%swap3A_19] {strides = array<i32>} : memref<128xf32, #tpu.memory_space<vmem>>, vector<16xf32>,
    %swap3A_21 = vector.shape_cast %swap3A_20 : vector<16xf32> to vector<16xf32>
    %swap3A_22 = vector.shape_cast %broadcast_in_dim3A_18 : vector<16xf32> to vector<16xf32>
    tpu.vector_store %arg6[%swap3A_19], %swap3A_22 {strides = array<i32>} : memref<128xf32, #tpu.memory_space<vmem>>, vector<16xf32>,
    %broadcast_in_dim3A_23 = arith.constant 1.000000e+00 : f32
    %broadcast_in_dim3A_24 = vector.broadcast %broadcast_in_dim3A_23 : f32 to vector<16xf32>
    %swap3A_25 = arith.constant 64 : index
    %swap3A_26 = tpu.vector_load %arg6[%swap3A_25] {strides = array<i32>} : memref<128xf32, #tpu.memory_space<vmem>>, vector<16xf32>,
    %swap3A_27 = vector.shape_cast %swap3A_26 : vector<16xf32> to vector<16xf32>
    %swap3A_28 = vector.shape_cast %broadcast_in_dim3A_24 : vector<16xf32> to vector<16xf32>
    tpu.vector_store %arg6[%swap3A_25], %swap3A_28 {strides = array<i32>} : memref<128xf32, #tpu.memory_space<vmem>>, vector<16xf32>,
    %broadcast_in_dim3A_29 = arith.constant 1.000000e+00 : f32
    %broadcast_in_dim3A_30 = vector.broadcast %broadcast_in_dim3A_29 : f32 to vector<16xf32>
    %swap3A_31 = arith.constant 80 : index
    %swap3A_32 = tpu.vector_load %arg6[%swap3A_31] {strides = array<i32>} : memref<128xf32, #tpu.memory_space<vmem>>, vector<16xf32>,
    %swap3A_33 = vector.shape_cast %swap3A_32 : vector<16xf32> to vector<16xf32>
    %swap3A_34 = vector.shape_cast %broadcast_in_dim3A_30 : vector<16xf32> to vector<16xf32>
    tpu.vector_store %arg6[%swap3A_31], %swap3A_34 {strides = array<i32>} : memref<128xf32, #tpu.memory_space<vmem>>, vector<16xf32>,
    %broadcast_in_dim3A_35 = arith.constant 1.000000e+00 : f32
    %broadcast_in_dim3A_36 = vector.broadcast %broadcast_in_dim3A_35 : f32 to vector<16xf32>
    %swap3A_37 = arith.constant 96 : index
    %swap3A_38 = tpu.vector_load %arg6[%swap3A_37] {strides = array<i32>} : memref<128xf32, #tpu.memory_space<vmem>>, vector<16xf32>,
    %swap3A_39 = vector.shape_cast %swap3A_38 : vector<16xf32> to vector<16xf32>
    %swap3A_40 = vector.shape_cast %broadcast_in_dim3A_36 : vector<16xf32> to vector<16xf32>
    tpu.vector_store %arg6[%swap3A_37], %swap3A_40 {strides = array<i32>} : memref<128xf32, #tpu.memory_space<vmem>>, vector<16xf32>,
    %broadcast_in_dim3A_41 = arith.constant 1.000000e+00 : f32
    %broadcast_in_dim3A_42 = vector.broadcast %broadcast_in_dim3A_41 : f32 to vector<16xf32>
    %swap3A_43 = arith.constant 112 : index
    %swap3A_44 = tpu.vector_load %arg6[%swap3A_43] {strides = array<i32>} : memref<128xf32, #tpu.memory_space<vmem>>, vector<16xf32>,
    %swap3A_45 = vector.shape_cast %swap3A_44 : vector<16xf32> to vector<16xf32>
    %swap3A_46 = vector.shape_cast %broadcast_in_dim3A_42 : vector<16xf32> to vector<16xf32>
    tpu.vector_store %arg6[%swap3A_43], %swap3A_46 {strides = array<i32>} : memref<128xf32, #tpu.memory_space<vmem>>, vector<16xf32>,
    %scan3A = arith.constant 0 : i32
    %scan3A_47 = arith.constant 0 : i32
    %scan3A_48 = arith.constant 40 : i32
    %scan3A_49 = arith.addi %scan3A_47, %scan3A_48 : i32
    %scan3A_50 = arith.constant 1 : i32
    scf.for %scan3A_74 = %scan3A_47 to %scan3A_49 step %scan3A_50  : i32 {
      %broadcast_in_dim3A_75 = arith.constant 0.000000e+00 : f32
      %broadcast_in_dim3A_76 = vector.broadcast %broadcast_in_dim3A_75 : f32 to vector<16xf32>
      %mul3A_77 = arith.constant 16 : i32
      %mul3A_78 = arith.muli %scan3A_74, %mul3A_77 : i32
      %swap3A_79 = arith.index_cast %mul3A_78 : i32 to index
      %swap3A_80 = tpu.vector_load %arg7[%swap3A_79] {strides = array<i32>} : memref<640xf32, #tpu.memory_space<vmem>>, vector<16xf32>,
      %swap3A_81 = vector.shape_cast %swap3A_80 : vector<16xf32> to vector<16xf32>
      %swap3A_82 = vector.shape_cast %broadcast_in_dim3A_76 : vector<16xf32> to vector<16xf32>
      tpu.vector_store %arg7[%swap3A_79], %swap3A_82 {strides = array<i32>} : memref<640xf32, #tpu.memory_space<vmem>>, vector<16xf32>,
    }
    %scan3A_51 = arith.constant 40 : i32
    %mul3A_52 = arith.constant 640 : i32
    %mul3A_53 = arith.muli %arg1, %mul3A_52 : i32
    "tpu.region"() ({
      %run_scoped3A = tpu.sem_alloc : memref<!tpu.dma_semaphore, #tpu.memory_space<semaphore_mem>>
      %dma_start3A = tpu.memref_slice %arg8[%mul3A_53] : memref<10240xf32, #tpu.memory_space<vmem_shared>> -> memref<640xf32, #tpu.memory_space<vmem_shared>>
      %dma_start3A_74 = tpu.memref_slice %arg8[%mul3A_53] : memref<10240xf32, #tpu.memory_space<vmem_shared>> -> memref<640xf32, #tpu.memory_space<vmem_shared>>
      tpu.enqueue_dma source(%arg7 : memref<640xf32, #tpu.memory_space<vmem>>) target(%dma_start3A_74 : memref<640xf32, #tpu.memory_space<vmem_shared>>) target_semaphore(%run_scoped3A : memref<!tpu.dma_semaphore, #tpu.memory_space<semaphore_mem>>)
      %dma_wait3A = tpu.memref_slice %arg8[%mul3A_53] : memref<10240xf32, #tpu.memory_space<vmem_shared>> -> memref<640xf32, #tpu.memory_space<vmem_shared>>
      %dma_wait3A_75 = tpu.memref_slice %arg8[%mul3A_53] : memref<10240xf32, #tpu.memory_space<vmem_shared>> -> memref<640xf32, #tpu.memory_space<vmem_shared>>
      tpu.wait_dma2 semaphore(%run_scoped3A : memref<!tpu.dma_semaphore, #tpu.memory_space<semaphore_mem>>) src(%arg7 : memref<640xf32, #tpu.memory_space<vmem>>) dst(%dma_wait3A_75 : memref<640xf32, #tpu.memory_space<vmem_shared>>)
      tpu.yield
    }) : () -> ()
    %lt3A = arith.constant 31 : i32
    %lt3A_54 = arith.cmpi slt, %add3A, %lt3A : i32
    %convert_element_type3A = arith.extui %lt3A_54 : i1 to i32
    %cond3A = arith.constant 0 : i32
    %cond3A_55 = arith.cmpi ne, %convert_element_type3A, %cond3A : i32
    scf.if %cond3A_55 {
      %mul3A_74 = arith.constant 80 : i32
      %mul3A_75 = arith.muli %add3A, %mul3A_74 : i32
      "tpu.region"() ({
        %run_scoped3A = tpu.sem_alloc : memref<!tpu.dma_semaphore, #tpu.memory_space<semaphore_mem>>
        %dma_start3A = arith.constant 0 : i32
        %dma_start3A_76 = tpu.memref_slice %arg2[%mul3A_75, %dma_start3A] : memref<2500x128xi32, #tpu.memory_space<hbm>> -> memref<80x128xi32, #tpu.memory_space<hbm>>
        %dma_start3A_77 = arith.constant 0 : i32
        %dma_start3A_78 = tpu.memref_slice %arg2[%mul3A_75, %dma_start3A_77] : memref<2500x128xi32, #tpu.memory_space<hbm>> -> memref<80x128xi32, #tpu.memory_space<hbm>>
        tpu.enqueue_dma source(%dma_start3A_78 : memref<80x128xi32, #tpu.memory_space<hbm>>) target(%arg5 : memref<80x128xi32, #tpu.memory_space<vmem>>) target_semaphore(%run_scoped3A : memref<!tpu.dma_semaphore, #tpu.memory_space<semaphore_mem>>)
        %dma_wait3A = arith.constant 0 : i32
        %dma_wait3A_79 = tpu.memref_slice %arg2[%mul3A_75, %dma_wait3A] : memref<2500x128xi32, #tpu.memory_space<hbm>> -> memref<80x128xi32, #tpu.memory_space<hbm>>
        %dma_wait3A_80 = arith.constant 0 : i32
        %dma_wait3A_81 = tpu.memref_slice %arg2[%mul3A_75, %dma_wait3A_80] : memref<2500x128xi32, #tpu.memory_space<hbm>> -> memref<80x128xi32, #tpu.memory_space<hbm>>
        tpu.wait_dma2 semaphore(%run_scoped3A : memref<!tpu.dma_semaphore, #tpu.memory_space<semaphore_mem>>) src(%dma_wait3A_81 : memref<80x128xi32, #tpu.memory_space<hbm>>) dst(%arg5 : memref<80x128xi32, #tpu.memory_space<vmem>>)
        tpu.yield
      }) : () -> ()
    } else {
    }
    %eq3A = arith.constant 31 : i32
    %eq3A_56 = arith.cmpi eq, %add3A, %eq3A : i32
    %convert_element_type3A_57 = arith.extui %eq3A_56 : i1 to i32
    %cond3A_58 = arith.constant 0 : i32
    %cond3A_59 = arith.cmpi ne, %convert_element_type3A_57, %cond3A_58 : i32
    scf.if %cond3A_59 {
      "tpu.region"() ({
        %run_scoped3A = tpu.sem_alloc : memref<!tpu.dma_semaphore, #tpu.memory_space<semaphore_mem>>
        %dma_start3A = arith.constant 0 : i32
        %dma_start3A_74 = arith.constant 0 : i32
        %dma_start3A_75 = tpu.memref_slice %arg5[%dma_start3A, %dma_start3A_74] : memref<80x128xi32, #tpu.memory_space<vmem>> -> memref<20x128xi32, #tpu.memory_space<vmem>>
        %dma_start3A_76 = arith.constant 2480 : i32
        %dma_start3A_77 = arith.constant 0 : i32
        %dma_start3A_78 = tpu.memref_slice %arg2[%dma_start3A_76, %dma_start3A_77] : memref<2500x128xi32, #tpu.memory_space<hbm>> -> memref<20x128xi32, #tpu.memory_space<hbm>>
        %dma_start3A_79 = arith.constant 0 : i32
        %dma_start3A_80 = arith.constant 0 : i32
        %dma_start3A_81 = tpu.memref_slice %arg5[%dma_start3A_79, %dma_start3A_80] : memref<80x128xi32, #tpu.memory_space<vmem>> -> memref<20x128xi32, #tpu.memory_space<vmem>>
        %dma_start3A_82 = arith.constant 2480 : i32
        %dma_start3A_83 = arith.constant 0 : i32
        %dma_start3A_84 = tpu.memref_slice %arg2[%dma_start3A_82, %dma_start3A_83] : memref<2500x128xi32, #tpu.memory_space<hbm>> -> memref<20x128xi32, #tpu.memory_space<hbm>>
        tpu.enqueue_dma source(%dma_start3A_84 : memref<20x128xi32, #tpu.memory_space<hbm>>) target(%dma_start3A_81 : memref<20x128xi32, #tpu.memory_space<vmem>>) target_semaphore(%run_scoped3A : memref<!tpu.dma_semaphore, #tpu.memory_space<semaphore_mem>>)
        %dma_wait3A = arith.constant 0 : i32
        %dma_wait3A_85 = arith.constant 0 : i32
        %dma_wait3A_86 = tpu.memref_slice %arg5[%dma_wait3A, %dma_wait3A_85] : memref<80x128xi32, #tpu.memory_space<vmem>> -> memref<20x128xi32, #tpu.memory_space<vmem>>
        %dma_wait3A_87 = arith.constant 2480 : i32
        %dma_wait3A_88 = arith.constant 0 : i32
        %dma_wait3A_89 = tpu.memref_slice %arg2[%dma_wait3A_87, %dma_wait3A_88] : memref<2500x128xi32, #tpu.memory_space<hbm>> -> memref<20x128xi32, #tpu.memory_space<hbm>>
        %dma_wait3A_90 = arith.constant 0 : i32
        %dma_wait3A_91 = arith.constant 0 : i32
        %dma_wait3A_92 = tpu.memref_slice %arg5[%dma_wait3A_90, %dma_wait3A_91] : memref<80x128xi32, #tpu.memory_space<vmem>> -> memref<20x128xi32, #tpu.memory_space<vmem>>
        %dma_wait3A_93 = arith.constant 2480 : i32
        %dma_wait3A_94 = arith.constant 0 : i32
        %dma_wait3A_95 = tpu.memref_slice %arg2[%dma_wait3A_93, %dma_wait3A_94] : memref<2500x128xi32, #tpu.memory_space<hbm>> -> memref<20x128xi32, #tpu.memory_space<hbm>>
        tpu.wait_dma2 semaphore(%run_scoped3A : memref<!tpu.dma_semaphore, #tpu.memory_space<semaphore_mem>>) src(%dma_wait3A_95 : memref<20x128xi32, #tpu.memory_space<hbm>>) dst(%dma_wait3A_92 : memref<20x128xi32, #tpu.memory_space<vmem>>)
        tpu.yield
      }) : () -> ()
      "tpu.region"() ({
        %run_scoped3A = tpu.sem_alloc : memref<!tpu.dma_semaphore, #tpu.memory_space<semaphore_mem>>
        %dma_start3A = arith.constant 20 : i32
        %dma_start3A_74 = arith.constant 0 : i32
        %dma_start3A_75 = tpu.memref_slice %arg5[%dma_start3A, %dma_start3A_74] : memref<80x128xi32, #tpu.memory_space<vmem>> -> memref<60x128xi32, #tpu.memory_space<vmem>>
        %dma_start3A_76 = arith.constant 20 : i32
        %dma_start3A_77 = arith.constant 0 : i32
        %dma_start3A_78 = tpu.memref_slice %arg5[%dma_start3A_76, %dma_start3A_77] : memref<80x128xi32, #tpu.memory_space<vmem>> -> memref<60x128xi32, #tpu.memory_space<vmem>>
        tpu.enqueue_dma source(%arg3 : memref<60x128xi32, #tpu.memory_space<hbm>>) target(%dma_start3A_78 : memref<60x128xi32, #tpu.memory_space<vmem>>) target_semaphore(%run_scoped3A : memref<!tpu.dma_semaphore, #tpu.memory_space<semaphore_mem>>)
        %dma_wait3A = arith.constant 20 : i32
        %dma_wait3A_79 = arith.constant 0 : i32
        %dma_wait3A_80 = tpu.memref_slice %arg5[%dma_wait3A, %dma_wait3A_79] : memref<80x128xi32, #tpu.memory_space<vmem>> -> memref<60x128xi32, #tpu.memory_space<vmem>>
        %dma_wait3A_81 = arith.constant 20 : i32
        %dma_wait3A_82 = arith.constant 0 : i32
        %dma_wait3A_83 = tpu.memref_slice %arg5[%dma_wait3A_81, %dma_wait3A_82] : memref<80x128xi32, #tpu.memory_space<vmem>> -> memref<60x128xi32, #tpu.memory_space<vmem>>
        tpu.wait_dma2 semaphore(%run_scoped3A : memref<!tpu.dma_semaphore, #tpu.memory_space<semaphore_mem>>) src(%arg3 : memref<60x128xi32, #tpu.memory_space<hbm>>) dst(%dma_wait3A_83 : memref<60x128xi32, #tpu.memory_space<vmem>>)
        tpu.yield
      }) : () -> ()
    } else {
    }
    %barrier3A = arith.constant 0 : index
    tpu.barrier barrier_id(%barrier3A)
    %scan3A_60 = arith.constant 0 : i32
    %scan3A_61 = arith.constant 0 : i32
    %scan3A_62 = arith.constant 80 : i32
    %scan3A_63 = arith.addi %scan3A_61, %scan3A_62 : i32
    %scan3A_64 = arith.constant 1 : i32
    scf.for %scan3A_74 = %scan3A_61 to %scan3A_63 step %scan3A_64  : i32 {
      "tpu.region"() ({
        %run_scoped3A = tpu.sem_alloc : memref<!tpu.dma_semaphore, #tpu.memory_space<semaphore_mem>>
        %dma_start3A = arith.constant 0 : i32
        %dma_start3A_75 = tpu.memref_slice %arg5[%scan3A_74, %dma_start3A] : memref<80x128xi32, #tpu.memory_space<vmem>> -> memref<1x128xi32, #tpu.memory_space<vmem>>
        %dma_start3A_76 = tpu.memref_squeeze %dma_start3A_75 : memref<1x128xi32, #tpu.memory_space<vmem>> -> memref<128xi32, #tpu.memory_space<vmem>>
        %dma_start3A_77 = arith.constant 0 : i32
        %dma_start3A_78 = tpu.memref_slice %arg8[%dma_start3A_77] : memref<10240xf32, #tpu.memory_space<vmem_shared>> -> memref<10240xf32, #tpu.memory_space<vmem_shared>>
        tpu.enqueue_indirect_dma source(%arg6 : memref<128xf32, #tpu.memory_space<vmem>>) target(%dma_start3A_78 : memref<10240xf32, #tpu.memory_space<vmem_shared>>) offsets(%dma_start3A_76 : memref<128xi32, #tpu.memory_space<vmem>>) semaphore(%run_scoped3A : memref<!tpu.dma_semaphore, #tpu.memory_space<semaphore_mem>>) {add = true}
        %dma_wait3A = arith.constant 0 : i32
        %dma_wait3A_79 = tpu.memref_slice %arg5[%scan3A_74, %dma_wait3A] : memref<80x128xi32, #tpu.memory_space<vmem>> -> memref<1x128xi32, #tpu.memory_space<vmem>>
        %dma_wait3A_80 = tpu.memref_squeeze %dma_wait3A_79 : memref<1x128xi32, #tpu.memory_space<vmem>> -> memref<128xi32, #tpu.memory_space<vmem>>
        %dma_wait3A_81 = arith.constant 0 : i32
        %dma_wait3A_82 = tpu.memref_slice %arg8[%dma_wait3A_81] : memref<10240xf32, #tpu.memory_space<vmem_shared>> -> memref<10240xf32, #tpu.memory_space<vmem_shared>>
        tpu.wait_indirect_dma semaphore(%run_scoped3A : memref<!tpu.dma_semaphore, #tpu.memory_space<semaphore_mem>>) src(%arg6 : memref<128xf32, #tpu.memory_space<vmem>>) dst(%dma_wait3A_82 : memref<10240xf32, #tpu.memory_space<vmem_shared>>)
        tpu.yield
      }) : () -> ()
    }
    %scan3A_65 = arith.constant 80 : i32
    %barrier3A_66 = arith.constant 0 : index
    tpu.barrier barrier_id(%barrier3A_66)
    %mul3A_67 = arith.constant 640 : i32
    %mul3A_68 = arith.muli %arg1, %mul3A_67 : i32
    "tpu.region"() ({
      %run_scoped3A = tpu.sem_alloc : memref<!tpu.dma_semaphore, #tpu.memory_space<semaphore_mem>>
      %dma_start3A = tpu.memref_slice %arg8[%mul3A_68] : memref<10240xf32, #tpu.memory_space<vmem_shared>> -> memref<640xf32, #tpu.memory_space<vmem_shared>>
      %dma_start3A_74 = tpu.memref_slice %arg8[%mul3A_68] : memref<10240xf32, #tpu.memory_space<vmem_shared>> -> memref<640xf32, #tpu.memory_space<vmem_shared>>
      tpu.enqueue_dma source(%dma_start3A_74 : memref<640xf32, #tpu.memory_space<vmem_shared>>) target(%arg7 : memref<640xf32, #tpu.memory_space<vmem>>) target_semaphore(%run_scoped3A : memref<!tpu.dma_semaphore, #tpu.memory_space<semaphore_mem>>)
      %dma_wait3A = tpu.memref_slice %arg8[%mul3A_68] : memref<10240xf32, #tpu.memory_space<vmem_shared>> -> memref<640xf32, #tpu.memory_space<vmem_shared>>
      %dma_wait3A_75 = tpu.memref_slice %arg8[%mul3A_68] : memref<10240xf32, #tpu.memory_space<vmem_shared>> -> memref<640xf32, #tpu.memory_space<vmem_shared>>
      tpu.wait_dma2 semaphore(%run_scoped3A : memref<!tpu.dma_semaphore, #tpu.memory_space<semaphore_mem>>) src(%dma_wait3A_75 : memref<640xf32, #tpu.memory_space<vmem_shared>>) dst(%arg7 : memref<640xf32, #tpu.memory_space<vmem>>)
      tpu.yield
    }) : () -> ()
    %mul3A_69 = arith.constant 10240 : i32
    %mul3A_70 = arith.muli %arg0, %mul3A_69 : i32
    %mul3A_71 = arith.constant 640 : i32
    %mul3A_72 = arith.muli %arg1, %mul3A_71 : i32
    %add3A_73 = arith.addi %mul3A_70, %mul3A_72 : i32
    "tpu.region"() ({
      %run_scoped3A = tpu.sem_alloc : memref<!tpu.dma_semaphore, #tpu.memory_space<semaphore_mem>>
      %dma_start3A = tpu.memref_slice %arg4[%add3A_73] : memref<20480xf32, #tpu.memory_space<hbm>> -> memref<640xf32, #tpu.memory_space<hbm>>
      %dma_start3A_74 = tpu.memref_slice %arg4[%add3A_73] : memref<20480xf32, #tpu.memory_space<hbm>> -> memref<640xf32, #tpu.memory_space<hbm>>
      tpu.enqueue_dma source(%arg7 : memref<640xf32, #tpu.memory_space<vmem>>) target(%dma_start3A_74 : memref<640xf32, #tpu.memory_space<hbm>>) target_semaphore(%run_scoped3A : memref<!tpu.dma_semaphore, #tpu.memory_space<semaphore_mem>>)
      %dma_wait3A = tpu.memref_slice %arg4[%add3A_73] : memref<20480xf32, #tpu.memory_space<hbm>> -> memref<640xf32, #tpu.memory_space<hbm>>
      %dma_wait3A_75 = tpu.memref_slice %arg4[%add3A_73] : memref<20480xf32, #tpu.memory_space<hbm>> -> memref<640xf32, #tpu.memory_space<hbm>>
      tpu.wait_dma2 semaphore(%run_scoped3A : memref<!tpu.dma_semaphore, #tpu.memory_space<semaphore_mem>>) src(%arg7 : memref<640xf32, #tpu.memory_space<vmem>>) dst(%dma_wait3A_75 : memref<640xf32, #tpu.memory_space<hbm>>)
      tpu.yield
    }) : () -> ()
    return
  }
}

#map = affine_map<(d0, d1) -> (0, 0)>
module attributes {stable_mosaic.version = 14 : i64} {
  func.func @_agg(%arg0: i32, %arg1: i32, %arg2: memref<20000x64xf32, #tpu.memory_space<hbm>>, %arg3: memref<2500x128xi32, #tpu.memory_space<hbm>>, %arg4: memref<2500x128xi32, #tpu.memory_space<hbm>>, %arg5: memref<60x128xi32, #tpu.memory_space<hbm>>, %arg6: memref<60x128xi32, #tpu.memory_space<hbm>>, %arg7: memref<20480x64xf32, #tpu.memory_space<hbm>>, %arg8: memref<160x128xi32, #tpu.memory_space<vmem>>, %arg9: memref<160x128xi32, #tpu.memory_space<vmem>>, %arg10: memref<128x64xf32, #tpu.memory_space<vmem>>, %arg11: memref<128x64xf32, #tpu.memory_space<vmem>>, %arg12: memref<128x64xf32, #tpu.memory_space<vmem>>, %arg13: memref<128x64xf32, #tpu.memory_space<vmem>>, %arg14: memref<128x64xf32, #tpu.memory_space<vmem>>, %arg15: memref<10240x64xf32, #tpu.memory_space<vmem_shared>>, %arg16: memref<!tpu.dma_semaphore, #tpu.memory_space<semaphore_mem>>, %arg17: memref<!tpu.dma_semaphore, #tpu.memory_space<semaphore_mem>>) attributes {dimension_semantics = [#tpu.dimension_semantics<core_parallel>, #tpu.dimension_semantics<subcore_parallel>], iteration_bounds = array<i64: 2, 16>, scalar_prefetch = 0 : i64, scratch_operands = 10 : i64, tpu.core_type = #tpu.core_type<sc_vector_subcore>, window_params = [{transform_indices = #map}, {transform_indices = #map}, {transform_indices = #map}, {transform_indices = #map}, {transform_indices = #map}, {transform_indices = #map}]} {
    %scan3A = arith.constant 0 : i32
    %scan3A_0 = arith.constant 0 : i32
    %scan3A_1 = arith.constant 128 : i32
    %scan3A_2 = arith.addi %scan3A_0, %scan3A_1 : i32
    %scan3A_3 = arith.constant 1 : i32
    scf.for %scan3A_155 = %scan3A_0 to %scan3A_2 step %scan3A_3  : i32 {
      %broadcast_in_dim3A = arith.constant 0.000000e+00 : f32
      %broadcast_in_dim3A_156 = vector.broadcast %broadcast_in_dim3A : f32 to vector<16xf32>
      %swap3A = arith.index_cast %scan3A_155 : i32 to index
      %swap3A_157 = arith.constant 0 : index
      %swap3A_158 = tpu.vector_load %arg10[%swap3A, %swap3A_157] {strides = array<i32>} : memref<128x64xf32, #tpu.memory_space<vmem>>, vector<1x16xf32>,
      %swap3A_159 = vector.shape_cast %swap3A_158 : vector<1x16xf32> to vector<16xf32>
      %swap3A_160 = vector.shape_cast %broadcast_in_dim3A_156 : vector<16xf32> to vector<1x16xf32>
      tpu.vector_store %arg10[%swap3A, %swap3A_157], %swap3A_160 {strides = array<i32>} : memref<128x64xf32, #tpu.memory_space<vmem>>, vector<1x16xf32>,
      %broadcast_in_dim3A_161 = arith.constant 0.000000e+00 : f32
      %broadcast_in_dim3A_162 = vector.broadcast %broadcast_in_dim3A_161 : f32 to vector<16xf32>
      %swap3A_163 = arith.index_cast %scan3A_155 : i32 to index
      %swap3A_164 = arith.constant 16 : index
      %swap3A_165 = tpu.vector_load %arg10[%swap3A_163, %swap3A_164] {strides = array<i32>} : memref<128x64xf32, #tpu.memory_space<vmem>>, vector<1x16xf32>,
      %swap3A_166 = vector.shape_cast %swap3A_165 : vector<1x16xf32> to vector<16xf32>
      %swap3A_167 = vector.shape_cast %broadcast_in_dim3A_162 : vector<16xf32> to vector<1x16xf32>
      tpu.vector_store %arg10[%swap3A_163, %swap3A_164], %swap3A_167 {strides = array<i32>} : memref<128x64xf32, #tpu.memory_space<vmem>>, vector<1x16xf32>,
      %broadcast_in_dim3A_168 = arith.constant 0.000000e+00 : f32
      %broadcast_in_dim3A_169 = vector.broadcast %broadcast_in_dim3A_168 : f32 to vector<16xf32>
      %swap3A_170 = arith.index_cast %scan3A_155 : i32 to index
      %swap3A_171 = arith.constant 32 : index
      %swap3A_172 = tpu.vector_load %arg10[%swap3A_170, %swap3A_171] {strides = array<i32>} : memref<128x64xf32, #tpu.memory_space<vmem>>, vector<1x16xf32>,
      %swap3A_173 = vector.shape_cast %swap3A_172 : vector<1x16xf32> to vector<16xf32>
      %swap3A_174 = vector.shape_cast %broadcast_in_dim3A_169 : vector<16xf32> to vector<1x16xf32>
      tpu.vector_store %arg10[%swap3A_170, %swap3A_171], %swap3A_174 {strides = array<i32>} : memref<128x64xf32, #tpu.memory_space<vmem>>, vector<1x16xf32>,
      %broadcast_in_dim3A_175 = arith.constant 0.000000e+00 : f32
      %broadcast_in_dim3A_176 = vector.broadcast %broadcast_in_dim3A_175 : f32 to vector<16xf32>
      %swap3A_177 = arith.index_cast %scan3A_155 : i32 to index
      %swap3A_178 = arith.constant 48 : index
      %swap3A_179 = tpu.vector_load %arg10[%swap3A_177, %swap3A_178] {strides = array<i32>} : memref<128x64xf32, #tpu.memory_space<vmem>>, vector<1x16xf32>,
      %swap3A_180 = vector.shape_cast %swap3A_179 : vector<1x16xf32> to vector<16xf32>
      %swap3A_181 = vector.shape_cast %broadcast_in_dim3A_176 : vector<16xf32> to vector<1x16xf32>
      tpu.vector_store %arg10[%swap3A_177, %swap3A_178], %swap3A_181 {strides = array<i32>} : memref<128x64xf32, #tpu.memory_space<vmem>>, vector<1x16xf32>,
    }
    %scan3A_4 = arith.constant 128 : i32
    %mul3A = arith.constant 640 : i32
    %mul3A_5 = arith.muli %arg1, %mul3A : i32
    %add3A = arith.constant 0 : i32
    %add3A_6 = arith.addi %mul3A_5, %add3A : i32
    "tpu.region"() ({
      %run_scoped3A = tpu.sem_alloc : memref<!tpu.dma_semaphore, #tpu.memory_space<semaphore_mem>>
      %dma_start3A_155 = arith.constant 0 : i32
      %dma_start3A_156 = tpu.memref_slice %arg15[%add3A_6, %dma_start3A_155] : memref<10240x64xf32, #tpu.memory_space<vmem_shared>> -> memref<128x64xf32, #tpu.memory_space<vmem_shared>>
      %dma_start3A_157 = arith.constant 0 : i32
      %dma_start3A_158 = tpu.memref_slice %arg15[%add3A_6, %dma_start3A_157] : memref<10240x64xf32, #tpu.memory_space<vmem_shared>> -> memref<128x64xf32, #tpu.memory_space<vmem_shared>>
      tpu.enqueue_dma source(%arg10 : memref<128x64xf32, #tpu.memory_space<vmem>>) target(%dma_start3A_158 : memref<128x64xf32, #tpu.memory_space<vmem_shared>>) target_semaphore(%run_scoped3A : memref<!tpu.dma_semaphore, #tpu.memory_space<semaphore_mem>>)
      %dma_wait3A_159 = arith.constant 0 : i32
      %dma_wait3A_160 = tpu.memref_slice %arg15[%add3A_6, %dma_wait3A_159] : memref<10240x64xf32, #tpu.memory_space<vmem_shared>> -> memref<128x64xf32, #tpu.memory_space<vmem_shared>>
      %dma_wait3A_161 = arith.constant 0 : i32
      %dma_wait3A_162 = tpu.memref_slice %arg15[%add3A_6, %dma_wait3A_161] : memref<10240x64xf32, #tpu.memory_space<vmem_shared>> -> memref<128x64xf32, #tpu.memory_space<vmem_shared>>
      tpu.wait_dma2 semaphore(%run_scoped3A : memref<!tpu.dma_semaphore, #tpu.memory_space<semaphore_mem>>) src(%arg10 : memref<128x64xf32, #tpu.memory_space<vmem>>) dst(%dma_wait3A_162 : memref<128x64xf32, #tpu.memory_space<vmem_shared>>)
      tpu.yield
    }) : () -> ()
    %mul3A_7 = arith.constant 640 : i32
    %mul3A_8 = arith.muli %arg1, %mul3A_7 : i32
    %add3A_9 = arith.constant 128 : i32
    %add3A_10 = arith.addi %mul3A_8, %add3A_9 : i32
    "tpu.region"() ({
      %run_scoped3A = tpu.sem_alloc : memref<!tpu.dma_semaphore, #tpu.memory_space<semaphore_mem>>
      %dma_start3A_155 = arith.constant 0 : i32
      %dma_start3A_156 = tpu.memref_slice %arg15[%add3A_10, %dma_start3A_155] : memref<10240x64xf32, #tpu.memory_space<vmem_shared>> -> memref<128x64xf32, #tpu.memory_space<vmem_shared>>
      %dma_start3A_157 = arith.constant 0 : i32
      %dma_start3A_158 = tpu.memref_slice %arg15[%add3A_10, %dma_start3A_157] : memref<10240x64xf32, #tpu.memory_space<vmem_shared>> -> memref<128x64xf32, #tpu.memory_space<vmem_shared>>
      tpu.enqueue_dma source(%arg10 : memref<128x64xf32, #tpu.memory_space<vmem>>) target(%dma_start3A_158 : memref<128x64xf32, #tpu.memory_space<vmem_shared>>) target_semaphore(%run_scoped3A : memref<!tpu.dma_semaphore, #tpu.memory_space<semaphore_mem>>)
      %dma_wait3A_159 = arith.constant 0 : i32
      %dma_wait3A_160 = tpu.memref_slice %arg15[%add3A_10, %dma_wait3A_159] : memref<10240x64xf32, #tpu.memory_space<vmem_shared>> -> memref<128x64xf32, #tpu.memory_space<vmem_shared>>
      %dma_wait3A_161 = arith.constant 0 : i32
      %dma_wait3A_162 = tpu.memref_slice %arg15[%add3A_10, %dma_wait3A_161] : memref<10240x64xf32, #tpu.memory_space<vmem_shared>> -> memref<128x64xf32, #tpu.memory_space<vmem_shared>>
      tpu.wait_dma2 semaphore(%run_scoped3A : memref<!tpu.dma_semaphore, #tpu.memory_space<semaphore_mem>>) src(%arg10 : memref<128x64xf32, #tpu.memory_space<vmem>>) dst(%dma_wait3A_162 : memref<128x64xf32, #tpu.memory_space<vmem_shared>>)
      tpu.yield
    }) : () -> ()
    %mul3A_11 = arith.constant 640 : i32
    %mul3A_12 = arith.muli %arg1, %mul3A_11 : i32
    %add3A_13 = arith.constant 256 : i32
    %add3A_14 = arith.addi %mul3A_12, %add3A_13 : i32
    "tpu.region"() ({
      %run_scoped3A = tpu.sem_alloc : memref<!tpu.dma_semaphore, #tpu.memory_space<semaphore_mem>>
      %dma_start3A_155 = arith.constant 0 : i32
      %dma_start3A_156 = tpu.memref_slice %arg15[%add3A_14, %dma_start3A_155] : memref<10240x64xf32, #tpu.memory_space<vmem_shared>> -> memref<128x64xf32, #tpu.memory_space<vmem_shared>>
      %dma_start3A_157 = arith.constant 0 : i32
      %dma_start3A_158 = tpu.memref_slice %arg15[%add3A_14, %dma_start3A_157] : memref<10240x64xf32, #tpu.memory_space<vmem_shared>> -> memref<128x64xf32, #tpu.memory_space<vmem_shared>>
      tpu.enqueue_dma source(%arg10 : memref<128x64xf32, #tpu.memory_space<vmem>>) target(%dma_start3A_158 : memref<128x64xf32, #tpu.memory_space<vmem_shared>>) target_semaphore(%run_scoped3A : memref<!tpu.dma_semaphore, #tpu.memory_space<semaphore_mem>>)
      %dma_wait3A_159 = arith.constant 0 : i32
      %dma_wait3A_160 = tpu.memref_slice %arg15[%add3A_14, %dma_wait3A_159] : memref<10240x64xf32, #tpu.memory_space<vmem_shared>> -> memref<128x64xf32, #tpu.memory_space<vmem_shared>>
      %dma_wait3A_161 = arith.constant 0 : i32
      %dma_wait3A_162 = tpu.memref_slice %arg15[%add3A_14, %dma_wait3A_161] : memref<10240x64xf32, #tpu.memory_space<vmem_shared>> -> memref<128x64xf32, #tpu.memory_space<vmem_shared>>
      tpu.wait_dma2 semaphore(%run_scoped3A : memref<!tpu.dma_semaphore, #tpu.memory_space<semaphore_mem>>) src(%arg10 : memref<128x64xf32, #tpu.memory_space<vmem>>) dst(%dma_wait3A_162 : memref<128x64xf32, #tpu.memory_space<vmem_shared>>)
      tpu.yield
    }) : () -> ()
    %mul3A_15 = arith.constant 640 : i32
    %mul3A_16 = arith.muli %arg1, %mul3A_15 : i32
    %add3A_17 = arith.constant 384 : i32
    %add3A_18 = arith.addi %mul3A_16, %add3A_17 : i32
    "tpu.region"() ({
      %run_scoped3A = tpu.sem_alloc : memref<!tpu.dma_semaphore, #tpu.memory_space<semaphore_mem>>
      %dma_start3A_155 = arith.constant 0 : i32
      %dma_start3A_156 = tpu.memref_slice %arg15[%add3A_18, %dma_start3A_155] : memref<10240x64xf32, #tpu.memory_space<vmem_shared>> -> memref<128x64xf32, #tpu.memory_space<vmem_shared>>
      %dma_start3A_157 = arith.constant 0 : i32
      %dma_start3A_158 = tpu.memref_slice %arg15[%add3A_18, %dma_start3A_157] : memref<10240x64xf32, #tpu.memory_space<vmem_shared>> -> memref<128x64xf32, #tpu.memory_space<vmem_shared>>
      tpu.enqueue_dma source(%arg10 : memref<128x64xf32, #tpu.memory_space<vmem>>) target(%dma_start3A_158 : memref<128x64xf32, #tpu.memory_space<vmem_shared>>) target_semaphore(%run_scoped3A : memref<!tpu.dma_semaphore, #tpu.memory_space<semaphore_mem>>)
      %dma_wait3A_159 = arith.constant 0 : i32
      %dma_wait3A_160 = tpu.memref_slice %arg15[%add3A_18, %dma_wait3A_159] : memref<10240x64xf32, #tpu.memory_space<vmem_shared>> -> memref<128x64xf32, #tpu.memory_space<vmem_shared>>
      %dma_wait3A_161 = arith.constant 0 : i32
      %dma_wait3A_162 = tpu.memref_slice %arg15[%add3A_18, %dma_wait3A_161] : memref<10240x64xf32, #tpu.memory_space<vmem_shared>> -> memref<128x64xf32, #tpu.memory_space<vmem_shared>>
      tpu.wait_dma2 semaphore(%run_scoped3A : memref<!tpu.dma_semaphore, #tpu.memory_space<semaphore_mem>>) src(%arg10 : memref<128x64xf32, #tpu.memory_space<vmem>>) dst(%dma_wait3A_162 : memref<128x64xf32, #tpu.memory_space<vmem_shared>>)
      tpu.yield
    }) : () -> ()
    %mul3A_19 = arith.constant 640 : i32
    %mul3A_20 = arith.muli %arg1, %mul3A_19 : i32
    %add3A_21 = arith.constant 512 : i32
    %add3A_22 = arith.addi %mul3A_20, %add3A_21 : i32
    "tpu.region"() ({
      %run_scoped3A = tpu.sem_alloc : memref<!tpu.dma_semaphore, #tpu.memory_space<semaphore_mem>>
      %dma_start3A_155 = arith.constant 0 : i32
      %dma_start3A_156 = tpu.memref_slice %arg15[%add3A_22, %dma_start3A_155] : memref<10240x64xf32, #tpu.memory_space<vmem_shared>> -> memref<128x64xf32, #tpu.memory_space<vmem_shared>>
      %dma_start3A_157 = arith.constant 0 : i32
      %dma_start3A_158 = tpu.memref_slice %arg15[%add3A_22, %dma_start3A_157] : memref<10240x64xf32, #tpu.memory_space<vmem_shared>> -> memref<128x64xf32, #tpu.memory_space<vmem_shared>>
      tpu.enqueue_dma source(%arg10 : memref<128x64xf32, #tpu.memory_space<vmem>>) target(%dma_start3A_158 : memref<128x64xf32, #tpu.memory_space<vmem_shared>>) target_semaphore(%run_scoped3A : memref<!tpu.dma_semaphore, #tpu.memory_space<semaphore_mem>>)
      %dma_wait3A_159 = arith.constant 0 : i32
      %dma_wait3A_160 = tpu.memref_slice %arg15[%add3A_22, %dma_wait3A_159] : memref<10240x64xf32, #tpu.memory_space<vmem_shared>> -> memref<128x64xf32, #tpu.memory_space<vmem_shared>>
      %dma_wait3A_161 = arith.constant 0 : i32
      %dma_wait3A_162 = tpu.memref_slice %arg15[%add3A_22, %dma_wait3A_161] : memref<10240x64xf32, #tpu.memory_space<vmem_shared>> -> memref<128x64xf32, #tpu.memory_space<vmem_shared>>
      tpu.wait_dma2 semaphore(%run_scoped3A : memref<!tpu.dma_semaphore, #tpu.memory_space<semaphore_mem>>) src(%arg10 : memref<128x64xf32, #tpu.memory_space<vmem>>) dst(%dma_wait3A_162 : memref<128x64xf32, #tpu.memory_space<vmem_shared>>)
      tpu.yield
    }) : () -> ()
    %lt3A = arith.constant 15 : i32
    %lt3A_23 = arith.cmpi slt, %arg1, %lt3A : i32
    %convert_element_type3A = arith.extui %lt3A_23 : i1 to i32
    %cond3A = arith.constant 0 : i32
    %cond3A_24 = arith.cmpi ne, %convert_element_type3A, %cond3A : i32
    scf.if %cond3A_24 {
      %mul3A_155 = arith.constant 160 : i32
      %mul3A_156 = arith.muli %arg1, %mul3A_155 : i32
      "tpu.region"() ({
        %run_scoped3A = tpu.sem_alloc : memref<!tpu.dma_semaphore, #tpu.memory_space<semaphore_mem>>
        %dma_start3A_157 = arith.constant 0 : i32
        %dma_start3A_158 = tpu.memref_slice %arg3[%mul3A_156, %dma_start3A_157] : memref<2500x128xi32, #tpu.memory_space<hbm>> -> memref<160x128xi32, #tpu.memory_space<hbm>>
        %dma_start3A_159 = arith.constant 0 : i32
        %dma_start3A_160 = tpu.memref_slice %arg3[%mul3A_156, %dma_start3A_159] : memref<2500x128xi32, #tpu.memory_space<hbm>> -> memref<160x128xi32, #tpu.memory_space<hbm>>
        tpu.enqueue_dma source(%dma_start3A_160 : memref<160x128xi32, #tpu.memory_space<hbm>>) target(%arg8 : memref<160x128xi32, #tpu.memory_space<vmem>>) target_semaphore(%run_scoped3A : memref<!tpu.dma_semaphore, #tpu.memory_space<semaphore_mem>>)
        %dma_wait3A_161 = arith.constant 0 : i32
        %dma_wait3A_162 = tpu.memref_slice %arg3[%mul3A_156, %dma_wait3A_161] : memref<2500x128xi32, #tpu.memory_space<hbm>> -> memref<160x128xi32, #tpu.memory_space<hbm>>
        %dma_wait3A_163 = arith.constant 0 : i32
        %dma_wait3A_164 = tpu.memref_slice %arg3[%mul3A_156, %dma_wait3A_163] : memref<2500x128xi32, #tpu.memory_space<hbm>> -> memref<160x128xi32, #tpu.memory_space<hbm>>
        tpu.wait_dma2 semaphore(%run_scoped3A : memref<!tpu.dma_semaphore, #tpu.memory_space<semaphore_mem>>) src(%dma_wait3A_164 : memref<160x128xi32, #tpu.memory_space<hbm>>) dst(%arg8 : memref<160x128xi32, #tpu.memory_space<vmem>>)
        tpu.yield
      }) : () -> ()
    } else {
    }
    %eq3A = arith.constant 15 : i32
    %eq3A_25 = arith.cmpi eq, %arg1, %eq3A : i32
    %convert_element_type3A_26 = arith.extui %eq3A_25 : i1 to i32
    %cond3A_27 = arith.constant 0 : i32
    %cond3A_28 = arith.cmpi ne, %convert_element_type3A_26, %cond3A_27 : i32
    scf.if %cond3A_28 {
      "tpu.region"() ({
        %run_scoped3A = tpu.sem_alloc : memref<!tpu.dma_semaphore, #tpu.memory_space<semaphore_mem>>
        %dma_start3A_155 = arith.constant 0 : i32
        %dma_start3A_156 = arith.constant 0 : i32
        %dma_start3A_157 = tpu.memref_slice %arg8[%dma_start3A_155, %dma_start3A_156] : memref<160x128xi32, #tpu.memory_space<vmem>> -> memref<100x128xi32, #tpu.memory_space<vmem>>
        %dma_start3A_158 = arith.constant 2400 : i32
        %dma_start3A_159 = arith.constant 0 : i32
        %dma_start3A_160 = tpu.memref_slice %arg3[%dma_start3A_158, %dma_start3A_159] : memref<2500x128xi32, #tpu.memory_space<hbm>> -> memref<100x128xi32, #tpu.memory_space<hbm>>
        %dma_start3A_161 = arith.constant 0 : i32
        %dma_start3A_162 = arith.constant 0 : i32
        %dma_start3A_163 = tpu.memref_slice %arg8[%dma_start3A_161, %dma_start3A_162] : memref<160x128xi32, #tpu.memory_space<vmem>> -> memref<100x128xi32, #tpu.memory_space<vmem>>
        %dma_start3A_164 = arith.constant 2400 : i32
        %dma_start3A_165 = arith.constant 0 : i32
        %dma_start3A_166 = tpu.memref_slice %arg3[%dma_start3A_164, %dma_start3A_165] : memref<2500x128xi32, #tpu.memory_space<hbm>> -> memref<100x128xi32, #tpu.memory_space<hbm>>
        tpu.enqueue_dma source(%dma_start3A_166 : memref<100x128xi32, #tpu.memory_space<hbm>>) target(%dma_start3A_163 : memref<100x128xi32, #tpu.memory_space<vmem>>) target_semaphore(%run_scoped3A : memref<!tpu.dma_semaphore, #tpu.memory_space<semaphore_mem>>)
        %dma_wait3A_167 = arith.constant 0 : i32
        %dma_wait3A_168 = arith.constant 0 : i32
        %dma_wait3A_169 = tpu.memref_slice %arg8[%dma_wait3A_167, %dma_wait3A_168] : memref<160x128xi32, #tpu.memory_space<vmem>> -> memref<100x128xi32, #tpu.memory_space<vmem>>
        %dma_wait3A_170 = arith.constant 2400 : i32
        %dma_wait3A_171 = arith.constant 0 : i32
        %dma_wait3A_172 = tpu.memref_slice %arg3[%dma_wait3A_170, %dma_wait3A_171] : memref<2500x128xi32, #tpu.memory_space<hbm>> -> memref<100x128xi32, #tpu.memory_space<hbm>>
        %dma_wait3A_173 = arith.constant 0 : i32
        %dma_wait3A_174 = arith.constant 0 : i32
        %dma_wait3A_175 = tpu.memref_slice %arg8[%dma_wait3A_173, %dma_wait3A_174] : memref<160x128xi32, #tpu.memory_space<vmem>> -> memref<100x128xi32, #tpu.memory_space<vmem>>
        %dma_wait3A_176 = arith.constant 2400 : i32
        %dma_wait3A_177 = arith.constant 0 : i32
        %dma_wait3A_178 = tpu.memref_slice %arg3[%dma_wait3A_176, %dma_wait3A_177] : memref<2500x128xi32, #tpu.memory_space<hbm>> -> memref<100x128xi32, #tpu.memory_space<hbm>>
        tpu.wait_dma2 semaphore(%run_scoped3A : memref<!tpu.dma_semaphore, #tpu.memory_space<semaphore_mem>>) src(%dma_wait3A_178 : memref<100x128xi32, #tpu.memory_space<hbm>>) dst(%dma_wait3A_175 : memref<100x128xi32, #tpu.memory_space<vmem>>)
        tpu.yield
      }) : () -> ()
      "tpu.region"() ({
        %run_scoped3A = tpu.sem_alloc : memref<!tpu.dma_semaphore, #tpu.memory_space<semaphore_mem>>
        %dma_start3A_155 = arith.constant 100 : i32
        %dma_start3A_156 = arith.constant 0 : i32
        %dma_start3A_157 = tpu.memref_slice %arg8[%dma_start3A_155, %dma_start3A_156] : memref<160x128xi32, #tpu.memory_space<vmem>> -> memref<60x128xi32, #tpu.memory_space<vmem>>
        %dma_start3A_158 = arith.constant 100 : i32
        %dma_start3A_159 = arith.constant 0 : i32
        %dma_start3A_160 = tpu.memref_slice %arg8[%dma_start3A_158, %dma_start3A_159] : memref<160x128xi32, #tpu.memory_space<vmem>> -> memref<60x128xi32, #tpu.memory_space<vmem>>
        tpu.enqueue_dma source(%arg5 : memref<60x128xi32, #tpu.memory_space<hbm>>) target(%dma_start3A_160 : memref<60x128xi32, #tpu.memory_space<vmem>>) target_semaphore(%run_scoped3A : memref<!tpu.dma_semaphore, #tpu.memory_space<semaphore_mem>>)
        %dma_wait3A_161 = arith.constant 100 : i32
        %dma_wait3A_162 = arith.constant 0 : i32
        %dma_wait3A_163 = tpu.memref_slice %arg8[%dma_wait3A_161, %dma_wait3A_162] : memref<160x128xi32, #tpu.memory_space<vmem>> -> memref<60x128xi32, #tpu.memory_space<vmem>>
        %dma_wait3A_164 = arith.constant 100 : i32
        %dma_wait3A_165 = arith.constant 0 : i32
        %dma_wait3A_166 = tpu.memref_slice %arg8[%dma_wait3A_164, %dma_wait3A_165] : memref<160x128xi32, #tpu.memory_space<vmem>> -> memref<60x128xi32, #tpu.memory_space<vmem>>
        tpu.wait_dma2 semaphore(%run_scoped3A : memref<!tpu.dma_semaphore, #tpu.memory_space<semaphore_mem>>) src(%arg5 : memref<60x128xi32, #tpu.memory_space<hbm>>) dst(%dma_wait3A_166 : memref<60x128xi32, #tpu.memory_space<vmem>>)
        tpu.yield
      }) : () -> ()
    } else {
    }
    %lt3A_29 = arith.constant 15 : i32
    %lt3A_30 = arith.cmpi slt, %arg1, %lt3A_29 : i32
    %convert_element_type3A_31 = arith.extui %lt3A_30 : i1 to i32
    %cond3A_32 = arith.constant 0 : i32
    %cond3A_33 = arith.cmpi ne, %convert_element_type3A_31, %cond3A_32 : i32
    scf.if %cond3A_33 {
      %mul3A_155 = arith.constant 160 : i32
      %mul3A_156 = arith.muli %arg1, %mul3A_155 : i32
      "tpu.region"() ({
        %run_scoped3A = tpu.sem_alloc : memref<!tpu.dma_semaphore, #tpu.memory_space<semaphore_mem>>
        %dma_start3A_157 = arith.constant 0 : i32
        %dma_start3A_158 = tpu.memref_slice %arg4[%mul3A_156, %dma_start3A_157] : memref<2500x128xi32, #tpu.memory_space<hbm>> -> memref<160x128xi32, #tpu.memory_space<hbm>>
        %dma_start3A_159 = arith.constant 0 : i32
        %dma_start3A_160 = tpu.memref_slice %arg4[%mul3A_156, %dma_start3A_159] : memref<2500x128xi32, #tpu.memory_space<hbm>> -> memref<160x128xi32, #tpu.memory_space<hbm>>
        tpu.enqueue_dma source(%dma_start3A_160 : memref<160x128xi32, #tpu.memory_space<hbm>>) target(%arg9 : memref<160x128xi32, #tpu.memory_space<vmem>>) target_semaphore(%run_scoped3A : memref<!tpu.dma_semaphore, #tpu.memory_space<semaphore_mem>>)
        %dma_wait3A_161 = arith.constant 0 : i32
        %dma_wait3A_162 = tpu.memref_slice %arg4[%mul3A_156, %dma_wait3A_161] : memref<2500x128xi32, #tpu.memory_space<hbm>> -> memref<160x128xi32, #tpu.memory_space<hbm>>
        %dma_wait3A_163 = arith.constant 0 : i32
        %dma_wait3A_164 = tpu.memref_slice %arg4[%mul3A_156, %dma_wait3A_163] : memref<2500x128xi32, #tpu.memory_space<hbm>> -> memref<160x128xi32, #tpu.memory_space<hbm>>
        tpu.wait_dma2 semaphore(%run_scoped3A : memref<!tpu.dma_semaphore, #tpu.memory_space<semaphore_mem>>) src(%dma_wait3A_164 : memref<160x128xi32, #tpu.memory_space<hbm>>) dst(%arg9 : memref<160x128xi32, #tpu.memory_space<vmem>>)
        tpu.yield
      }) : () -> ()
    } else {
    }
    %eq3A_34 = arith.constant 15 : i32
    %eq3A_35 = arith.cmpi eq, %arg1, %eq3A_34 : i32
    %convert_element_type3A_36 = arith.extui %eq3A_35 : i1 to i32
    %cond3A_37 = arith.constant 0 : i32
    %cond3A_38 = arith.cmpi ne, %convert_element_type3A_36, %cond3A_37 : i32
    scf.if %cond3A_38 {
      "tpu.region"() ({
        %run_scoped3A = tpu.sem_alloc : memref<!tpu.dma_semaphore, #tpu.memory_space<semaphore_mem>>
        %dma_start3A_155 = arith.constant 0 : i32
        %dma_start3A_156 = arith.constant 0 : i32
        %dma_start3A_157 = tpu.memref_slice %arg9[%dma_start3A_155, %dma_start3A_156] : memref<160x128xi32, #tpu.memory_space<vmem>> -> memref<100x128xi32, #tpu.memory_space<vmem>>
        %dma_start3A_158 = arith.constant 2400 : i32
        %dma_start3A_159 = arith.constant 0 : i32
        %dma_start3A_160 = tpu.memref_slice %arg4[%dma_start3A_158, %dma_start3A_159] : memref<2500x128xi32, #tpu.memory_space<hbm>> -> memref<100x128xi32, #tpu.memory_space<hbm>>
        %dma_start3A_161 = arith.constant 0 : i32
        %dma_start3A_162 = arith.constant 0 : i32
        %dma_start3A_163 = tpu.memref_slice %arg9[%dma_start3A_161, %dma_start3A_162] : memref<160x128xi32, #tpu.memory_space<vmem>> -> memref<100x128xi32, #tpu.memory_space<vmem>>
        %dma_start3A_164 = arith.constant 2400 : i32
        %dma_start3A_165 = arith.constant 0 : i32
        %dma_start3A_166 = tpu.memref_slice %arg4[%dma_start3A_164, %dma_start3A_165] : memref<2500x128xi32, #tpu.memory_space<hbm>> -> memref<100x128xi32, #tpu.memory_space<hbm>>
        tpu.enqueue_dma source(%dma_start3A_166 : memref<100x128xi32, #tpu.memory_space<hbm>>) target(%dma_start3A_163 : memref<100x128xi32, #tpu.memory_space<vmem>>) target_semaphore(%run_scoped3A : memref<!tpu.dma_semaphore, #tpu.memory_space<semaphore_mem>>)
        %dma_wait3A_167 = arith.constant 0 : i32
        %dma_wait3A_168 = arith.constant 0 : i32
        %dma_wait3A_169 = tpu.memref_slice %arg9[%dma_wait3A_167, %dma_wait3A_168] : memref<160x128xi32, #tpu.memory_space<vmem>> -> memref<100x128xi32, #tpu.memory_space<vmem>>
        %dma_wait3A_170 = arith.constant 2400 : i32
        %dma_wait3A_171 = arith.constant 0 : i32
        %dma_wait3A_172 = tpu.memref_slice %arg4[%dma_wait3A_170, %dma_wait3A_171] : memref<2500x128xi32, #tpu.memory_space<hbm>> -> memref<100x128xi32, #tpu.memory_space<hbm>>
        %dma_wait3A_173 = arith.constant 0 : i32
        %dma_wait3A_174 = arith.constant 0 : i32
        %dma_wait3A_175 = tpu.memref_slice %arg9[%dma_wait3A_173, %dma_wait3A_174] : memref<160x128xi32, #tpu.memory_space<vmem>> -> memref<100x128xi32, #tpu.memory_space<vmem>>
        %dma_wait3A_176 = arith.constant 2400 : i32
        %dma_wait3A_177 = arith.constant 0 : i32
        %dma_wait3A_178 = tpu.memref_slice %arg4[%dma_wait3A_176, %dma_wait3A_177] : memref<2500x128xi32, #tpu.memory_space<hbm>> -> memref<100x128xi32, #tpu.memory_space<hbm>>
        tpu.wait_dma2 semaphore(%run_scoped3A : memref<!tpu.dma_semaphore, #tpu.memory_space<semaphore_mem>>) src(%dma_wait3A_178 : memref<100x128xi32, #tpu.memory_space<hbm>>) dst(%dma_wait3A_175 : memref<100x128xi32, #tpu.memory_space<vmem>>)
        tpu.yield
      }) : () -> ()
      "tpu.region"() ({
        %run_scoped3A = tpu.sem_alloc : memref<!tpu.dma_semaphore, #tpu.memory_space<semaphore_mem>>
        %dma_start3A_155 = arith.constant 100 : i32
        %dma_start3A_156 = arith.constant 0 : i32
        %dma_start3A_157 = tpu.memref_slice %arg9[%dma_start3A_155, %dma_start3A_156] : memref<160x128xi32, #tpu.memory_space<vmem>> -> memref<60x128xi32, #tpu.memory_space<vmem>>
        %dma_start3A_158 = arith.constant 100 : i32
        %dma_start3A_159 = arith.constant 0 : i32
        %dma_start3A_160 = tpu.memref_slice %arg9[%dma_start3A_158, %dma_start3A_159] : memref<160x128xi32, #tpu.memory_space<vmem>> -> memref<60x128xi32, #tpu.memory_space<vmem>>
        tpu.enqueue_dma source(%arg6 : memref<60x128xi32, #tpu.memory_space<hbm>>) target(%dma_start3A_160 : memref<60x128xi32, #tpu.memory_space<vmem>>) target_semaphore(%run_scoped3A : memref<!tpu.dma_semaphore, #tpu.memory_space<semaphore_mem>>)
        %dma_wait3A_161 = arith.constant 100 : i32
        %dma_wait3A_162 = arith.constant 0 : i32
        %dma_wait3A_163 = tpu.memref_slice %arg9[%dma_wait3A_161, %dma_wait3A_162] : memref<160x128xi32, #tpu.memory_space<vmem>> -> memref<60x128xi32, #tpu.memory_space<vmem>>
        %dma_wait3A_164 = arith.constant 100 : i32
        %dma_wait3A_165 = arith.constant 0 : i32
        %dma_wait3A_166 = tpu.memref_slice %arg9[%dma_wait3A_164, %dma_wait3A_165] : memref<160x128xi32, #tpu.memory_space<vmem>> -> memref<60x128xi32, #tpu.memory_space<vmem>>
        tpu.wait_dma2 semaphore(%run_scoped3A : memref<!tpu.dma_semaphore, #tpu.memory_space<semaphore_mem>>) src(%arg6 : memref<60x128xi32, #tpu.memory_space<hbm>>) dst(%dma_wait3A_166 : memref<60x128xi32, #tpu.memory_space<vmem>>)
        tpu.yield
      }) : () -> ()
    } else {
    }
    %scan3A_39 = arith.constant 0 : i32
    %scan3A_40 = arith.constant 0 : i32
    %scan3A_41 = arith.constant 160 : i32
    %scan3A_42 = arith.addi %scan3A_40, %scan3A_41 : i32
    %scan3A_43 = arith.constant 1 : i32
    scf.for %scan3A_155 = %scan3A_40 to %scan3A_42 step %scan3A_43  : i32 {
      %get3A = arith.index_cast %scan3A_155 : i32 to index
      %get3A_156 = arith.constant 0 : index
      %get3A_157 = tpu.vector_load %arg8[%get3A, %get3A_156] {strides = array<i32>} : memref<160x128xi32, #tpu.memory_space<vmem>>, vector<1x16xi32>,
      %get3A_158 = vector.shape_cast %get3A_157 : vector<1x16xi32> to vector<16xi32>
      %add3A_159 = arith.addi %get3A_158, %get3A_158 : vector<16xi32>
      %add3A_160 = vector.broadcast %arg0 : i32 to vector<16xi32>
      %add3A_161 = arith.addi %add3A_159, %add3A_160 : vector<16xi32>
      %swap3A = arith.index_cast %scan3A_155 : i32 to index
      %swap3A_162 = arith.constant 0 : index
      %swap3A_163 = tpu.vector_load %arg8[%swap3A, %swap3A_162] {strides = array<i32>} : memref<160x128xi32, #tpu.memory_space<vmem>>, vector<1x16xi32>,
      %swap3A_164 = vector.shape_cast %swap3A_163 : vector<1x16xi32> to vector<16xi32>
      %swap3A_165 = vector.shape_cast %add3A_161 : vector<16xi32> to vector<1x16xi32>
      tpu.vector_store %arg8[%swap3A, %swap3A_162], %swap3A_165 {strides = array<i32>} : memref<160x128xi32, #tpu.memory_space<vmem>>, vector<1x16xi32>,
      %get3A_166 = arith.index_cast %scan3A_155 : i32 to index
      %get3A_167 = arith.constant 16 : index
      %get3A_168 = tpu.vector_load %arg8[%get3A_166, %get3A_167] {strides = array<i32>} : memref<160x128xi32, #tpu.memory_space<vmem>>, vector<1x16xi32>,
      %get3A_169 = vector.shape_cast %get3A_168 : vector<1x16xi32> to vector<16xi32>
      %add3A_170 = arith.addi %get3A_169, %get3A_169 : vector<16xi32>
      %add3A_171 = vector.broadcast %arg0 : i32 to vector<16xi32>
      %add3A_172 = arith.addi %add3A_170, %add3A_171 : vector<16xi32>
      %swap3A_173 = arith.index_cast %scan3A_155 : i32 to index
      %swap3A_174 = arith.constant 16 : index
      %swap3A_175 = tpu.vector_load %arg8[%swap3A_173, %swap3A_174] {strides = array<i32>} : memref<160x128xi32, #tpu.memory_space<vmem>>, vector<1x16xi32>,
      %swap3A_176 = vector.shape_cast %swap3A_175 : vector<1x16xi32> to vector<16xi32>
      %swap3A_177 = vector.shape_cast %add3A_172 : vector<16xi32> to vector<1x16xi32>
      tpu.vector_store %arg8[%swap3A_173, %swap3A_174], %swap3A_177 {strides = array<i32>} : memref<160x128xi32, #tpu.memory_space<vmem>>, vector<1x16xi32>,
      %get3A_178 = arith.index_cast %scan3A_155 : i32 to index
      %get3A_179 = arith.constant 32 : index
      %get3A_180 = tpu.vector_load %arg8[%get3A_178, %get3A_179] {strides = array<i32>} : memref<160x128xi32, #tpu.memory_space<vmem>>, vector<1x16xi32>,
      %get3A_181 = vector.shape_cast %get3A_180 : vector<1x16xi32> to vector<16xi32>
      %add3A_182 = arith.addi %get3A_181, %get3A_181 : vector<16xi32>
      %add3A_183 = vector.broadcast %arg0 : i32 to vector<16xi32>
      %add3A_184 = arith.addi %add3A_182, %add3A_183 : vector<16xi32>
      %swap3A_185 = arith.index_cast %scan3A_155 : i32 to index
      %swap3A_186 = arith.constant 32 : index
      %swap3A_187 = tpu.vector_load %arg8[%swap3A_185, %swap3A_186] {strides = array<i32>} : memref<160x128xi32, #tpu.memory_space<vmem>>, vector<1x16xi32>,
      %swap3A_188 = vector.shape_cast %swap3A_187 : vector<1x16xi32> to vector<16xi32>
      %swap3A_189 = vector.shape_cast %add3A_184 : vector<16xi32> to vector<1x16xi32>
      tpu.vector_store %arg8[%swap3A_185, %swap3A_186], %swap3A_189 {strides = array<i32>} : memref<160x128xi32, #tpu.memory_space<vmem>>, vector<1x16xi32>,
      %get3A_190 = arith.index_cast %scan3A_155 : i32 to index
      %get3A_191 = arith.constant 48 : index
      %get3A_192 = tpu.vector_load %arg8[%get3A_190, %get3A_191] {strides = array<i32>} : memref<160x128xi32, #tpu.memory_space<vmem>>, vector<1x16xi32>,
      %get3A_193 = vector.shape_cast %get3A_192 : vector<1x16xi32> to vector<16xi32>
      %add3A_194 = arith.addi %get3A_193, %get3A_193 : vector<16xi32>
      %add3A_195 = vector.broadcast %arg0 : i32 to vector<16xi32>
      %add3A_196 = arith.addi %add3A_194, %add3A_195 : vector<16xi32>
      %swap3A_197 = arith.index_cast %scan3A_155 : i32 to index
      %swap3A_198 = arith.constant 48 : index
      %swap3A_199 = tpu.vector_load %arg8[%swap3A_197, %swap3A_198] {strides = array<i32>} : memref<160x128xi32, #tpu.memory_space<vmem>>, vector<1x16xi32>,
      %swap3A_200 = vector.shape_cast %swap3A_199 : vector<1x16xi32> to vector<16xi32>
      %swap3A_201 = vector.shape_cast %add3A_196 : vector<16xi32> to vector<1x16xi32>
      tpu.vector_store %arg8[%swap3A_197, %swap3A_198], %swap3A_201 {strides = array<i32>} : memref<160x128xi32, #tpu.memory_space<vmem>>, vector<1x16xi32>,
      %get3A_202 = arith.index_cast %scan3A_155 : i32 to index
      %get3A_203 = arith.constant 64 : index
      %get3A_204 = tpu.vector_load %arg8[%get3A_202, %get3A_203] {strides = array<i32>} : memref<160x128xi32, #tpu.memory_space<vmem>>, vector<1x16xi32>,
      %get3A_205 = vector.shape_cast %get3A_204 : vector<1x16xi32> to vector<16xi32>
      %add3A_206 = arith.addi %get3A_205, %get3A_205 : vector<16xi32>
      %add3A_207 = vector.broadcast %arg0 : i32 to vector<16xi32>
      %add3A_208 = arith.addi %add3A_206, %add3A_207 : vector<16xi32>
      %swap3A_209 = arith.index_cast %scan3A_155 : i32 to index
      %swap3A_210 = arith.constant 64 : index
      %swap3A_211 = tpu.vector_load %arg8[%swap3A_209, %swap3A_210] {strides = array<i32>} : memref<160x128xi32, #tpu.memory_space<vmem>>, vector<1x16xi32>,
      %swap3A_212 = vector.shape_cast %swap3A_211 : vector<1x16xi32> to vector<16xi32>
      %swap3A_213 = vector.shape_cast %add3A_208 : vector<16xi32> to vector<1x16xi32>
      tpu.vector_store %arg8[%swap3A_209, %swap3A_210], %swap3A_213 {strides = array<i32>} : memref<160x128xi32, #tpu.memory_space<vmem>>, vector<1x16xi32>,
      %get3A_214 = arith.index_cast %scan3A_155 : i32 to index
      %get3A_215 = arith.constant 80 : index
      %get3A_216 = tpu.vector_load %arg8[%get3A_214, %get3A_215] {strides = array<i32>} : memref<160x128xi32, #tpu.memory_space<vmem>>, vector<1x16xi32>,
      %get3A_217 = vector.shape_cast %get3A_216 : vector<1x16xi32> to vector<16xi32>
      %add3A_218 = arith.addi %get3A_217, %get3A_217 : vector<16xi32>
      %add3A_219 = vector.broadcast %arg0 : i32 to vector<16xi32>
      %add3A_220 = arith.addi %add3A_218, %add3A_219 : vector<16xi32>
      %swap3A_221 = arith.index_cast %scan3A_155 : i32 to index
      %swap3A_222 = arith.constant 80 : index
      %swap3A_223 = tpu.vector_load %arg8[%swap3A_221, %swap3A_222] {strides = array<i32>} : memref<160x128xi32, #tpu.memory_space<vmem>>, vector<1x16xi32>,
      %swap3A_224 = vector.shape_cast %swap3A_223 : vector<1x16xi32> to vector<16xi32>
      %swap3A_225 = vector.shape_cast %add3A_220 : vector<16xi32> to vector<1x16xi32>
      tpu.vector_store %arg8[%swap3A_221, %swap3A_222], %swap3A_225 {strides = array<i32>} : memref<160x128xi32, #tpu.memory_space<vmem>>, vector<1x16xi32>,
      %get3A_226 = arith.index_cast %scan3A_155 : i32 to index
      %get3A_227 = arith.constant 96 : index
      %get3A_228 = tpu.vector_load %arg8[%get3A_226, %get3A_227] {strides = array<i32>} : memref<160x128xi32, #tpu.memory_space<vmem>>, vector<1x16xi32>,
      %get3A_229 = vector.shape_cast %get3A_228 : vector<1x16xi32> to vector<16xi32>
      %add3A_230 = arith.addi %get3A_229, %get3A_229 : vector<16xi32>
      %add3A_231 = vector.broadcast %arg0 : i32 to vector<16xi32>
      %add3A_232 = arith.addi %add3A_230, %add3A_231 : vector<16xi32>
      %swap3A_233 = arith.index_cast %scan3A_155 : i32 to index
      %swap3A_234 = arith.constant 96 : index
      %swap3A_235 = tpu.vector_load %arg8[%swap3A_233, %swap3A_234] {strides = array<i32>} : memref<160x128xi32, #tpu.memory_space<vmem>>, vector<1x16xi32>,
      %swap3A_236 = vector.shape_cast %swap3A_235 : vector<1x16xi32> to vector<16xi32>
      %swap3A_237 = vector.shape_cast %add3A_232 : vector<16xi32> to vector<1x16xi32>
      tpu.vector_store %arg8[%swap3A_233, %swap3A_234], %swap3A_237 {strides = array<i32>} : memref<160x128xi32, #tpu.memory_space<vmem>>, vector<1x16xi32>,
      %get3A_238 = arith.index_cast %scan3A_155 : i32 to index
      %get3A_239 = arith.constant 112 : index
      %get3A_240 = tpu.vector_load %arg8[%get3A_238, %get3A_239] {strides = array<i32>} : memref<160x128xi32, #tpu.memory_space<vmem>>, vector<1x16xi32>,
      %get3A_241 = vector.shape_cast %get3A_240 : vector<1x16xi32> to vector<16xi32>
      %add3A_242 = arith.addi %get3A_241, %get3A_241 : vector<16xi32>
      %add3A_243 = vector.broadcast %arg0 : i32 to vector<16xi32>
      %add3A_244 = arith.addi %add3A_242, %add3A_243 : vector<16xi32>
      %swap3A_245 = arith.index_cast %scan3A_155 : i32 to index
      %swap3A_246 = arith.constant 112 : index
      %swap3A_247 = tpu.vector_load %arg8[%swap3A_245, %swap3A_246] {strides = array<i32>} : memref<160x128xi32, #tpu.memory_space<vmem>>, vector<1x16xi32>,
      %swap3A_248 = vector.shape_cast %swap3A_247 : vector<1x16xi32> to vector<16xi32>
      %swap3A_249 = vector.shape_cast %add3A_244 : vector<16xi32> to vector<1x16xi32>
      tpu.vector_store %arg8[%swap3A_245, %swap3A_246], %swap3A_249 {strides = array<i32>} : memref<160x128xi32, #tpu.memory_space<vmem>>, vector<1x16xi32>,
    }
    %scan3A_44 = arith.constant 160 : i32
    %barrier3A = arith.constant 0 : index
    tpu.barrier barrier_id(%barrier3A)
    %dma_start3A = arith.constant 0 : i32
    %dma_start3A_45 = arith.constant 0 : i32
    %dma_start3A_46 = tpu.memref_slice %arg8[%dma_start3A, %dma_start3A_45] : memref<160x128xi32, #tpu.memory_space<vmem>> -> memref<1x128xi32, #tpu.memory_space<vmem>>
    %dma_start3A_47 = tpu.memref_squeeze %dma_start3A_46 : memref<1x128xi32, #tpu.memory_space<vmem>> -> memref<128xi32, #tpu.memory_space<vmem>>
    %dma_start3A_48 = arith.constant 0 : i32
    %dma_start3A_49 = arith.constant 0 : i32
    %dma_start3A_50 = tpu.memref_slice %arg2[%dma_start3A_48, %dma_start3A_49] : memref<20000x64xf32, #tpu.memory_space<hbm>> -> memref<20000x64xf32, #tpu.memory_space<hbm>>
    tpu.enqueue_indirect_dma source(%dma_start3A_50 : memref<20000x64xf32, #tpu.memory_space<hbm>>) target(%arg10 : memref<128x64xf32, #tpu.memory_space<vmem>>) offsets(%dma_start3A_47 : memref<128xi32, #tpu.memory_space<vmem>>) semaphore(%arg16 : memref<!tpu.dma_semaphore, #tpu.memory_space<semaphore_mem>>)
    %dma_start3A_51 = arith.constant 1 : i32
    %dma_start3A_52 = arith.constant 0 : i32
    %dma_start3A_53 = tpu.memref_slice %arg8[%dma_start3A_51, %dma_start3A_52] : memref<160x128xi32, #tpu.memory_space<vmem>> -> memref<1x128xi32, #tpu.memory_space<vmem>>
    %dma_start3A_54 = tpu.memref_squeeze %dma_start3A_53 : memref<1x128xi32, #tpu.memory_space<vmem>> -> memref<128xi32, #tpu.memory_space<vmem>>
    %dma_start3A_55 = arith.constant 0 : i32
    %dma_start3A_56 = arith.constant 0 : i32
    %dma_start3A_57 = tpu.memref_slice %arg2[%dma_start3A_55, %dma_start3A_56] : memref<20000x64xf32, #tpu.memory_space<hbm>> -> memref<20000x64xf32, #tpu.memory_space<hbm>>
    tpu.enqueue_indirect_dma source(%dma_start3A_57 : memref<20000x64xf32, #tpu.memory_space<hbm>>) target(%arg11 : memref<128x64xf32, #tpu.memory_space<vmem>>) offsets(%dma_start3A_54 : memref<128xi32, #tpu.memory_space<vmem>>) semaphore(%arg16 : memref<!tpu.dma_semaphore, #tpu.memory_space<semaphore_mem>>)
    %dma_start3A_58 = arith.constant 2 : i32
    %dma_start3A_59 = arith.constant 0 : i32
    %dma_start3A_60 = tpu.memref_slice %arg8[%dma_start3A_58, %dma_start3A_59] : memref<160x128xi32, #tpu.memory_space<vmem>> -> memref<1x128xi32, #tpu.memory_space<vmem>>
    %dma_start3A_61 = tpu.memref_squeeze %dma_start3A_60 : memref<1x128xi32, #tpu.memory_space<vmem>> -> memref<128xi32, #tpu.memory_space<vmem>>
    %dma_start3A_62 = arith.constant 0 : i32
    %dma_start3A_63 = arith.constant 0 : i32
    %dma_start3A_64 = tpu.memref_slice %arg2[%dma_start3A_62, %dma_start3A_63] : memref<20000x64xf32, #tpu.memory_space<hbm>> -> memref<20000x64xf32, #tpu.memory_space<hbm>>
    tpu.enqueue_indirect_dma source(%dma_start3A_64 : memref<20000x64xf32, #tpu.memory_space<hbm>>) target(%arg12 : memref<128x64xf32, #tpu.memory_space<vmem>>) offsets(%dma_start3A_61 : memref<128xi32, #tpu.memory_space<vmem>>) semaphore(%arg16 : memref<!tpu.dma_semaphore, #tpu.memory_space<semaphore_mem>>)
    %dma_start3A_65 = arith.constant 3 : i32
    %dma_start3A_66 = arith.constant 0 : i32
    %dma_start3A_67 = tpu.memref_slice %arg8[%dma_start3A_65, %dma_start3A_66] : memref<160x128xi32, #tpu.memory_space<vmem>> -> memref<1x128xi32, #tpu.memory_space<vmem>>
    %dma_start3A_68 = tpu.memref_squeeze %dma_start3A_67 : memref<1x128xi32, #tpu.memory_space<vmem>> -> memref<128xi32, #tpu.memory_space<vmem>>
    %dma_start3A_69 = arith.constant 0 : i32
    %dma_start3A_70 = arith.constant 0 : i32
    %dma_start3A_71 = tpu.memref_slice %arg2[%dma_start3A_69, %dma_start3A_70] : memref<20000x64xf32, #tpu.memory_space<hbm>> -> memref<20000x64xf32, #tpu.memory_space<hbm>>
    tpu.enqueue_indirect_dma source(%dma_start3A_71 : memref<20000x64xf32, #tpu.memory_space<hbm>>) target(%arg13 : memref<128x64xf32, #tpu.memory_space<vmem>>) offsets(%dma_start3A_68 : memref<128xi32, #tpu.memory_space<vmem>>) semaphore(%arg16 : memref<!tpu.dma_semaphore, #tpu.memory_space<semaphore_mem>>)
    %dma_start3A_72 = arith.constant 4 : i32
    %dma_start3A_73 = arith.constant 0 : i32
    %dma_start3A_74 = tpu.memref_slice %arg8[%dma_start3A_72, %dma_start3A_73] : memref<160x128xi32, #tpu.memory_space<vmem>> -> memref<1x128xi32, #tpu.memory_space<vmem>>
    %dma_start3A_75 = tpu.memref_squeeze %dma_start3A_74 : memref<1x128xi32, #tpu.memory_space<vmem>> -> memref<128xi32, #tpu.memory_space<vmem>>
    %dma_start3A_76 = arith.constant 0 : i32
    %dma_start3A_77 = arith.constant 0 : i32
    %dma_start3A_78 = tpu.memref_slice %arg2[%dma_start3A_76, %dma_start3A_77] : memref<20000x64xf32, #tpu.memory_space<hbm>> -> memref<20000x64xf32, #tpu.memory_space<hbm>>
    tpu.enqueue_indirect_dma source(%dma_start3A_78 : memref<20000x64xf32, #tpu.memory_space<hbm>>) target(%arg14 : memref<128x64xf32, #tpu.memory_space<vmem>>) offsets(%dma_start3A_75 : memref<128xi32, #tpu.memory_space<vmem>>) semaphore(%arg16 : memref<!tpu.dma_semaphore, #tpu.memory_space<semaphore_mem>>)
    %scan3A_79 = arith.constant 0 : i32
    %scan3A_80 = arith.constant 0 : i32
    %scan3A_81 = arith.constant 32 : i32
    %scan3A_82 = arith.addi %scan3A_80, %scan3A_81 : i32
    %scan3A_83 = arith.constant 1 : i32
    scf.for %scan3A_155 = %scan3A_80 to %scan3A_82 step %scan3A_83  : i32 {
      %mul3A_156 = arith.constant 5 : i32
      %mul3A_157 = arith.muli %mul3A_156, %scan3A_155 : i32
      %add3A_158 = arith.constant 0 : i32
      %add3A_159 = arith.addi %mul3A_157, %add3A_158 : i32
      %dma_wait3A_160 = arith.constant 0 : i32
      %dma_wait3A_161 = tpu.memref_slice %arg8[%add3A_159, %dma_wait3A_160] : memref<160x128xi32, #tpu.memory_space<vmem>> -> memref<1x128xi32, #tpu.memory_space<vmem>>
      %dma_wait3A_162 = tpu.memref_squeeze %dma_wait3A_161 : memref<1x128xi32, #tpu.memory_space<vmem>> -> memref<128xi32, #tpu.memory_space<vmem>>
      %dma_wait3A_163 = arith.constant 0 : i32
      %dma_wait3A_164 = arith.constant 0 : i32
      %dma_wait3A_165 = tpu.memref_slice %arg2[%dma_wait3A_163, %dma_wait3A_164] : memref<20000x64xf32, #tpu.memory_space<hbm>> -> memref<20000x64xf32, #tpu.memory_space<hbm>>
      tpu.wait_indirect_dma semaphore(%arg16 : memref<!tpu.dma_semaphore, #tpu.memory_space<semaphore_mem>>) src(%dma_wait3A_165 : memref<20000x64xf32, #tpu.memory_space<hbm>>) dst(%arg10 : memref<128x64xf32, #tpu.memory_space<vmem>>)
      %dma_start3A_166 = arith.constant 0 : i32
      %dma_start3A_167 = tpu.memref_slice %arg9[%add3A_159, %dma_start3A_166] : memref<160x128xi32, #tpu.memory_space<vmem>> -> memref<1x128xi32, #tpu.memory_space<vmem>>
      %dma_start3A_168 = tpu.memref_squeeze %dma_start3A_167 : memref<1x128xi32, #tpu.memory_space<vmem>> -> memref<128xi32, #tpu.memory_space<vmem>>
      %dma_start3A_169 = arith.constant 0 : i32
      %dma_start3A_170 = arith.constant 0 : i32
      %dma_start3A_171 = tpu.memref_slice %arg15[%dma_start3A_169, %dma_start3A_170] : memref<10240x64xf32, #tpu.memory_space<vmem_shared>> -> memref<10240x64xf32, #tpu.memory_space<vmem_shared>>
      tpu.enqueue_indirect_dma source(%arg10 : memref<128x64xf32, #tpu.memory_space<vmem>>) target(%dma_start3A_171 : memref<10240x64xf32, #tpu.memory_space<vmem_shared>>) offsets(%dma_start3A_168 : memref<128xi32, #tpu.memory_space<vmem>>) semaphore(%arg17 : memref<!tpu.dma_semaphore, #tpu.memory_space<semaphore_mem>>) {add = true}
      %sub3A = arith.constant 2 : i32
      %sub3A_172 = arith.subi %add3A_159, %sub3A : i32
      %add3A_173 = arith.constant 5 : i32
      %add3A_174 = arith.addi %sub3A_172, %add3A_173 : i32
      %ge3A = arith.constant 2 : i32
      %ge3A_175 = arith.cmpi sge, %add3A_159, %ge3A : i32
      %lt3A_176 = arith.constant 160 : i32
      %lt3A_177 = arith.cmpi slt, %add3A_174, %lt3A_176 : i32
      %and3A = arith.andi %ge3A_175, %lt3A_177 : i1
      %convert_element_type3A_178 = arith.extui %and3A : i1 to i32
      %cond3A_179 = arith.constant 0 : i32
      %cond3A_180 = arith.cmpi ne, %convert_element_type3A_178, %cond3A_179 : i32
      scf.if %cond3A_180 {
        %sub3A_293 = arith.constant 2 : i32
        %sub3A_294 = arith.subi %add3A_159, %sub3A_293 : i32
        %dma_wait3A_295 = arith.constant 0 : i32
        %dma_wait3A_296 = tpu.memref_slice %arg9[%sub3A_294, %dma_wait3A_295] : memref<160x128xi32, #tpu.memory_space<vmem>> -> memref<1x128xi32, #tpu.memory_space<vmem>>
        %dma_wait3A_297 = tpu.memref_squeeze %dma_wait3A_296 : memref<1x128xi32, #tpu.memory_space<vmem>> -> memref<128xi32, #tpu.memory_space<vmem>>
        %dma_wait3A_298 = arith.constant 0 : i32
        %dma_wait3A_299 = arith.constant 0 : i32
        %dma_wait3A_300 = tpu.memref_slice %arg15[%dma_wait3A_298, %dma_wait3A_299] : memref<10240x64xf32, #tpu.memory_space<vmem_shared>> -> memref<10240x64xf32, #tpu.memory_space<vmem_shared>>
        tpu.wait_indirect_dma semaphore(%arg17 : memref<!tpu.dma_semaphore, #tpu.memory_space<semaphore_mem>>) src(%arg13 : memref<128x64xf32, #tpu.memory_space<vmem>>) dst(%dma_wait3A_300 : memref<10240x64xf32, #tpu.memory_space<vmem_shared>>)
        %dma_start3A_301 = arith.constant 0 : i32
        %dma_start3A_302 = tpu.memref_slice %arg8[%add3A_174, %dma_start3A_301] : memref<160x128xi32, #tpu.memory_space<vmem>> -> memref<1x128xi32, #tpu.memory_space<vmem>>
        %dma_start3A_303 = tpu.memref_squeeze %dma_start3A_302 : memref<1x128xi32, #tpu.memory_space<vmem>> -> memref<128xi32, #tpu.memory_space<vmem>>
        %dma_start3A_304 = arith.constant 0 : i32
        %dma_start3A_305 = arith.constant 0 : i32
        %dma_start3A_306 = tpu.memref_slice %arg2[%dma_start3A_304, %dma_start3A_305] : memref<20000x64xf32, #tpu.memory_space<hbm>> -> memref<20000x64xf32, #tpu.memory_space<hbm>>
        tpu.enqueue_indirect_dma source(%dma_start3A_306 : memref<20000x64xf32, #tpu.memory_space<hbm>>) target(%arg13 : memref<128x64xf32, #tpu.memory_space<vmem>>) offsets(%dma_start3A_303 : memref<128xi32, #tpu.memory_space<vmem>>) semaphore(%arg16 : memref<!tpu.dma_semaphore, #tpu.memory_space<semaphore_mem>>)
      } else {
      }
      %mul3A_181 = arith.constant 5 : i32
      %mul3A_182 = arith.muli %mul3A_181, %scan3A_155 : i32
      %add3A_183 = arith.constant 1 : i32
      %add3A_184 = arith.addi %mul3A_182, %add3A_183 : i32
      %dma_wait3A_185 = arith.constant 0 : i32
      %dma_wait3A_186 = tpu.memref_slice %arg8[%add3A_184, %dma_wait3A_185] : memref<160x128xi32, #tpu.memory_space<vmem>> -> memref<1x128xi32, #tpu.memory_space<vmem>>
      %dma_wait3A_187 = tpu.memref_squeeze %dma_wait3A_186 : memref<1x128xi32, #tpu.memory_space<vmem>> -> memref<128xi32, #tpu.memory_space<vmem>>
      %dma_wait3A_188 = arith.constant 0 : i32
      %dma_wait3A_189 = arith.constant 0 : i32
      %dma_wait3A_190 = tpu.memref_slice %arg2[%dma_wait3A_188, %dma_wait3A_189] : memref<20000x64xf32, #tpu.memory_space<hbm>> -> memref<20000x64xf32, #tpu.memory_space<hbm>>
      tpu.wait_indirect_dma semaphore(%arg16 : memref<!tpu.dma_semaphore, #tpu.memory_space<semaphore_mem>>) src(%dma_wait3A_190 : memref<20000x64xf32, #tpu.memory_space<hbm>>) dst(%arg11 : memref<128x64xf32, #tpu.memory_space<vmem>>)
      %dma_start3A_191 = arith.constant 0 : i32
      %dma_start3A_192 = tpu.memref_slice %arg9[%add3A_184, %dma_start3A_191] : memref<160x128xi32, #tpu.memory_space<vmem>> -> memref<1x128xi32, #tpu.memory_space<vmem>>
      %dma_start3A_193 = tpu.memref_squeeze %dma_start3A_192 : memref<1x128xi32, #tpu.memory_space<vmem>> -> memref<128xi32, #tpu.memory_space<vmem>>
      %dma_start3A_194 = arith.constant 0 : i32
      %dma_start3A_195 = arith.constant 0 : i32
      %dma_start3A_196 = tpu.memref_slice %arg15[%dma_start3A_194, %dma_start3A_195] : memref<10240x64xf32, #tpu.memory_space<vmem_shared>> -> memref<10240x64xf32, #tpu.memory_space<vmem_shared>>
      tpu.enqueue_indirect_dma source(%arg11 : memref<128x64xf32, #tpu.memory_space<vmem>>) target(%dma_start3A_196 : memref<10240x64xf32, #tpu.memory_space<vmem_shared>>) offsets(%dma_start3A_193 : memref<128xi32, #tpu.memory_space<vmem>>) semaphore(%arg17 : memref<!tpu.dma_semaphore, #tpu.memory_space<semaphore_mem>>) {add = true}
      %sub3A_197 = arith.constant 2 : i32
      %sub3A_198 = arith.subi %add3A_184, %sub3A_197 : i32
      %add3A_199 = arith.constant 5 : i32
      %add3A_200 = arith.addi %sub3A_198, %add3A_199 : i32
      %ge3A_201 = arith.constant 2 : i32
      %ge3A_202 = arith.cmpi sge, %add3A_184, %ge3A_201 : i32
      %lt3A_203 = arith.constant 160 : i32
      %lt3A_204 = arith.cmpi slt, %add3A_200, %lt3A_203 : i32
      %and3A_205 = arith.andi %ge3A_202, %lt3A_204 : i1
      %convert_element_type3A_206 = arith.extui %and3A_205 : i1 to i32
      %cond3A_207 = arith.constant 0 : i32
      %cond3A_208 = arith.cmpi ne, %convert_element_type3A_206, %cond3A_207 : i32
      scf.if %cond3A_208 {
        %sub3A_293 = arith.constant 2 : i32
        %sub3A_294 = arith.subi %add3A_184, %sub3A_293 : i32
        %dma_wait3A_295 = arith.constant 0 : i32
        %dma_wait3A_296 = tpu.memref_slice %arg9[%sub3A_294, %dma_wait3A_295] : memref<160x128xi32, #tpu.memory_space<vmem>> -> memref<1x128xi32, #tpu.memory_space<vmem>>
        %dma_wait3A_297 = tpu.memref_squeeze %dma_wait3A_296 : memref<1x128xi32, #tpu.memory_space<vmem>> -> memref<128xi32, #tpu.memory_space<vmem>>
        %dma_wait3A_298 = arith.constant 0 : i32
        %dma_wait3A_299 = arith.constant 0 : i32
        %dma_wait3A_300 = tpu.memref_slice %arg15[%dma_wait3A_298, %dma_wait3A_299] : memref<10240x64xf32, #tpu.memory_space<vmem_shared>> -> memref<10240x64xf32, #tpu.memory_space<vmem_shared>>
        tpu.wait_indirect_dma semaphore(%arg17 : memref<!tpu.dma_semaphore, #tpu.memory_space<semaphore_mem>>) src(%arg14 : memref<128x64xf32, #tpu.memory_space<vmem>>) dst(%dma_wait3A_300 : memref<10240x64xf32, #tpu.memory_space<vmem_shared>>)
        %dma_start3A_301 = arith.constant 0 : i32
        %dma_start3A_302 = tpu.memref_slice %arg8[%add3A_200, %dma_start3A_301] : memref<160x128xi32, #tpu.memory_space<vmem>> -> memref<1x128xi32, #tpu.memory_space<vmem>>
        %dma_start3A_303 = tpu.memref_squeeze %dma_start3A_302 : memref<1x128xi32, #tpu.memory_space<vmem>> -> memref<128xi32, #tpu.memory_space<vmem>>
        %dma_start3A_304 = arith.constant 0 : i32
        %dma_start3A_305 = arith.constant 0 : i32
        %dma_start3A_306 = tpu.memref_slice %arg2[%dma_start3A_304, %dma_start3A_305] : memref<20000x64xf32, #tpu.memory_space<hbm>> -> memref<20000x64xf32, #tpu.memory_space<hbm>>
        tpu.enqueue_indirect_dma source(%dma_start3A_306 : memref<20000x64xf32, #tpu.memory_space<hbm>>) target(%arg14 : memref<128x64xf32, #tpu.memory_space<vmem>>) offsets(%dma_start3A_303 : memref<128xi32, #tpu.memory_space<vmem>>) semaphore(%arg16 : memref<!tpu.dma_semaphore, #tpu.memory_space<semaphore_mem>>)
      } else {
      }
      %mul3A_209 = arith.constant 5 : i32
      %mul3A_210 = arith.muli %mul3A_209, %scan3A_155 : i32
      %add3A_211 = arith.constant 2 : i32
      %add3A_212 = arith.addi %mul3A_210, %add3A_211 : i32
      %dma_wait3A_213 = arith.constant 0 : i32
      %dma_wait3A_214 = tpu.memref_slice %arg8[%add3A_212, %dma_wait3A_213] : memref<160x128xi32, #tpu.memory_space<vmem>> -> memref<1x128xi32, #tpu.memory_space<vmem>>
      %dma_wait3A_215 = tpu.memref_squeeze %dma_wait3A_214 : memref<1x128xi32, #tpu.memory_space<vmem>> -> memref<128xi32, #tpu.memory_space<vmem>>
      %dma_wait3A_216 = arith.constant 0 : i32
      %dma_wait3A_217 = arith.constant 0 : i32
      %dma_wait3A_218 = tpu.memref_slice %arg2[%dma_wait3A_216, %dma_wait3A_217] : memref<20000x64xf32, #tpu.memory_space<hbm>> -> memref<20000x64xf32, #tpu.memory_space<hbm>>
      tpu.wait_indirect_dma semaphore(%arg16 : memref<!tpu.dma_semaphore, #tpu.memory_space<semaphore_mem>>) src(%dma_wait3A_218 : memref<20000x64xf32, #tpu.memory_space<hbm>>) dst(%arg12 : memref<128x64xf32, #tpu.memory_space<vmem>>)
      %dma_start3A_219 = arith.constant 0 : i32
      %dma_start3A_220 = tpu.memref_slice %arg9[%add3A_212, %dma_start3A_219] : memref<160x128xi32, #tpu.memory_space<vmem>> -> memref<1x128xi32, #tpu.memory_space<vmem>>
      %dma_start3A_221 = tpu.memref_squeeze %dma_start3A_220 : memref<1x128xi32, #tpu.memory_space<vmem>> -> memref<128xi32, #tpu.memory_space<vmem>>
      %dma_start3A_222 = arith.constant 0 : i32
      %dma_start3A_223 = arith.constant 0 : i32
      %dma_start3A_224 = tpu.memref_slice %arg15[%dma_start3A_222, %dma_start3A_223] : memref<10240x64xf32, #tpu.memory_space<vmem_shared>> -> memref<10240x64xf32, #tpu.memory_space<vmem_shared>>
      tpu.enqueue_indirect_dma source(%arg12 : memref<128x64xf32, #tpu.memory_space<vmem>>) target(%dma_start3A_224 : memref<10240x64xf32, #tpu.memory_space<vmem_shared>>) offsets(%dma_start3A_221 : memref<128xi32, #tpu.memory_space<vmem>>) semaphore(%arg17 : memref<!tpu.dma_semaphore, #tpu.memory_space<semaphore_mem>>) {add = true}
      %sub3A_225 = arith.constant 2 : i32
      %sub3A_226 = arith.subi %add3A_212, %sub3A_225 : i32
      %add3A_227 = arith.constant 5 : i32
      %add3A_228 = arith.addi %sub3A_226, %add3A_227 : i32
      %ge3A_229 = arith.constant 2 : i32
      %ge3A_230 = arith.cmpi sge, %add3A_212, %ge3A_229 : i32
      %lt3A_231 = arith.constant 160 : i32
      %lt3A_232 = arith.cmpi slt, %add3A_228, %lt3A_231 : i32
      %and3A_233 = arith.andi %ge3A_230, %lt3A_232 : i1
      %convert_element_type3A_234 = arith.extui %and3A_233 : i1 to i32
      %cond3A_235 = arith.constant 0 : i32
      %cond3A_236 = arith.cmpi ne, %convert_element_type3A_234, %cond3A_235 : i32
      scf.if %cond3A_236 {
        %sub3A_293 = arith.constant 2 : i32
        %sub3A_294 = arith.subi %add3A_212, %sub3A_293 : i32
        %dma_wait3A_295 = arith.constant 0 : i32
        %dma_wait3A_296 = tpu.memref_slice %arg9[%sub3A_294, %dma_wait3A_295] : memref<160x128xi32, #tpu.memory_space<vmem>> -> memref<1x128xi32, #tpu.memory_space<vmem>>
        %dma_wait3A_297 = tpu.memref_squeeze %dma_wait3A_296 : memref<1x128xi32, #tpu.memory_space<vmem>> -> memref<128xi32, #tpu.memory_space<vmem>>
        %dma_wait3A_298 = arith.constant 0 : i32
        %dma_wait3A_299 = arith.constant 0 : i32
        %dma_wait3A_300 = tpu.memref_slice %arg15[%dma_wait3A_298, %dma_wait3A_299] : memref<10240x64xf32, #tpu.memory_space<vmem_shared>> -> memref<10240x64xf32, #tpu.memory_space<vmem_shared>>
        tpu.wait_indirect_dma semaphore(%arg17 : memref<!tpu.dma_semaphore, #tpu.memory_space<semaphore_mem>>) src(%arg10 : memref<128x64xf32, #tpu.memory_space<vmem>>) dst(%dma_wait3A_300 : memref<10240x64xf32, #tpu.memory_space<vmem_shared>>)
        %dma_start3A_301 = arith.constant 0 : i32
        %dma_start3A_302 = tpu.memref_slice %arg8[%add3A_228, %dma_start3A_301] : memref<160x128xi32, #tpu.memory_space<vmem>> -> memref<1x128xi32, #tpu.memory_space<vmem>>
        %dma_start3A_303 = tpu.memref_squeeze %dma_start3A_302 : memref<1x128xi32, #tpu.memory_space<vmem>> -> memref<128xi32, #tpu.memory_space<vmem>>
        %dma_start3A_304 = arith.constant 0 : i32
        %dma_start3A_305 = arith.constant 0 : i32
        %dma_start3A_306 = tpu.memref_slice %arg2[%dma_start3A_304, %dma_start3A_305] : memref<20000x64xf32, #tpu.memory_space<hbm>> -> memref<20000x64xf32, #tpu.memory_space<hbm>>
        tpu.enqueue_indirect_dma source(%dma_start3A_306 : memref<20000x64xf32, #tpu.memory_space<hbm>>) target(%arg10 : memref<128x64xf32, #tpu.memory_space<vmem>>) offsets(%dma_start3A_303 : memref<128xi32, #tpu.memory_space<vmem>>) semaphore(%arg16 : memref<!tpu.dma_semaphore, #tpu.memory_space<semaphore_mem>>)
      } else {
      }
      %mul3A_237 = arith.constant 5 : i32
      %mul3A_238 = arith.muli %mul3A_237, %scan3A_155 : i32
      %add3A_239 = arith.constant 3 : i32
      %add3A_240 = arith.addi %mul3A_238, %add3A_239 : i32
      %dma_wait3A_241 = arith.constant 0 : i32
      %dma_wait3A_242 = tpu.memref_slice %arg8[%add3A_240, %dma_wait3A_241] : memref<160x128xi32, #tpu.memory_space<vmem>> -> memref<1x128xi32, #tpu.memory_space<vmem>>
      %dma_wait3A_243 = tpu.memref_squeeze %dma_wait3A_242 : memref<1x128xi32, #tpu.memory_space<vmem>> -> memref<128xi32, #tpu.memory_space<vmem>>
      %dma_wait3A_244 = arith.constant 0 : i32
      %dma_wait3A_245 = arith.constant 0 : i32
      %dma_wait3A_246 = tpu.memref_slice %arg2[%dma_wait3A_244, %dma_wait3A_245] : memref<20000x64xf32, #tpu.memory_space<hbm>> -> memref<20000x64xf32, #tpu.memory_space<hbm>>
      tpu.wait_indirect_dma semaphore(%arg16 : memref<!tpu.dma_semaphore, #tpu.memory_space<semaphore_mem>>) src(%dma_wait3A_246 : memref<20000x64xf32, #tpu.memory_space<hbm>>) dst(%arg13 : memref<128x64xf32, #tpu.memory_space<vmem>>)
      %dma_start3A_247 = arith.constant 0 : i32
      %dma_start3A_248 = tpu.memref_slice %arg9[%add3A_240, %dma_start3A_247] : memref<160x128xi32, #tpu.memory_space<vmem>> -> memref<1x128xi32, #tpu.memory_space<vmem>>
      %dma_start3A_249 = tpu.memref_squeeze %dma_start3A_248 : memref<1x128xi32, #tpu.memory_space<vmem>> -> memref<128xi32, #tpu.memory_space<vmem>>
      %dma_start3A_250 = arith.constant 0 : i32
      %dma_start3A_251 = arith.constant 0 : i32
      %dma_start3A_252 = tpu.memref_slice %arg15[%dma_start3A_250, %dma_start3A_251] : memref<10240x64xf32, #tpu.memory_space<vmem_shared>> -> memref<10240x64xf32, #tpu.memory_space<vmem_shared>>
      tpu.enqueue_indirect_dma source(%arg13 : memref<128x64xf32, #tpu.memory_space<vmem>>) target(%dma_start3A_252 : memref<10240x64xf32, #tpu.memory_space<vmem_shared>>) offsets(%dma_start3A_249 : memref<128xi32, #tpu.memory_space<vmem>>) semaphore(%arg17 : memref<!tpu.dma_semaphore, #tpu.memory_space<semaphore_mem>>) {add = true}
      %sub3A_253 = arith.constant 2 : i32
      %sub3A_254 = arith.subi %add3A_240, %sub3A_253 : i32
      %add3A_255 = arith.constant 5 : i32
      %add3A_256 = arith.addi %sub3A_254, %add3A_255 : i32
      %ge3A_257 = arith.constant 2 : i32
      %ge3A_258 = arith.cmpi sge, %add3A_240, %ge3A_257 : i32
      %lt3A_259 = arith.constant 160 : i32
      %lt3A_260 = arith.cmpi slt, %add3A_256, %lt3A_259 : i32
      %and3A_261 = arith.andi %ge3A_258, %lt3A_260 : i1
      %convert_element_type3A_262 = arith.extui %and3A_261 : i1 to i32
      %cond3A_263 = arith.constant 0 : i32
      %cond3A_264 = arith.cmpi ne, %convert_element_type3A_262, %cond3A_263 : i32
      scf.if %cond3A_264 {
        %sub3A_293 = arith.constant 2 : i32
        %sub3A_294 = arith.subi %add3A_240, %sub3A_293 : i32
        %dma_wait3A_295 = arith.constant 0 : i32
        %dma_wait3A_296 = tpu.memref_slice %arg9[%sub3A_294, %dma_wait3A_295] : memref<160x128xi32, #tpu.memory_space<vmem>> -> memref<1x128xi32, #tpu.memory_space<vmem>>
        %dma_wait3A_297 = tpu.memref_squeeze %dma_wait3A_296 : memref<1x128xi32, #tpu.memory_space<vmem>> -> memref<128xi32, #tpu.memory_space<vmem>>
        %dma_wait3A_298 = arith.constant 0 : i32
        %dma_wait3A_299 = arith.constant 0 : i32
        %dma_wait3A_300 = tpu.memref_slice %arg15[%dma_wait3A_298, %dma_wait3A_299] : memref<10240x64xf32, #tpu.memory_space<vmem_shared>> -> memref<10240x64xf32, #tpu.memory_space<vmem_shared>>
        tpu.wait_indirect_dma semaphore(%arg17 : memref<!tpu.dma_semaphore, #tpu.memory_space<semaphore_mem>>) src(%arg11 : memref<128x64xf32, #tpu.memory_space<vmem>>) dst(%dma_wait3A_300 : memref<10240x64xf32, #tpu.memory_space<vmem_shared>>)
        %dma_start3A_301 = arith.constant 0 : i32
        %dma_start3A_302 = tpu.memref_slice %arg8[%add3A_256, %dma_start3A_301] : memref<160x128xi32, #tpu.memory_space<vmem>> -> memref<1x128xi32, #tpu.memory_space<vmem>>
        %dma_start3A_303 = tpu.memref_squeeze %dma_start3A_302 : memref<1x128xi32, #tpu.memory_space<vmem>> -> memref<128xi32, #tpu.memory_space<vmem>>
        %dma_start3A_304 = arith.constant 0 : i32
        %dma_start3A_305 = arith.constant 0 : i32
        %dma_start3A_306 = tpu.memref_slice %arg2[%dma_start3A_304, %dma_start3A_305] : memref<20000x64xf32, #tpu.memory_space<hbm>> -> memref<20000x64xf32, #tpu.memory_space<hbm>>
        tpu.enqueue_indirect_dma source(%dma_start3A_306 : memref<20000x64xf32, #tpu.memory_space<hbm>>) target(%arg11 : memref<128x64xf32, #tpu.memory_space<vmem>>) offsets(%dma_start3A_303 : memref<128xi32, #tpu.memory_space<vmem>>) semaphore(%arg16 : memref<!tpu.dma_semaphore, #tpu.memory_space<semaphore_mem>>)
      } else {
      }
      %mul3A_265 = arith.constant 5 : i32
      %mul3A_266 = arith.muli %mul3A_265, %scan3A_155 : i32
      %add3A_267 = arith.constant 4 : i32
      %add3A_268 = arith.addi %mul3A_266, %add3A_267 : i32
      %dma_wait3A_269 = arith.constant 0 : i32
      %dma_wait3A_270 = tpu.memref_slice %arg8[%add3A_268, %dma_wait3A_269] : memref<160x128xi32, #tpu.memory_space<vmem>> -> memref<1x128xi32, #tpu.memory_space<vmem>>
      %dma_wait3A_271 = tpu.memref_squeeze %dma_wait3A_270 : memref<1x128xi32, #tpu.memory_space<vmem>> -> memref<128xi32, #tpu.memory_space<vmem>>
      %dma_wait3A_272 = arith.constant 0 : i32
      %dma_wait3A_273 = arith.constant 0 : i32
      %dma_wait3A_274 = tpu.memref_slice %arg2[%dma_wait3A_272, %dma_wait3A_273] : memref<20000x64xf32, #tpu.memory_space<hbm>> -> memref<20000x64xf32, #tpu.memory_space<hbm>>
      tpu.wait_indirect_dma semaphore(%arg16 : memref<!tpu.dma_semaphore, #tpu.memory_space<semaphore_mem>>) src(%dma_wait3A_274 : memref<20000x64xf32, #tpu.memory_space<hbm>>) dst(%arg14 : memref<128x64xf32, #tpu.memory_space<vmem>>)
      %dma_start3A_275 = arith.constant 0 : i32
      %dma_start3A_276 = tpu.memref_slice %arg9[%add3A_268, %dma_start3A_275] : memref<160x128xi32, #tpu.memory_space<vmem>> -> memref<1x128xi32, #tpu.memory_space<vmem>>
      %dma_start3A_277 = tpu.memref_squeeze %dma_start3A_276 : memref<1x128xi32, #tpu.memory_space<vmem>> -> memref<128xi32, #tpu.memory_space<vmem>>
      %dma_start3A_278 = arith.constant 0 : i32
      %dma_start3A_279 = arith.constant 0 : i32
      %dma_start3A_280 = tpu.memref_slice %arg15[%dma_start3A_278, %dma_start3A_279] : memref<10240x64xf32, #tpu.memory_space<vmem_shared>> -> memref<10240x64xf32, #tpu.memory_space<vmem_shared>>
      tpu.enqueue_indirect_dma source(%arg14 : memref<128x64xf32, #tpu.memory_space<vmem>>) target(%dma_start3A_280 : memref<10240x64xf32, #tpu.memory_space<vmem_shared>>) offsets(%dma_start3A_277 : memref<128xi32, #tpu.memory_space<vmem>>) semaphore(%arg17 : memref<!tpu.dma_semaphore, #tpu.memory_space<semaphore_mem>>) {add = true}
      %sub3A_281 = arith.constant 2 : i32
      %sub3A_282 = arith.subi %add3A_268, %sub3A_281 : i32
      %add3A_283 = arith.constant 5 : i32
      %add3A_284 = arith.addi %sub3A_282, %add3A_283 : i32
      %ge3A_285 = arith.constant 2 : i32
      %ge3A_286 = arith.cmpi sge, %add3A_268, %ge3A_285 : i32
      %lt3A_287 = arith.constant 160 : i32
      %lt3A_288 = arith.cmpi slt, %add3A_284, %lt3A_287 : i32
      %and3A_289 = arith.andi %ge3A_286, %lt3A_288 : i1
      %convert_element_type3A_290 = arith.extui %and3A_289 : i1 to i32
      %cond3A_291 = arith.constant 0 : i32
      %cond3A_292 = arith.cmpi ne, %convert_element_type3A_290, %cond3A_291 : i32
      scf.if %cond3A_292 {
        %sub3A_293 = arith.constant 2 : i32
        %sub3A_294 = arith.subi %add3A_268, %sub3A_293 : i32
        %dma_wait3A_295 = arith.constant 0 : i32
        %dma_wait3A_296 = tpu.memref_slice %arg9[%sub3A_294, %dma_wait3A_295] : memref<160x128xi32, #tpu.memory_space<vmem>> -> memref<1x128xi32, #tpu.memory_space<vmem>>
        %dma_wait3A_297 = tpu.memref_squeeze %dma_wait3A_296 : memref<1x128xi32, #tpu.memory_space<vmem>> -> memref<128xi32, #tpu.memory_space<vmem>>
        %dma_wait3A_298 = arith.constant 0 : i32
        %dma_wait3A_299 = arith.constant 0 : i32
        %dma_wait3A_300 = tpu.memref_slice %arg15[%dma_wait3A_298, %dma_wait3A_299] : memref<10240x64xf32, #tpu.memory_space<vmem_shared>> -> memref<10240x64xf32, #tpu.memory_space<vmem_shared>>
        tpu.wait_indirect_dma semaphore(%arg17 : memref<!tpu.dma_semaphore, #tpu.memory_space<semaphore_mem>>) src(%arg12 : memref<128x64xf32, #tpu.memory_space<vmem>>) dst(%dma_wait3A_300 : memref<10240x64xf32, #tpu.memory_space<vmem_shared>>)
        %dma_start3A_301 = arith.constant 0 : i32
        %dma_start3A_302 = tpu.memref_slice %arg8[%add3A_284, %dma_start3A_301] : memref<160x128xi32, #tpu.memory_space<vmem>> -> memref<1x128xi32, #tpu.memory_space<vmem>>
        %dma_start3A_303 = tpu.memref_squeeze %dma_start3A_302 : memref<1x128xi32, #tpu.memory_space<vmem>> -> memref<128xi32, #tpu.memory_space<vmem>>
        %dma_start3A_304 = arith.constant 0 : i32
        %dma_start3A_305 = arith.constant 0 : i32
        %dma_start3A_306 = tpu.memref_slice %arg2[%dma_start3A_304, %dma_start3A_305] : memref<20000x64xf32, #tpu.memory_space<hbm>> -> memref<20000x64xf32, #tpu.memory_space<hbm>>
        tpu.enqueue_indirect_dma source(%dma_start3A_306 : memref<20000x64xf32, #tpu.memory_space<hbm>>) target(%arg12 : memref<128x64xf32, #tpu.memory_space<vmem>>) offsets(%dma_start3A_303 : memref<128xi32, #tpu.memory_space<vmem>>) semaphore(%arg16 : memref<!tpu.dma_semaphore, #tpu.memory_space<semaphore_mem>>)
      } else {
      }
    }
    %scan3A_84 = arith.constant 32 : i32
    %dma_wait3A = arith.constant 155 : i32
    %dma_wait3A_85 = arith.constant 0 : i32
    %dma_wait3A_86 = tpu.memref_slice %arg9[%dma_wait3A, %dma_wait3A_85] : memref<160x128xi32, #tpu.memory_space<vmem>> -> memref<1x128xi32, #tpu.memory_space<vmem>>
    %dma_wait3A_87 = tpu.memref_squeeze %dma_wait3A_86 : memref<1x128xi32, #tpu.memory_space<vmem>> -> memref<128xi32, #tpu.memory_space<vmem>>
    %dma_wait3A_88 = arith.constant 0 : i32
    %dma_wait3A_89 = arith.constant 0 : i32
    %dma_wait3A_90 = tpu.memref_slice %arg15[%dma_wait3A_88, %dma_wait3A_89] : memref<10240x64xf32, #tpu.memory_space<vmem_shared>> -> memref<10240x64xf32, #tpu.memory_space<vmem_shared>>
    tpu.wait_indirect_dma semaphore(%arg17 : memref<!tpu.dma_semaphore, #tpu.memory_space<semaphore_mem>>) src(%arg10 : memref<128x64xf32, #tpu.memory_space<vmem>>) dst(%dma_wait3A_90 : memref<10240x64xf32, #tpu.memory_space<vmem_shared>>)
    %dma_wait3A_91 = arith.constant 156 : i32
    %dma_wait3A_92 = arith.constant 0 : i32
    %dma_wait3A_93 = tpu.memref_slice %arg9[%dma_wait3A_91, %dma_wait3A_92] : memref<160x128xi32, #tpu.memory_space<vmem>> -> memref<1x128xi32, #tpu.memory_space<vmem>>
    %dma_wait3A_94 = tpu.memref_squeeze %dma_wait3A_93 : memref<1x128xi32, #tpu.memory_space<vmem>> -> memref<128xi32, #tpu.memory_space<vmem>>
    %dma_wait3A_95 = arith.constant 0 : i32
    %dma_wait3A_96 = arith.constant 0 : i32
    %dma_wait3A_97 = tpu.memref_slice %arg15[%dma_wait3A_95, %dma_wait3A_96] : memref<10240x64xf32, #tpu.memory_space<vmem_shared>> -> memref<10240x64xf32, #tpu.memory_space<vmem_shared>>
    tpu.wait_indirect_dma semaphore(%arg17 : memref<!tpu.dma_semaphore, #tpu.memory_space<semaphore_mem>>) src(%arg11 : memref<128x64xf32, #tpu.memory_space<vmem>>) dst(%dma_wait3A_97 : memref<10240x64xf32, #tpu.memory_space<vmem_shared>>)
    %dma_wait3A_98 = arith.constant 157 : i32
    %dma_wait3A_99 = arith.constant 0 : i32
    %dma_wait3A_100 = tpu.memref_slice %arg9[%dma_wait3A_98, %dma_wait3A_99] : memref<160x128xi32, #tpu.memory_space<vmem>> -> memref<1x128xi32, #tpu.memory_space<vmem>>
    %dma_wait3A_101 = tpu.memref_squeeze %dma_wait3A_100 : memref<1x128xi32, #tpu.memory_space<vmem>> -> memref<128xi32, #tpu.memory_space<vmem>>
    %dma_wait3A_102 = arith.constant 0 : i32
    %dma_wait3A_103 = arith.constant 0 : i32
    %dma_wait3A_104 = tpu.memref_slice %arg15[%dma_wait3A_102, %dma_wait3A_103] : memref<10240x64xf32, #tpu.memory_space<vmem_shared>> -> memref<10240x64xf32, #tpu.memory_space<vmem_shared>>
    tpu.wait_indirect_dma semaphore(%arg17 : memref<!tpu.dma_semaphore, #tpu.memory_space<semaphore_mem>>) src(%arg12 : memref<128x64xf32, #tpu.memory_space<vmem>>) dst(%dma_wait3A_104 : memref<10240x64xf32, #tpu.memory_space<vmem_shared>>)
    %dma_wait3A_105 = arith.constant 158 : i32
    %dma_wait3A_106 = arith.constant 0 : i32
    %dma_wait3A_107 = tpu.memref_slice %arg9[%dma_wait3A_105, %dma_wait3A_106] : memref<160x128xi32, #tpu.memory_space<vmem>> -> memref<1x128xi32, #tpu.memory_space<vmem>>
    %dma_wait3A_108 = tpu.memref_squeeze %dma_wait3A_107 : memref<1x128xi32, #tpu.memory_space<vmem>> -> memref<128xi32, #tpu.memory_space<vmem>>
    %dma_wait3A_109 = arith.constant 0 : i32
    %dma_wait3A_110 = arith.constant 0 : i32
    %dma_wait3A_111 = tpu.memref_slice %arg15[%dma_wait3A_109, %dma_wait3A_110] : memref<10240x64xf32, #tpu.memory_space<vmem_shared>> -> memref<10240x64xf32, #tpu.memory_space<vmem_shared>>
    tpu.wait_indirect_dma semaphore(%arg17 : memref<!tpu.dma_semaphore, #tpu.memory_space<semaphore_mem>>) src(%arg13 : memref<128x64xf32, #tpu.memory_space<vmem>>) dst(%dma_wait3A_111 : memref<10240x64xf32, #tpu.memory_space<vmem_shared>>)
    %dma_wait3A_112 = arith.constant 159 : i32
    %dma_wait3A_113 = arith.constant 0 : i32
    %dma_wait3A_114 = tpu.memref_slice %arg9[%dma_wait3A_112, %dma_wait3A_113] : memref<160x128xi32, #tpu.memory_space<vmem>> -> memref<1x128xi32, #tpu.memory_space<vmem>>
    %dma_wait3A_115 = tpu.memref_squeeze %dma_wait3A_114 : memref<1x128xi32, #tpu.memory_space<vmem>> -> memref<128xi32, #tpu.memory_space<vmem>>
    %dma_wait3A_116 = arith.constant 0 : i32
    %dma_wait3A_117 = arith.constant 0 : i32
    %dma_wait3A_118 = tpu.memref_slice %arg15[%dma_wait3A_116, %dma_wait3A_117] : memref<10240x64xf32, #tpu.memory_space<vmem_shared>> -> memref<10240x64xf32, #tpu.memory_space<vmem_shared>>
    tpu.wait_indirect_dma semaphore(%arg17 : memref<!tpu.dma_semaphore, #tpu.memory_space<semaphore_mem>>) src(%arg14 : memref<128x64xf32, #tpu.memory_space<vmem>>) dst(%dma_wait3A_118 : memref<10240x64xf32, #tpu.memory_space<vmem_shared>>)
    %barrier3A_119 = arith.constant 0 : index
    tpu.barrier barrier_id(%barrier3A_119)
    %mul3A_120 = arith.constant 640 : i32
    %mul3A_121 = arith.muli %arg1, %mul3A_120 : i32
    %add3A_122 = arith.constant 0 : i32
    %add3A_123 = arith.addi %mul3A_121, %add3A_122 : i32
    "tpu.region"() ({
      %run_scoped3A = tpu.sem_alloc : memref<!tpu.dma_semaphore, #tpu.memory_space<semaphore_mem>>
      %dma_start3A_155 = arith.constant 0 : i32
      %dma_start3A_156 = tpu.memref_slice %arg15[%add3A_123, %dma_start3A_155] : memref<10240x64xf32, #tpu.memory_space<vmem_shared>> -> memref<128x64xf32, #tpu.memory_space<vmem_shared>>
      %dma_start3A_157 = arith.constant 0 : i32
      %dma_start3A_158 = tpu.memref_slice %arg15[%add3A_123, %dma_start3A_157] : memref<10240x64xf32, #tpu.memory_space<vmem_shared>> -> memref<128x64xf32, #tpu.memory_space<vmem_shared>>
      tpu.enqueue_dma source(%dma_start3A_158 : memref<128x64xf32, #tpu.memory_space<vmem_shared>>) target(%arg10 : memref<128x64xf32, #tpu.memory_space<vmem>>) target_semaphore(%run_scoped3A : memref<!tpu.dma_semaphore, #tpu.memory_space<semaphore_mem>>)
      %dma_wait3A_159 = arith.constant 0 : i32
      %dma_wait3A_160 = tpu.memref_slice %arg15[%add3A_123, %dma_wait3A_159] : memref<10240x64xf32, #tpu.memory_space<vmem_shared>> -> memref<128x64xf32, #tpu.memory_space<vmem_shared>>
      %dma_wait3A_161 = arith.constant 0 : i32
      %dma_wait3A_162 = tpu.memref_slice %arg15[%add3A_123, %dma_wait3A_161] : memref<10240x64xf32, #tpu.memory_space<vmem_shared>> -> memref<128x64xf32, #tpu.memory_space<vmem_shared>>
      tpu.wait_dma2 semaphore(%run_scoped3A : memref<!tpu.dma_semaphore, #tpu.memory_space<semaphore_mem>>) src(%dma_wait3A_162 : memref<128x64xf32, #tpu.memory_space<vmem_shared>>) dst(%arg10 : memref<128x64xf32, #tpu.memory_space<vmem>>)
      tpu.yield
    }) : () -> ()
    %mul3A_124 = arith.constant 10240 : i32
    %mul3A_125 = arith.muli %arg0, %mul3A_124 : i32
    %add3A_126 = arith.addi %mul3A_125, %add3A_123 : i32
    "tpu.region"() ({
      %run_scoped3A = tpu.sem_alloc : memref<!tpu.dma_semaphore, #tpu.memory_space<semaphore_mem>>
      %dma_start3A_155 = arith.constant 0 : i32
      %dma_start3A_156 = tpu.memref_slice %arg7[%add3A_126, %dma_start3A_155] : memref<20480x64xf32, #tpu.memory_space<hbm>> -> memref<128x64xf32, #tpu.memory_space<hbm>>
      %dma_start3A_157 = arith.constant 0 : i32
      %dma_start3A_158 = tpu.memref_slice %arg7[%add3A_126, %dma_start3A_157] : memref<20480x64xf32, #tpu.memory_space<hbm>> -> memref<128x64xf32, #tpu.memory_space<hbm>>
      tpu.enqueue_dma source(%arg10 : memref<128x64xf32, #tpu.memory_space<vmem>>) target(%dma_start3A_158 : memref<128x64xf32, #tpu.memory_space<hbm>>) target_semaphore(%run_scoped3A : memref<!tpu.dma_semaphore, #tpu.memory_space<semaphore_mem>>)
      %dma_wait3A_159 = arith.constant 0 : i32
      %dma_wait3A_160 = tpu.memref_slice %arg7[%add3A_126, %dma_wait3A_159] : memref<20480x64xf32, #tpu.memory_space<hbm>> -> memref<128x64xf32, #tpu.memory_space<hbm>>
      %dma_wait3A_161 = arith.constant 0 : i32
      %dma_wait3A_162 = tpu.memref_slice %arg7[%add3A_126, %dma_wait3A_161] : memref<20480x64xf32, #tpu.memory_space<hbm>> -> memref<128x64xf32, #tpu.memory_space<hbm>>
      tpu.wait_dma2 semaphore(%run_scoped3A : memref<!tpu.dma_semaphore, #tpu.memory_space<semaphore_mem>>) src(%arg10 : memref<128x64xf32, #tpu.memory_space<vmem>>) dst(%dma_wait3A_162 : memref<128x64xf32, #tpu.memory_space<hbm>>)
      tpu.yield
    }) : () -> ()
    %mul3A_127 = arith.constant 640 : i32
    %mul3A_128 = arith.muli %arg1, %mul3A_127 : i32
    %add3A_129 = arith.constant 128 : i32
    %add3A_130 = arith.addi %mul3A_128, %add3A_129 : i32
    "tpu.region"() ({
      %run_scoped3A = tpu.sem_alloc : memref<!tpu.dma_semaphore, #tpu.memory_space<semaphore_mem>>
      %dma_start3A_155 = arith.constant 0 : i32
      %dma_start3A_156 = tpu.memref_slice %arg15[%add3A_130, %dma_start3A_155] : memref<10240x64xf32, #tpu.memory_space<vmem_shared>> -> memref<128x64xf32, #tpu.memory_space<vmem_shared>>
      %dma_start3A_157 = arith.constant 0 : i32
      %dma_start3A_158 = tpu.memref_slice %arg15[%add3A_130, %dma_start3A_157] : memref<10240x64xf32, #tpu.memory_space<vmem_shared>> -> memref<128x64xf32, #tpu.memory_space<vmem_shared>>
      tpu.enqueue_dma source(%dma_start3A_158 : memref<128x64xf32, #tpu.memory_space<vmem_shared>>) target(%arg10 : memref<128x64xf32, #tpu.memory_space<vmem>>) target_semaphore(%run_scoped3A : memref<!tpu.dma_semaphore, #tpu.memory_space<semaphore_mem>>)
      %dma_wait3A_159 = arith.constant 0 : i32
      %dma_wait3A_160 = tpu.memref_slice %arg15[%add3A_130, %dma_wait3A_159] : memref<10240x64xf32, #tpu.memory_space<vmem_shared>> -> memref<128x64xf32, #tpu.memory_space<vmem_shared>>
      %dma_wait3A_161 = arith.constant 0 : i32
      %dma_wait3A_162 = tpu.memref_slice %arg15[%add3A_130, %dma_wait3A_161] : memref<10240x64xf32, #tpu.memory_space<vmem_shared>> -> memref<128x64xf32, #tpu.memory_space<vmem_shared>>
      tpu.wait_dma2 semaphore(%run_scoped3A : memref<!tpu.dma_semaphore, #tpu.memory_space<semaphore_mem>>) src(%dma_wait3A_162 : memref<128x64xf32, #tpu.memory_space<vmem_shared>>) dst(%arg10 : memref<128x64xf32, #tpu.memory_space<vmem>>)
      tpu.yield
    }) : () -> ()
    %mul3A_131 = arith.constant 10240 : i32
    %mul3A_132 = arith.muli %arg0, %mul3A_131 : i32
    %add3A_133 = arith.addi %mul3A_132, %add3A_130 : i32
    "tpu.region"() ({
      %run_scoped3A = tpu.sem_alloc : memref<!tpu.dma_semaphore, #tpu.memory_space<semaphore_mem>>
      %dma_start3A_155 = arith.constant 0 : i32
      %dma_start3A_156 = tpu.memref_slice %arg7[%add3A_133, %dma_start3A_155] : memref<20480x64xf32, #tpu.memory_space<hbm>> -> memref<128x64xf32, #tpu.memory_space<hbm>>
      %dma_start3A_157 = arith.constant 0 : i32
      %dma_start3A_158 = tpu.memref_slice %arg7[%add3A_133, %dma_start3A_157] : memref<20480x64xf32, #tpu.memory_space<hbm>> -> memref<128x64xf32, #tpu.memory_space<hbm>>
      tpu.enqueue_dma source(%arg10 : memref<128x64xf32, #tpu.memory_space<vmem>>) target(%dma_start3A_158 : memref<128x64xf32, #tpu.memory_space<hbm>>) target_semaphore(%run_scoped3A : memref<!tpu.dma_semaphore, #tpu.memory_space<semaphore_mem>>)
      %dma_wait3A_159 = arith.constant 0 : i32
      %dma_wait3A_160 = tpu.memref_slice %arg7[%add3A_133, %dma_wait3A_159] : memref<20480x64xf32, #tpu.memory_space<hbm>> -> memref<128x64xf32, #tpu.memory_space<hbm>>
      %dma_wait3A_161 = arith.constant 0 : i32
      %dma_wait3A_162 = tpu.memref_slice %arg7[%add3A_133, %dma_wait3A_161] : memref<20480x64xf32, #tpu.memory_space<hbm>> -> memref<128x64xf32, #tpu.memory_space<hbm>>
      tpu.wait_dma2 semaphore(%run_scoped3A : memref<!tpu.dma_semaphore, #tpu.memory_space<semaphore_mem>>) src(%arg10 : memref<128x64xf32, #tpu.memory_space<vmem>>) dst(%dma_wait3A_162 : memref<128x64xf32, #tpu.memory_space<hbm>>)
      tpu.yield
    }) : () -> ()
    %mul3A_134 = arith.constant 640 : i32
    %mul3A_135 = arith.muli %arg1, %mul3A_134 : i32
    %add3A_136 = arith.constant 256 : i32
    %add3A_137 = arith.addi %mul3A_135, %add3A_136 : i32
    "tpu.region"() ({
      %run_scoped3A = tpu.sem_alloc : memref<!tpu.dma_semaphore, #tpu.memory_space<semaphore_mem>>
      %dma_start3A_155 = arith.constant 0 : i32
      %dma_start3A_156 = tpu.memref_slice %arg15[%add3A_137, %dma_start3A_155] : memref<10240x64xf32, #tpu.memory_space<vmem_shared>> -> memref<128x64xf32, #tpu.memory_space<vmem_shared>>
      %dma_start3A_157 = arith.constant 0 : i32
      %dma_start3A_158 = tpu.memref_slice %arg15[%add3A_137, %dma_start3A_157] : memref<10240x64xf32, #tpu.memory_space<vmem_shared>> -> memref<128x64xf32, #tpu.memory_space<vmem_shared>>
      tpu.enqueue_dma source(%dma_start3A_158 : memref<128x64xf32, #tpu.memory_space<vmem_shared>>) target(%arg10 : memref<128x64xf32, #tpu.memory_space<vmem>>) target_semaphore(%run_scoped3A : memref<!tpu.dma_semaphore, #tpu.memory_space<semaphore_mem>>)
      %dma_wait3A_159 = arith.constant 0 : i32
      %dma_wait3A_160 = tpu.memref_slice %arg15[%add3A_137, %dma_wait3A_159] : memref<10240x64xf32, #tpu.memory_space<vmem_shared>> -> memref<128x64xf32, #tpu.memory_space<vmem_shared>>
      %dma_wait3A_161 = arith.constant 0 : i32
      %dma_wait3A_162 = tpu.memref_slice %arg15[%add3A_137, %dma_wait3A_161] : memref<10240x64xf32, #tpu.memory_space<vmem_shared>> -> memref<128x64xf32, #tpu.memory_space<vmem_shared>>
      tpu.wait_dma2 semaphore(%run_scoped3A : memref<!tpu.dma_semaphore, #tpu.memory_space<semaphore_mem>>) src(%dma_wait3A_162 : memref<128x64xf32, #tpu.memory_space<vmem_shared>>) dst(%arg10 : memref<128x64xf32, #tpu.memory_space<vmem>>)
      tpu.yield
    }) : () -> ()
    %mul3A_138 = arith.constant 10240 : i32
    %mul3A_139 = arith.muli %arg0, %mul3A_138 : i32
    %add3A_140 = arith.addi %mul3A_139, %add3A_137 : i32
    "tpu.region"() ({
      %run_scoped3A = tpu.sem_alloc : memref<!tpu.dma_semaphore, #tpu.memory_space<semaphore_mem>>
      %dma_start3A_155 = arith.constant 0 : i32
      %dma_start3A_156 = tpu.memref_slice %arg7[%add3A_140, %dma_start3A_155] : memref<20480x64xf32, #tpu.memory_space<hbm>> -> memref<128x64xf32, #tpu.memory_space<hbm>>
      %dma_start3A_157 = arith.constant 0 : i32
      %dma_start3A_158 = tpu.memref_slice %arg7[%add3A_140, %dma_start3A_157] : memref<20480x64xf32, #tpu.memory_space<hbm>> -> memref<128x64xf32, #tpu.memory_space<hbm>>
      tpu.enqueue_dma source(%arg10 : memref<128x64xf32, #tpu.memory_space<vmem>>) target(%dma_start3A_158 : memref<128x64xf32, #tpu.memory_space<hbm>>) target_semaphore(%run_scoped3A : memref<!tpu.dma_semaphore, #tpu.memory_space<semaphore_mem>>)
      %dma_wait3A_159 = arith.constant 0 : i32
      %dma_wait3A_160 = tpu.memref_slice %arg7[%add3A_140, %dma_wait3A_159] : memref<20480x64xf32, #tpu.memory_space<hbm>> -> memref<128x64xf32, #tpu.memory_space<hbm>>
      %dma_wait3A_161 = arith.constant 0 : i32
      %dma_wait3A_162 = tpu.memref_slice %arg7[%add3A_140, %dma_wait3A_161] : memref<20480x64xf32, #tpu.memory_space<hbm>> -> memref<128x64xf32, #tpu.memory_space<hbm>>
      tpu.wait_dma2 semaphore(%run_scoped3A : memref<!tpu.dma_semaphore, #tpu.memory_space<semaphore_mem>>) src(%arg10 : memref<128x64xf32, #tpu.memory_space<vmem>>) dst(%dma_wait3A_162 : memref<128x64xf32, #tpu.memory_space<hbm>>)
      tpu.yield
    }) : () -> ()
    %mul3A_141 = arith.constant 640 : i32
    %mul3A_142 = arith.muli %arg1, %mul3A_141 : i32
    %add3A_143 = arith.constant 384 : i32
    %add3A_144 = arith.addi %mul3A_142, %add3A_143 : i32
    "tpu.region"() ({
      %run_scoped3A = tpu.sem_alloc : memref<!tpu.dma_semaphore, #tpu.memory_space<semaphore_mem>>
      %dma_start3A_155 = arith.constant 0 : i32
      %dma_start3A_156 = tpu.memref_slice %arg15[%add3A_144, %dma_start3A_155] : memref<10240x64xf32, #tpu.memory_space<vmem_shared>> -> memref<128x64xf32, #tpu.memory_space<vmem_shared>>
      %dma_start3A_157 = arith.constant 0 : i32
      %dma_start3A_158 = tpu.memref_slice %arg15[%add3A_144, %dma_start3A_157] : memref<10240x64xf32, #tpu.memory_space<vmem_shared>> -> memref<128x64xf32, #tpu.memory_space<vmem_shared>>
      tpu.enqueue_dma source(%dma_start3A_158 : memref<128x64xf32, #tpu.memory_space<vmem_shared>>) target(%arg10 : memref<128x64xf32, #tpu.memory_space<vmem>>) target_semaphore(%run_scoped3A : memref<!tpu.dma_semaphore, #tpu.memory_space<semaphore_mem>>)
      %dma_wait3A_159 = arith.constant 0 : i32
      %dma_wait3A_160 = tpu.memref_slice %arg15[%add3A_144, %dma_wait3A_159] : memref<10240x64xf32, #tpu.memory_space<vmem_shared>> -> memref<128x64xf32, #tpu.memory_space<vmem_shared>>
      %dma_wait3A_161 = arith.constant 0 : i32
      %dma_wait3A_162 = tpu.memref_slice %arg15[%add3A_144, %dma_wait3A_161] : memref<10240x64xf32, #tpu.memory_space<vmem_shared>> -> memref<128x64xf32, #tpu.memory_space<vmem_shared>>
      tpu.wait_dma2 semaphore(%run_scoped3A : memref<!tpu.dma_semaphore, #tpu.memory_space<semaphore_mem>>) src(%dma_wait3A_162 : memref<128x64xf32, #tpu.memory_space<vmem_shared>>) dst(%arg10 : memref<128x64xf32, #tpu.memory_space<vmem>>)
      tpu.yield
    }) : () -> ()
    %mul3A_145 = arith.constant 10240 : i32
    %mul3A_146 = arith.muli %arg0, %mul3A_145 : i32
    %add3A_147 = arith.addi %mul3A_146, %add3A_144 : i32
    "tpu.region"() ({
      %run_scoped3A = tpu.sem_alloc : memref<!tpu.dma_semaphore, #tpu.memory_space<semaphore_mem>>
      %dma_start3A_155 = arith.constant 0 : i32
      %dma_start3A_156 = tpu.memref_slice %arg7[%add3A_147, %dma_start3A_155] : memref<20480x64xf32, #tpu.memory_space<hbm>> -> memref<128x64xf32, #tpu.memory_space<hbm>>
      %dma_start3A_157 = arith.constant 0 : i32
      %dma_start3A_158 = tpu.memref_slice %arg7[%add3A_147, %dma_start3A_157] : memref<20480x64xf32, #tpu.memory_space<hbm>> -> memref<128x64xf32, #tpu.memory_space<hbm>>
      tpu.enqueue_dma source(%arg10 : memref<128x64xf32, #tpu.memory_space<vmem>>) target(%dma_start3A_158 : memref<128x64xf32, #tpu.memory_space<hbm>>) target_semaphore(%run_scoped3A : memref<!tpu.dma_semaphore, #tpu.memory_space<semaphore_mem>>)
      %dma_wait3A_159 = arith.constant 0 : i32
      %dma_wait3A_160 = tpu.memref_slice %arg7[%add3A_147, %dma_wait3A_159] : memref<20480x64xf32, #tpu.memory_space<hbm>> -> memref<128x64xf32, #tpu.memory_space<hbm>>
      %dma_wait3A_161 = arith.constant 0 : i32
      %dma_wait3A_162 = tpu.memref_slice %arg7[%add3A_147, %dma_wait3A_161] : memref<20480x64xf32, #tpu.memory_space<hbm>> -> memref<128x64xf32, #tpu.memory_space<hbm>>
      tpu.wait_dma2 semaphore(%run_scoped3A : memref<!tpu.dma_semaphore, #tpu.memory_space<semaphore_mem>>) src(%arg10 : memref<128x64xf32, #tpu.memory_space<vmem>>) dst(%dma_wait3A_162 : memref<128x64xf32, #tpu.memory_space<hbm>>)
      tpu.yield
    }) : () -> ()
    %mul3A_148 = arith.constant 640 : i32
    %mul3A_149 = arith.muli %arg1, %mul3A_148 : i32
    %add3A_150 = arith.constant 512 : i32
    %add3A_151 = arith.addi %mul3A_149, %add3A_150 : i32
    "tpu.region"() ({
      %run_scoped3A = tpu.sem_alloc : memref<!tpu.dma_semaphore, #tpu.memory_space<semaphore_mem>>
      %dma_start3A_155 = arith.constant 0 : i32
      %dma_start3A_156 = tpu.memref_slice %arg15[%add3A_151, %dma_start3A_155] : memref<10240x64xf32, #tpu.memory_space<vmem_shared>> -> memref<128x64xf32, #tpu.memory_space<vmem_shared>>
      %dma_start3A_157 = arith.constant 0 : i32
      %dma_start3A_158 = tpu.memref_slice %arg15[%add3A_151, %dma_start3A_157] : memref<10240x64xf32, #tpu.memory_space<vmem_shared>> -> memref<128x64xf32, #tpu.memory_space<vmem_shared>>
      tpu.enqueue_dma source(%dma_start3A_158 : memref<128x64xf32, #tpu.memory_space<vmem_shared>>) target(%arg10 : memref<128x64xf32, #tpu.memory_space<vmem>>) target_semaphore(%run_scoped3A : memref<!tpu.dma_semaphore, #tpu.memory_space<semaphore_mem>>)
      %dma_wait3A_159 = arith.constant 0 : i32
      %dma_wait3A_160 = tpu.memref_slice %arg15[%add3A_151, %dma_wait3A_159] : memref<10240x64xf32, #tpu.memory_space<vmem_shared>> -> memref<128x64xf32, #tpu.memory_space<vmem_shared>>
      %dma_wait3A_161 = arith.constant 0 : i32
      %dma_wait3A_162 = tpu.memref_slice %arg15[%add3A_151, %dma_wait3A_161] : memref<10240x64xf32, #tpu.memory_space<vmem_shared>> -> memref<128x64xf32, #tpu.memory_space<vmem_shared>>
      tpu.wait_dma2 semaphore(%run_scoped3A : memref<!tpu.dma_semaphore, #tpu.memory_space<semaphore_mem>>) src(%dma_wait3A_162 : memref<128x64xf32, #tpu.memory_space<vmem_shared>>) dst(%arg10 : memref<128x64xf32, #tpu.memory_space<vmem>>)
      tpu.yield
    }) : () -> ()
    %mul3A_152 = arith.constant 10240 : i32
    %mul3A_153 = arith.muli %arg0, %mul3A_152 : i32
    %add3A_154 = arith.addi %mul3A_153, %add3A_151 : i32
    "tpu.region"() ({
      %run_scoped3A = tpu.sem_alloc : memref<!tpu.dma_semaphore, #tpu.memory_space<semaphore_mem>>
      %dma_start3A_155 = arith.constant 0 : i32
      %dma_start3A_156 = tpu.memref_slice %arg7[%add3A_154, %dma_start3A_155] : memref<20480x64xf32, #tpu.memory_space<hbm>> -> memref<128x64xf32, #tpu.memory_space<hbm>>
      %dma_start3A_157 = arith.constant 0 : i32
      %dma_start3A_158 = tpu.memref_slice %arg7[%add3A_154, %dma_start3A_157] : memref<20480x64xf32, #tpu.memory_space<hbm>> -> memref<128x64xf32, #tpu.memory_space<hbm>>
      tpu.enqueue_dma source(%arg10 : memref<128x64xf32, #tpu.memory_space<vmem>>) target(%dma_start3A_158 : memref<128x64xf32, #tpu.memory_space<hbm>>) target_semaphore(%run_scoped3A : memref<!tpu.dma_semaphore, #tpu.memory_space<semaphore_mem>>)
      %dma_wait3A_159 = arith.constant 0 : i32
      %dma_wait3A_160 = tpu.memref_slice %arg7[%add3A_154, %dma_wait3A_159] : memref<20480x64xf32, #tpu.memory_space<hbm>> -> memref<128x64xf32, #tpu.memory_space<hbm>>
      %dma_wait3A_161 = arith.constant 0 : i32
      %dma_wait3A_162 = tpu.memref_slice %arg7[%add3A_154, %dma_wait3A_161] : memref<20480x64xf32, #tpu.memory_space<hbm>> -> memref<128x64xf32, #tpu.memory_space<hbm>>
      tpu.wait_dma2 semaphore(%run_scoped3A : memref<!tpu.dma_semaphore, #tpu.memory_space<semaphore_mem>>) src(%arg10 : memref<128x64xf32, #tpu.memory_space<vmem>>) dst(%dma_wait3A_162 : memref<128x64xf32, #tpu.memory_space<hbm>>)
      tpu.yield
    }) : () -> ()
    return
  }
}

#map = affine_map<(d0, d1) -> (0, 0)>
module attributes {stable_mosaic.version = 14 : i64} {
  func.func @_agg(%arg0: i32, %arg1: i32, %arg2: memref<10000x64xf32, #tpu.memory_space<hbm>>, %arg3: memref<2500x128xi32, #tpu.memory_space<hbm>>, %arg4: memref<2500x128xi32, #tpu.memory_space<hbm>>, %arg5: memref<60x128xi32, #tpu.memory_space<hbm>>, %arg6: memref<60x128xi32, #tpu.memory_space<hbm>>, %arg7: memref<20480x64xf32, #tpu.memory_space<hbm>>, %arg8: memref<80x128xi32, #tpu.memory_space<vmem>>, %arg9: memref<80x128xi32, #tpu.memory_space<vmem>>, %arg10: memref<128x64xf32, #tpu.memory_space<vmem>>, %arg11: memref<128x64xf32, #tpu.memory_space<vmem>>, %arg12: memref<128x64xf32, #tpu.memory_space<vmem>>, %arg13: memref<128x64xf32, #tpu.memory_space<vmem>>, %arg14: memref<128x64xf32, #tpu.memory_space<vmem>>, %arg15: memref<10240x64xf32, #tpu.memory_space<vmem_shared>>, %arg16: memref<!tpu.dma_semaphore, #tpu.memory_space<semaphore_mem>>, %arg17: memref<!tpu.dma_semaphore, #tpu.memory_space<semaphore_mem>>) attributes {dimension_semantics = [#tpu.dimension_semantics<core_parallel>, #tpu.dimension_semantics<subcore_parallel>], iteration_bounds = array<i64: 2, 16>, scalar_prefetch = 0 : i64, scratch_operands = 10 : i64, tpu.core_type = #tpu.core_type<sc_vector_subcore>, window_params = [{transform_indices = #map}, {transform_indices = #map}, {transform_indices = #map}, {transform_indices = #map}, {transform_indices = #map}, {transform_indices = #map}]} {
    %mul3A = arith.constant 16 : i32
    %mul3A_0 = arith.muli %arg0, %mul3A : i32
    %add3A = arith.addi %mul3A_0, %arg1 : i32
    %scan3A = arith.constant 0 : i32
    %scan3A_1 = arith.constant 0 : i32
    %scan3A_2 = arith.constant 128 : i32
    %scan3A_3 = arith.addi %scan3A_1, %scan3A_2 : i32
    %scan3A_4 = arith.constant 1 : i32
    scf.for %scan3A_152 = %scan3A_1 to %scan3A_3 step %scan3A_4  : i32 {
      %broadcast_in_dim3A = arith.constant 0.000000e+00 : f32
      %broadcast_in_dim3A_153 = vector.broadcast %broadcast_in_dim3A : f32 to vector<16xf32>
      %swap3A = arith.index_cast %scan3A_152 : i32 to index
      %swap3A_154 = arith.constant 0 : index
      %swap3A_155 = tpu.vector_load %arg10[%swap3A, %swap3A_154] {strides = array<i32>} : memref<128x64xf32, #tpu.memory_space<vmem>>, vector<1x16xf32>,
      %swap3A_156 = vector.shape_cast %swap3A_155 : vector<1x16xf32> to vector<16xf32>
      %swap3A_157 = vector.shape_cast %broadcast_in_dim3A_153 : vector<16xf32> to vector<1x16xf32>
      tpu.vector_store %arg10[%swap3A, %swap3A_154], %swap3A_157 {strides = array<i32>} : memref<128x64xf32, #tpu.memory_space<vmem>>, vector<1x16xf32>,
      %broadcast_in_dim3A_158 = arith.constant 0.000000e+00 : f32
      %broadcast_in_dim3A_159 = vector.broadcast %broadcast_in_dim3A_158 : f32 to vector<16xf32>
      %swap3A_160 = arith.index_cast %scan3A_152 : i32 to index
      %swap3A_161 = arith.constant 16 : index
      %swap3A_162 = tpu.vector_load %arg10[%swap3A_160, %swap3A_161] {strides = array<i32>} : memref<128x64xf32, #tpu.memory_space<vmem>>, vector<1x16xf32>,
      %swap3A_163 = vector.shape_cast %swap3A_162 : vector<1x16xf32> to vector<16xf32>
      %swap3A_164 = vector.shape_cast %broadcast_in_dim3A_159 : vector<16xf32> to vector<1x16xf32>
      tpu.vector_store %arg10[%swap3A_160, %swap3A_161], %swap3A_164 {strides = array<i32>} : memref<128x64xf32, #tpu.memory_space<vmem>>, vector<1x16xf32>,
      %broadcast_in_dim3A_165 = arith.constant 0.000000e+00 : f32
      %broadcast_in_dim3A_166 = vector.broadcast %broadcast_in_dim3A_165 : f32 to vector<16xf32>
      %swap3A_167 = arith.index_cast %scan3A_152 : i32 to index
      %swap3A_168 = arith.constant 32 : index
      %swap3A_169 = tpu.vector_load %arg10[%swap3A_167, %swap3A_168] {strides = array<i32>} : memref<128x64xf32, #tpu.memory_space<vmem>>, vector<1x16xf32>,
      %swap3A_170 = vector.shape_cast %swap3A_169 : vector<1x16xf32> to vector<16xf32>
      %swap3A_171 = vector.shape_cast %broadcast_in_dim3A_166 : vector<16xf32> to vector<1x16xf32>
      tpu.vector_store %arg10[%swap3A_167, %swap3A_168], %swap3A_171 {strides = array<i32>} : memref<128x64xf32, #tpu.memory_space<vmem>>, vector<1x16xf32>,
      %broadcast_in_dim3A_172 = arith.constant 0.000000e+00 : f32
      %broadcast_in_dim3A_173 = vector.broadcast %broadcast_in_dim3A_172 : f32 to vector<16xf32>
      %swap3A_174 = arith.index_cast %scan3A_152 : i32 to index
      %swap3A_175 = arith.constant 48 : index
      %swap3A_176 = tpu.vector_load %arg10[%swap3A_174, %swap3A_175] {strides = array<i32>} : memref<128x64xf32, #tpu.memory_space<vmem>>, vector<1x16xf32>,
      %swap3A_177 = vector.shape_cast %swap3A_176 : vector<1x16xf32> to vector<16xf32>
      %swap3A_178 = vector.shape_cast %broadcast_in_dim3A_173 : vector<16xf32> to vector<1x16xf32>
      tpu.vector_store %arg10[%swap3A_174, %swap3A_175], %swap3A_178 {strides = array<i32>} : memref<128x64xf32, #tpu.memory_space<vmem>>, vector<1x16xf32>,
    }
    %scan3A_5 = arith.constant 128 : i32
    %mul3A_6 = arith.constant 640 : i32
    %mul3A_7 = arith.muli %arg1, %mul3A_6 : i32
    %add3A_8 = arith.constant 0 : i32
    %add3A_9 = arith.addi %mul3A_7, %add3A_8 : i32
    "tpu.region"() ({
      %run_scoped3A = tpu.sem_alloc : memref<!tpu.dma_semaphore, #tpu.memory_space<semaphore_mem>>
      %dma_start3A_152 = arith.constant 0 : i32
      %dma_start3A_153 = tpu.memref_slice %arg15[%add3A_9, %dma_start3A_152] : memref<10240x64xf32, #tpu.memory_space<vmem_shared>> -> memref<128x64xf32, #tpu.memory_space<vmem_shared>>
      %dma_start3A_154 = arith.constant 0 : i32
      %dma_start3A_155 = tpu.memref_slice %arg15[%add3A_9, %dma_start3A_154] : memref<10240x64xf32, #tpu.memory_space<vmem_shared>> -> memref<128x64xf32, #tpu.memory_space<vmem_shared>>
      tpu.enqueue_dma source(%arg10 : memref<128x64xf32, #tpu.memory_space<vmem>>) target(%dma_start3A_155 : memref<128x64xf32, #tpu.memory_space<vmem_shared>>) target_semaphore(%run_scoped3A : memref<!tpu.dma_semaphore, #tpu.memory_space<semaphore_mem>>)
      %dma_wait3A_156 = arith.constant 0 : i32
      %dma_wait3A_157 = tpu.memref_slice %arg15[%add3A_9, %dma_wait3A_156] : memref<10240x64xf32, #tpu.memory_space<vmem_shared>> -> memref<128x64xf32, #tpu.memory_space<vmem_shared>>
      %dma_wait3A_158 = arith.constant 0 : i32
      %dma_wait3A_159 = tpu.memref_slice %arg15[%add3A_9, %dma_wait3A_158] : memref<10240x64xf32, #tpu.memory_space<vmem_shared>> -> memref<128x64xf32, #tpu.memory_space<vmem_shared>>
      tpu.wait_dma2 semaphore(%run_scoped3A : memref<!tpu.dma_semaphore, #tpu.memory_space<semaphore_mem>>) src(%arg10 : memref<128x64xf32, #tpu.memory_space<vmem>>) dst(%dma_wait3A_159 : memref<128x64xf32, #tpu.memory_space<vmem_shared>>)
      tpu.yield
    }) : () -> ()
    %mul3A_10 = arith.constant 640 : i32
    %mul3A_11 = arith.muli %arg1, %mul3A_10 : i32
    %add3A_12 = arith.constant 128 : i32
    %add3A_13 = arith.addi %mul3A_11, %add3A_12 : i32
    "tpu.region"() ({
      %run_scoped3A = tpu.sem_alloc : memref<!tpu.dma_semaphore, #tpu.memory_space<semaphore_mem>>
      %dma_start3A_152 = arith.constant 0 : i32
      %dma_start3A_153 = tpu.memref_slice %arg15[%add3A_13, %dma_start3A_152] : memref<10240x64xf32, #tpu.memory_space<vmem_shared>> -> memref<128x64xf32, #tpu.memory_space<vmem_shared>>
      %dma_start3A_154 = arith.constant 0 : i32
      %dma_start3A_155 = tpu.memref_slice %arg15[%add3A_13, %dma_start3A_154] : memref<10240x64xf32, #tpu.memory_space<vmem_shared>> -> memref<128x64xf32, #tpu.memory_space<vmem_shared>>
      tpu.enqueue_dma source(%arg10 : memref<128x64xf32, #tpu.memory_space<vmem>>) target(%dma_start3A_155 : memref<128x64xf32, #tpu.memory_space<vmem_shared>>) target_semaphore(%run_scoped3A : memref<!tpu.dma_semaphore, #tpu.memory_space<semaphore_mem>>)
      %dma_wait3A_156 = arith.constant 0 : i32
      %dma_wait3A_157 = tpu.memref_slice %arg15[%add3A_13, %dma_wait3A_156] : memref<10240x64xf32, #tpu.memory_space<vmem_shared>> -> memref<128x64xf32, #tpu.memory_space<vmem_shared>>
      %dma_wait3A_158 = arith.constant 0 : i32
      %dma_wait3A_159 = tpu.memref_slice %arg15[%add3A_13, %dma_wait3A_158] : memref<10240x64xf32, #tpu.memory_space<vmem_shared>> -> memref<128x64xf32, #tpu.memory_space<vmem_shared>>
      tpu.wait_dma2 semaphore(%run_scoped3A : memref<!tpu.dma_semaphore, #tpu.memory_space<semaphore_mem>>) src(%arg10 : memref<128x64xf32, #tpu.memory_space<vmem>>) dst(%dma_wait3A_159 : memref<128x64xf32, #tpu.memory_space<vmem_shared>>)
      tpu.yield
    }) : () -> ()
    %mul3A_14 = arith.constant 640 : i32
    %mul3A_15 = arith.muli %arg1, %mul3A_14 : i32
    %add3A_16 = arith.constant 256 : i32
    %add3A_17 = arith.addi %mul3A_15, %add3A_16 : i32
    "tpu.region"() ({
      %run_scoped3A = tpu.sem_alloc : memref<!tpu.dma_semaphore, #tpu.memory_space<semaphore_mem>>
      %dma_start3A_152 = arith.constant 0 : i32
      %dma_start3A_153 = tpu.memref_slice %arg15[%add3A_17, %dma_start3A_152] : memref<10240x64xf32, #tpu.memory_space<vmem_shared>> -> memref<128x64xf32, #tpu.memory_space<vmem_shared>>
      %dma_start3A_154 = arith.constant 0 : i32
      %dma_start3A_155 = tpu.memref_slice %arg15[%add3A_17, %dma_start3A_154] : memref<10240x64xf32, #tpu.memory_space<vmem_shared>> -> memref<128x64xf32, #tpu.memory_space<vmem_shared>>
      tpu.enqueue_dma source(%arg10 : memref<128x64xf32, #tpu.memory_space<vmem>>) target(%dma_start3A_155 : memref<128x64xf32, #tpu.memory_space<vmem_shared>>) target_semaphore(%run_scoped3A : memref<!tpu.dma_semaphore, #tpu.memory_space<semaphore_mem>>)
      %dma_wait3A_156 = arith.constant 0 : i32
      %dma_wait3A_157 = tpu.memref_slice %arg15[%add3A_17, %dma_wait3A_156] : memref<10240x64xf32, #tpu.memory_space<vmem_shared>> -> memref<128x64xf32, #tpu.memory_space<vmem_shared>>
      %dma_wait3A_158 = arith.constant 0 : i32
      %dma_wait3A_159 = tpu.memref_slice %arg15[%add3A_17, %dma_wait3A_158] : memref<10240x64xf32, #tpu.memory_space<vmem_shared>> -> memref<128x64xf32, #tpu.memory_space<vmem_shared>>
      tpu.wait_dma2 semaphore(%run_scoped3A : memref<!tpu.dma_semaphore, #tpu.memory_space<semaphore_mem>>) src(%arg10 : memref<128x64xf32, #tpu.memory_space<vmem>>) dst(%dma_wait3A_159 : memref<128x64xf32, #tpu.memory_space<vmem_shared>>)
      tpu.yield
    }) : () -> ()
    %mul3A_18 = arith.constant 640 : i32
    %mul3A_19 = arith.muli %arg1, %mul3A_18 : i32
    %add3A_20 = arith.constant 384 : i32
    %add3A_21 = arith.addi %mul3A_19, %add3A_20 : i32
    "tpu.region"() ({
      %run_scoped3A = tpu.sem_alloc : memref<!tpu.dma_semaphore, #tpu.memory_space<semaphore_mem>>
      %dma_start3A_152 = arith.constant 0 : i32
      %dma_start3A_153 = tpu.memref_slice %arg15[%add3A_21, %dma_start3A_152] : memref<10240x64xf32, #tpu.memory_space<vmem_shared>> -> memref<128x64xf32, #tpu.memory_space<vmem_shared>>
      %dma_start3A_154 = arith.constant 0 : i32
      %dma_start3A_155 = tpu.memref_slice %arg15[%add3A_21, %dma_start3A_154] : memref<10240x64xf32, #tpu.memory_space<vmem_shared>> -> memref<128x64xf32, #tpu.memory_space<vmem_shared>>
      tpu.enqueue_dma source(%arg10 : memref<128x64xf32, #tpu.memory_space<vmem>>) target(%dma_start3A_155 : memref<128x64xf32, #tpu.memory_space<vmem_shared>>) target_semaphore(%run_scoped3A : memref<!tpu.dma_semaphore, #tpu.memory_space<semaphore_mem>>)
      %dma_wait3A_156 = arith.constant 0 : i32
      %dma_wait3A_157 = tpu.memref_slice %arg15[%add3A_21, %dma_wait3A_156] : memref<10240x64xf32, #tpu.memory_space<vmem_shared>> -> memref<128x64xf32, #tpu.memory_space<vmem_shared>>
      %dma_wait3A_158 = arith.constant 0 : i32
      %dma_wait3A_159 = tpu.memref_slice %arg15[%add3A_21, %dma_wait3A_158] : memref<10240x64xf32, #tpu.memory_space<vmem_shared>> -> memref<128x64xf32, #tpu.memory_space<vmem_shared>>
      tpu.wait_dma2 semaphore(%run_scoped3A : memref<!tpu.dma_semaphore, #tpu.memory_space<semaphore_mem>>) src(%arg10 : memref<128x64xf32, #tpu.memory_space<vmem>>) dst(%dma_wait3A_159 : memref<128x64xf32, #tpu.memory_space<vmem_shared>>)
      tpu.yield
    }) : () -> ()
    %mul3A_22 = arith.constant 640 : i32
    %mul3A_23 = arith.muli %arg1, %mul3A_22 : i32
    %add3A_24 = arith.constant 512 : i32
    %add3A_25 = arith.addi %mul3A_23, %add3A_24 : i32
    "tpu.region"() ({
      %run_scoped3A = tpu.sem_alloc : memref<!tpu.dma_semaphore, #tpu.memory_space<semaphore_mem>>
      %dma_start3A_152 = arith.constant 0 : i32
      %dma_start3A_153 = tpu.memref_slice %arg15[%add3A_25, %dma_start3A_152] : memref<10240x64xf32, #tpu.memory_space<vmem_shared>> -> memref<128x64xf32, #tpu.memory_space<vmem_shared>>
      %dma_start3A_154 = arith.constant 0 : i32
      %dma_start3A_155 = tpu.memref_slice %arg15[%add3A_25, %dma_start3A_154] : memref<10240x64xf32, #tpu.memory_space<vmem_shared>> -> memref<128x64xf32, #tpu.memory_space<vmem_shared>>
      tpu.enqueue_dma source(%arg10 : memref<128x64xf32, #tpu.memory_space<vmem>>) target(%dma_start3A_155 : memref<128x64xf32, #tpu.memory_space<vmem_shared>>) target_semaphore(%run_scoped3A : memref<!tpu.dma_semaphore, #tpu.memory_space<semaphore_mem>>)
      %dma_wait3A_156 = arith.constant 0 : i32
      %dma_wait3A_157 = tpu.memref_slice %arg15[%add3A_25, %dma_wait3A_156] : memref<10240x64xf32, #tpu.memory_space<vmem_shared>> -> memref<128x64xf32, #tpu.memory_space<vmem_shared>>
      %dma_wait3A_158 = arith.constant 0 : i32
      %dma_wait3A_159 = tpu.memref_slice %arg15[%add3A_25, %dma_wait3A_158] : memref<10240x64xf32, #tpu.memory_space<vmem_shared>> -> memref<128x64xf32, #tpu.memory_space<vmem_shared>>
      tpu.wait_dma2 semaphore(%run_scoped3A : memref<!tpu.dma_semaphore, #tpu.memory_space<semaphore_mem>>) src(%arg10 : memref<128x64xf32, #tpu.memory_space<vmem>>) dst(%dma_wait3A_159 : memref<128x64xf32, #tpu.memory_space<vmem_shared>>)
      tpu.yield
    }) : () -> ()
    %lt3A = arith.constant 31 : i32
    %lt3A_26 = arith.cmpi slt, %add3A, %lt3A : i32
    %convert_element_type3A = arith.extui %lt3A_26 : i1 to i32
    %cond3A = arith.constant 0 : i32
    %cond3A_27 = arith.cmpi ne, %convert_element_type3A, %cond3A : i32
    scf.if %cond3A_27 {
      %mul3A_152 = arith.constant 80 : i32
      %mul3A_153 = arith.muli %add3A, %mul3A_152 : i32
      "tpu.region"() ({
        %run_scoped3A = tpu.sem_alloc : memref<!tpu.dma_semaphore, #tpu.memory_space<semaphore_mem>>
        %dma_start3A_154 = arith.constant 0 : i32
        %dma_start3A_155 = tpu.memref_slice %arg3[%mul3A_153, %dma_start3A_154] : memref<2500x128xi32, #tpu.memory_space<hbm>> -> memref<80x128xi32, #tpu.memory_space<hbm>>
        %dma_start3A_156 = arith.constant 0 : i32
        %dma_start3A_157 = tpu.memref_slice %arg3[%mul3A_153, %dma_start3A_156] : memref<2500x128xi32, #tpu.memory_space<hbm>> -> memref<80x128xi32, #tpu.memory_space<hbm>>
        tpu.enqueue_dma source(%dma_start3A_157 : memref<80x128xi32, #tpu.memory_space<hbm>>) target(%arg8 : memref<80x128xi32, #tpu.memory_space<vmem>>) target_semaphore(%run_scoped3A : memref<!tpu.dma_semaphore, #tpu.memory_space<semaphore_mem>>)
        %dma_wait3A_158 = arith.constant 0 : i32
        %dma_wait3A_159 = tpu.memref_slice %arg3[%mul3A_153, %dma_wait3A_158] : memref<2500x128xi32, #tpu.memory_space<hbm>> -> memref<80x128xi32, #tpu.memory_space<hbm>>
        %dma_wait3A_160 = arith.constant 0 : i32
        %dma_wait3A_161 = tpu.memref_slice %arg3[%mul3A_153, %dma_wait3A_160] : memref<2500x128xi32, #tpu.memory_space<hbm>> -> memref<80x128xi32, #tpu.memory_space<hbm>>
        tpu.wait_dma2 semaphore(%run_scoped3A : memref<!tpu.dma_semaphore, #tpu.memory_space<semaphore_mem>>) src(%dma_wait3A_161 : memref<80x128xi32, #tpu.memory_space<hbm>>) dst(%arg8 : memref<80x128xi32, #tpu.memory_space<vmem>>)
        tpu.yield
      }) : () -> ()
    } else {
    }
    %eq3A = arith.constant 31 : i32
    %eq3A_28 = arith.cmpi eq, %add3A, %eq3A : i32
    %convert_element_type3A_29 = arith.extui %eq3A_28 : i1 to i32
    %cond3A_30 = arith.constant 0 : i32
    %cond3A_31 = arith.cmpi ne, %convert_element_type3A_29, %cond3A_30 : i32
    scf.if %cond3A_31 {
      "tpu.region"() ({
        %run_scoped3A = tpu.sem_alloc : memref<!tpu.dma_semaphore, #tpu.memory_space<semaphore_mem>>
        %dma_start3A_152 = arith.constant 0 : i32
        %dma_start3A_153 = arith.constant 0 : i32
        %dma_start3A_154 = tpu.memref_slice %arg8[%dma_start3A_152, %dma_start3A_153] : memref<80x128xi32, #tpu.memory_space<vmem>> -> memref<20x128xi32, #tpu.memory_space<vmem>>
        %dma_start3A_155 = arith.constant 2480 : i32
        %dma_start3A_156 = arith.constant 0 : i32
        %dma_start3A_157 = tpu.memref_slice %arg3[%dma_start3A_155, %dma_start3A_156] : memref<2500x128xi32, #tpu.memory_space<hbm>> -> memref<20x128xi32, #tpu.memory_space<hbm>>
        %dma_start3A_158 = arith.constant 0 : i32
        %dma_start3A_159 = arith.constant 0 : i32
        %dma_start3A_160 = tpu.memref_slice %arg8[%dma_start3A_158, %dma_start3A_159] : memref<80x128xi32, #tpu.memory_space<vmem>> -> memref<20x128xi32, #tpu.memory_space<vmem>>
        %dma_start3A_161 = arith.constant 2480 : i32
        %dma_start3A_162 = arith.constant 0 : i32
        %dma_start3A_163 = tpu.memref_slice %arg3[%dma_start3A_161, %dma_start3A_162] : memref<2500x128xi32, #tpu.memory_space<hbm>> -> memref<20x128xi32, #tpu.memory_space<hbm>>
        tpu.enqueue_dma source(%dma_start3A_163 : memref<20x128xi32, #tpu.memory_space<hbm>>) target(%dma_start3A_160 : memref<20x128xi32, #tpu.memory_space<vmem>>) target_semaphore(%run_scoped3A : memref<!tpu.dma_semaphore, #tpu.memory_space<semaphore_mem>>)
        %dma_wait3A_164 = arith.constant 0 : i32
        %dma_wait3A_165 = arith.constant 0 : i32
        %dma_wait3A_166 = tpu.memref_slice %arg8[%dma_wait3A_164, %dma_wait3A_165] : memref<80x128xi32, #tpu.memory_space<vmem>> -> memref<20x128xi32, #tpu.memory_space<vmem>>
        %dma_wait3A_167 = arith.constant 2480 : i32
        %dma_wait3A_168 = arith.constant 0 : i32
        %dma_wait3A_169 = tpu.memref_slice %arg3[%dma_wait3A_167, %dma_wait3A_168] : memref<2500x128xi32, #tpu.memory_space<hbm>> -> memref<20x128xi32, #tpu.memory_space<hbm>>
        %dma_wait3A_170 = arith.constant 0 : i32
        %dma_wait3A_171 = arith.constant 0 : i32
        %dma_wait3A_172 = tpu.memref_slice %arg8[%dma_wait3A_170, %dma_wait3A_171] : memref<80x128xi32, #tpu.memory_space<vmem>> -> memref<20x128xi32, #tpu.memory_space<vmem>>
        %dma_wait3A_173 = arith.constant 2480 : i32
        %dma_wait3A_174 = arith.constant 0 : i32
        %dma_wait3A_175 = tpu.memref_slice %arg3[%dma_wait3A_173, %dma_wait3A_174] : memref<2500x128xi32, #tpu.memory_space<hbm>> -> memref<20x128xi32, #tpu.memory_space<hbm>>
        tpu.wait_dma2 semaphore(%run_scoped3A : memref<!tpu.dma_semaphore, #tpu.memory_space<semaphore_mem>>) src(%dma_wait3A_175 : memref<20x128xi32, #tpu.memory_space<hbm>>) dst(%dma_wait3A_172 : memref<20x128xi32, #tpu.memory_space<vmem>>)
        tpu.yield
      }) : () -> ()
      "tpu.region"() ({
        %run_scoped3A = tpu.sem_alloc : memref<!tpu.dma_semaphore, #tpu.memory_space<semaphore_mem>>
        %dma_start3A_152 = arith.constant 20 : i32
        %dma_start3A_153 = arith.constant 0 : i32
        %dma_start3A_154 = tpu.memref_slice %arg8[%dma_start3A_152, %dma_start3A_153] : memref<80x128xi32, #tpu.memory_space<vmem>> -> memref<60x128xi32, #tpu.memory_space<vmem>>
        %dma_start3A_155 = arith.constant 20 : i32
        %dma_start3A_156 = arith.constant 0 : i32
        %dma_start3A_157 = tpu.memref_slice %arg8[%dma_start3A_155, %dma_start3A_156] : memref<80x128xi32, #tpu.memory_space<vmem>> -> memref<60x128xi32, #tpu.memory_space<vmem>>
        tpu.enqueue_dma source(%arg5 : memref<60x128xi32, #tpu.memory_space<hbm>>) target(%dma_start3A_157 : memref<60x128xi32, #tpu.memory_space<vmem>>) target_semaphore(%run_scoped3A : memref<!tpu.dma_semaphore, #tpu.memory_space<semaphore_mem>>)
        %dma_wait3A_158 = arith.constant 20 : i32
        %dma_wait3A_159 = arith.constant 0 : i32
        %dma_wait3A_160 = tpu.memref_slice %arg8[%dma_wait3A_158, %dma_wait3A_159] : memref<80x128xi32, #tpu.memory_space<vmem>> -> memref<60x128xi32, #tpu.memory_space<vmem>>
        %dma_wait3A_161 = arith.constant 20 : i32
        %dma_wait3A_162 = arith.constant 0 : i32
        %dma_wait3A_163 = tpu.memref_slice %arg8[%dma_wait3A_161, %dma_wait3A_162] : memref<80x128xi32, #tpu.memory_space<vmem>> -> memref<60x128xi32, #tpu.memory_space<vmem>>
        tpu.wait_dma2 semaphore(%run_scoped3A : memref<!tpu.dma_semaphore, #tpu.memory_space<semaphore_mem>>) src(%arg5 : memref<60x128xi32, #tpu.memory_space<hbm>>) dst(%dma_wait3A_163 : memref<60x128xi32, #tpu.memory_space<vmem>>)
        tpu.yield
      }) : () -> ()
    } else {
    }
    %lt3A_32 = arith.constant 31 : i32
    %lt3A_33 = arith.cmpi slt, %add3A, %lt3A_32 : i32
    %convert_element_type3A_34 = arith.extui %lt3A_33 : i1 to i32
    %cond3A_35 = arith.constant 0 : i32
    %cond3A_36 = arith.cmpi ne, %convert_element_type3A_34, %cond3A_35 : i32
    scf.if %cond3A_36 {
      %mul3A_152 = arith.constant 80 : i32
      %mul3A_153 = arith.muli %add3A, %mul3A_152 : i32
      "tpu.region"() ({
        %run_scoped3A = tpu.sem_alloc : memref<!tpu.dma_semaphore, #tpu.memory_space<semaphore_mem>>
        %dma_start3A_154 = arith.constant 0 : i32
        %dma_start3A_155 = tpu.memref_slice %arg4[%mul3A_153, %dma_start3A_154] : memref<2500x128xi32, #tpu.memory_space<hbm>> -> memref<80x128xi32, #tpu.memory_space<hbm>>
        %dma_start3A_156 = arith.constant 0 : i32
        %dma_start3A_157 = tpu.memref_slice %arg4[%mul3A_153, %dma_start3A_156] : memref<2500x128xi32, #tpu.memory_space<hbm>> -> memref<80x128xi32, #tpu.memory_space<hbm>>
        tpu.enqueue_dma source(%dma_start3A_157 : memref<80x128xi32, #tpu.memory_space<hbm>>) target(%arg9 : memref<80x128xi32, #tpu.memory_space<vmem>>) target_semaphore(%run_scoped3A : memref<!tpu.dma_semaphore, #tpu.memory_space<semaphore_mem>>)
        %dma_wait3A_158 = arith.constant 0 : i32
        %dma_wait3A_159 = tpu.memref_slice %arg4[%mul3A_153, %dma_wait3A_158] : memref<2500x128xi32, #tpu.memory_space<hbm>> -> memref<80x128xi32, #tpu.memory_space<hbm>>
        %dma_wait3A_160 = arith.constant 0 : i32
        %dma_wait3A_161 = tpu.memref_slice %arg4[%mul3A_153, %dma_wait3A_160] : memref<2500x128xi32, #tpu.memory_space<hbm>> -> memref<80x128xi32, #tpu.memory_space<hbm>>
        tpu.wait_dma2 semaphore(%run_scoped3A : memref<!tpu.dma_semaphore, #tpu.memory_space<semaphore_mem>>) src(%dma_wait3A_161 : memref<80x128xi32, #tpu.memory_space<hbm>>) dst(%arg9 : memref<80x128xi32, #tpu.memory_space<vmem>>)
        tpu.yield
      }) : () -> ()
    } else {
    }
    %eq3A_37 = arith.constant 31 : i32
    %eq3A_38 = arith.cmpi eq, %add3A, %eq3A_37 : i32
    %convert_element_type3A_39 = arith.extui %eq3A_38 : i1 to i32
    %cond3A_40 = arith.constant 0 : i32
    %cond3A_41 = arith.cmpi ne, %convert_element_type3A_39, %cond3A_40 : i32
    scf.if %cond3A_41 {
      "tpu.region"() ({
        %run_scoped3A = tpu.sem_alloc : memref<!tpu.dma_semaphore, #tpu.memory_space<semaphore_mem>>
        %dma_start3A_152 = arith.constant 0 : i32
        %dma_start3A_153 = arith.constant 0 : i32
        %dma_start3A_154 = tpu.memref_slice %arg9[%dma_start3A_152, %dma_start3A_153] : memref<80x128xi32, #tpu.memory_space<vmem>> -> memref<20x128xi32, #tpu.memory_space<vmem>>
        %dma_start3A_155 = arith.constant 2480 : i32
        %dma_start3A_156 = arith.constant 0 : i32
        %dma_start3A_157 = tpu.memref_slice %arg4[%dma_start3A_155, %dma_start3A_156] : memref<2500x128xi32, #tpu.memory_space<hbm>> -> memref<20x128xi32, #tpu.memory_space<hbm>>
        %dma_start3A_158 = arith.constant 0 : i32
        %dma_start3A_159 = arith.constant 0 : i32
        %dma_start3A_160 = tpu.memref_slice %arg9[%dma_start3A_158, %dma_start3A_159] : memref<80x128xi32, #tpu.memory_space<vmem>> -> memref<20x128xi32, #tpu.memory_space<vmem>>
        %dma_start3A_161 = arith.constant 2480 : i32
        %dma_start3A_162 = arith.constant 0 : i32
        %dma_start3A_163 = tpu.memref_slice %arg4[%dma_start3A_161, %dma_start3A_162] : memref<2500x128xi32, #tpu.memory_space<hbm>> -> memref<20x128xi32, #tpu.memory_space<hbm>>
        tpu.enqueue_dma source(%dma_start3A_163 : memref<20x128xi32, #tpu.memory_space<hbm>>) target(%dma_start3A_160 : memref<20x128xi32, #tpu.memory_space<vmem>>) target_semaphore(%run_scoped3A : memref<!tpu.dma_semaphore, #tpu.memory_space<semaphore_mem>>)
        %dma_wait3A_164 = arith.constant 0 : i32
        %dma_wait3A_165 = arith.constant 0 : i32
        %dma_wait3A_166 = tpu.memref_slice %arg9[%dma_wait3A_164, %dma_wait3A_165] : memref<80x128xi32, #tpu.memory_space<vmem>> -> memref<20x128xi32, #tpu.memory_space<vmem>>
        %dma_wait3A_167 = arith.constant 2480 : i32
        %dma_wait3A_168 = arith.constant 0 : i32
        %dma_wait3A_169 = tpu.memref_slice %arg4[%dma_wait3A_167, %dma_wait3A_168] : memref<2500x128xi32, #tpu.memory_space<hbm>> -> memref<20x128xi32, #tpu.memory_space<hbm>>
        %dma_wait3A_170 = arith.constant 0 : i32
        %dma_wait3A_171 = arith.constant 0 : i32
        %dma_wait3A_172 = tpu.memref_slice %arg9[%dma_wait3A_170, %dma_wait3A_171] : memref<80x128xi32, #tpu.memory_space<vmem>> -> memref<20x128xi32, #tpu.memory_space<vmem>>
        %dma_wait3A_173 = arith.constant 2480 : i32
        %dma_wait3A_174 = arith.constant 0 : i32
        %dma_wait3A_175 = tpu.memref_slice %arg4[%dma_wait3A_173, %dma_wait3A_174] : memref<2500x128xi32, #tpu.memory_space<hbm>> -> memref<20x128xi32, #tpu.memory_space<hbm>>
        tpu.wait_dma2 semaphore(%run_scoped3A : memref<!tpu.dma_semaphore, #tpu.memory_space<semaphore_mem>>) src(%dma_wait3A_175 : memref<20x128xi32, #tpu.memory_space<hbm>>) dst(%dma_wait3A_172 : memref<20x128xi32, #tpu.memory_space<vmem>>)
        tpu.yield
      }) : () -> ()
      "tpu.region"() ({
        %run_scoped3A = tpu.sem_alloc : memref<!tpu.dma_semaphore, #tpu.memory_space<semaphore_mem>>
        %dma_start3A_152 = arith.constant 20 : i32
        %dma_start3A_153 = arith.constant 0 : i32
        %dma_start3A_154 = tpu.memref_slice %arg9[%dma_start3A_152, %dma_start3A_153] : memref<80x128xi32, #tpu.memory_space<vmem>> -> memref<60x128xi32, #tpu.memory_space<vmem>>
        %dma_start3A_155 = arith.constant 20 : i32
        %dma_start3A_156 = arith.constant 0 : i32
        %dma_start3A_157 = tpu.memref_slice %arg9[%dma_start3A_155, %dma_start3A_156] : memref<80x128xi32, #tpu.memory_space<vmem>> -> memref<60x128xi32, #tpu.memory_space<vmem>>
        tpu.enqueue_dma source(%arg6 : memref<60x128xi32, #tpu.memory_space<hbm>>) target(%dma_start3A_157 : memref<60x128xi32, #tpu.memory_space<vmem>>) target_semaphore(%run_scoped3A : memref<!tpu.dma_semaphore, #tpu.memory_space<semaphore_mem>>)
        %dma_wait3A_158 = arith.constant 20 : i32
        %dma_wait3A_159 = arith.constant 0 : i32
        %dma_wait3A_160 = tpu.memref_slice %arg9[%dma_wait3A_158, %dma_wait3A_159] : memref<80x128xi32, #tpu.memory_space<vmem>> -> memref<60x128xi32, #tpu.memory_space<vmem>>
        %dma_wait3A_161 = arith.constant 20 : i32
        %dma_wait3A_162 = arith.constant 0 : i32
        %dma_wait3A_163 = tpu.memref_slice %arg9[%dma_wait3A_161, %dma_wait3A_162] : memref<80x128xi32, #tpu.memory_space<vmem>> -> memref<60x128xi32, #tpu.memory_space<vmem>>
        tpu.wait_dma2 semaphore(%run_scoped3A : memref<!tpu.dma_semaphore, #tpu.memory_space<semaphore_mem>>) src(%arg6 : memref<60x128xi32, #tpu.memory_space<hbm>>) dst(%dma_wait3A_163 : memref<60x128xi32, #tpu.memory_space<vmem>>)
        tpu.yield
      }) : () -> ()
    } else {
    }
    %barrier3A = arith.constant 0 : index
    tpu.barrier barrier_id(%barrier3A)
    %dma_start3A = arith.constant 0 : i32
    %dma_start3A_42 = arith.constant 0 : i32
    %dma_start3A_43 = tpu.memref_slice %arg8[%dma_start3A, %dma_start3A_42] : memref<80x128xi32, #tpu.memory_space<vmem>> -> memref<1x128xi32, #tpu.memory_space<vmem>>
    %dma_start3A_44 = tpu.memref_squeeze %dma_start3A_43 : memref<1x128xi32, #tpu.memory_space<vmem>> -> memref<128xi32, #tpu.memory_space<vmem>>
    %dma_start3A_45 = arith.constant 0 : i32
    %dma_start3A_46 = arith.constant 0 : i32
    %dma_start3A_47 = tpu.memref_slice %arg2[%dma_start3A_45, %dma_start3A_46] : memref<10000x64xf32, #tpu.memory_space<hbm>> -> memref<10000x64xf32, #tpu.memory_space<hbm>>
    tpu.enqueue_indirect_dma source(%dma_start3A_47 : memref<10000x64xf32, #tpu.memory_space<hbm>>) target(%arg10 : memref<128x64xf32, #tpu.memory_space<vmem>>) offsets(%dma_start3A_44 : memref<128xi32, #tpu.memory_space<vmem>>) semaphore(%arg16 : memref<!tpu.dma_semaphore, #tpu.memory_space<semaphore_mem>>)
    %dma_start3A_48 = arith.constant 1 : i32
    %dma_start3A_49 = arith.constant 0 : i32
    %dma_start3A_50 = tpu.memref_slice %arg8[%dma_start3A_48, %dma_start3A_49] : memref<80x128xi32, #tpu.memory_space<vmem>> -> memref<1x128xi32, #tpu.memory_space<vmem>>
    %dma_start3A_51 = tpu.memref_squeeze %dma_start3A_50 : memref<1x128xi32, #tpu.memory_space<vmem>> -> memref<128xi32, #tpu.memory_space<vmem>>
    %dma_start3A_52 = arith.constant 0 : i32
    %dma_start3A_53 = arith.constant 0 : i32
    %dma_start3A_54 = tpu.memref_slice %arg2[%dma_start3A_52, %dma_start3A_53] : memref<10000x64xf32, #tpu.memory_space<hbm>> -> memref<10000x64xf32, #tpu.memory_space<hbm>>
    tpu.enqueue_indirect_dma source(%dma_start3A_54 : memref<10000x64xf32, #tpu.memory_space<hbm>>) target(%arg11 : memref<128x64xf32, #tpu.memory_space<vmem>>) offsets(%dma_start3A_51 : memref<128xi32, #tpu.memory_space<vmem>>) semaphore(%arg16 : memref<!tpu.dma_semaphore, #tpu.memory_space<semaphore_mem>>)
    %dma_start3A_55 = arith.constant 2 : i32
    %dma_start3A_56 = arith.constant 0 : i32
    %dma_start3A_57 = tpu.memref_slice %arg8[%dma_start3A_55, %dma_start3A_56] : memref<80x128xi32, #tpu.memory_space<vmem>> -> memref<1x128xi32, #tpu.memory_space<vmem>>
    %dma_start3A_58 = tpu.memref_squeeze %dma_start3A_57 : memref<1x128xi32, #tpu.memory_space<vmem>> -> memref<128xi32, #tpu.memory_space<vmem>>
    %dma_start3A_59 = arith.constant 0 : i32
    %dma_start3A_60 = arith.constant 0 : i32
    %dma_start3A_61 = tpu.memref_slice %arg2[%dma_start3A_59, %dma_start3A_60] : memref<10000x64xf32, #tpu.memory_space<hbm>> -> memref<10000x64xf32, #tpu.memory_space<hbm>>
    tpu.enqueue_indirect_dma source(%dma_start3A_61 : memref<10000x64xf32, #tpu.memory_space<hbm>>) target(%arg12 : memref<128x64xf32, #tpu.memory_space<vmem>>) offsets(%dma_start3A_58 : memref<128xi32, #tpu.memory_space<vmem>>) semaphore(%arg16 : memref<!tpu.dma_semaphore, #tpu.memory_space<semaphore_mem>>)
    %dma_start3A_62 = arith.constant 3 : i32
    %dma_start3A_63 = arith.constant 0 : i32
    %dma_start3A_64 = tpu.memref_slice %arg8[%dma_start3A_62, %dma_start3A_63] : memref<80x128xi32, #tpu.memory_space<vmem>> -> memref<1x128xi32, #tpu.memory_space<vmem>>
    %dma_start3A_65 = tpu.memref_squeeze %dma_start3A_64 : memref<1x128xi32, #tpu.memory_space<vmem>> -> memref<128xi32, #tpu.memory_space<vmem>>
    %dma_start3A_66 = arith.constant 0 : i32
    %dma_start3A_67 = arith.constant 0 : i32
    %dma_start3A_68 = tpu.memref_slice %arg2[%dma_start3A_66, %dma_start3A_67] : memref<10000x64xf32, #tpu.memory_space<hbm>> -> memref<10000x64xf32, #tpu.memory_space<hbm>>
    tpu.enqueue_indirect_dma source(%dma_start3A_68 : memref<10000x64xf32, #tpu.memory_space<hbm>>) target(%arg13 : memref<128x64xf32, #tpu.memory_space<vmem>>) offsets(%dma_start3A_65 : memref<128xi32, #tpu.memory_space<vmem>>) semaphore(%arg16 : memref<!tpu.dma_semaphore, #tpu.memory_space<semaphore_mem>>)
    %dma_start3A_69 = arith.constant 4 : i32
    %dma_start3A_70 = arith.constant 0 : i32
    %dma_start3A_71 = tpu.memref_slice %arg8[%dma_start3A_69, %dma_start3A_70] : memref<80x128xi32, #tpu.memory_space<vmem>> -> memref<1x128xi32, #tpu.memory_space<vmem>>
    %dma_start3A_72 = tpu.memref_squeeze %dma_start3A_71 : memref<1x128xi32, #tpu.memory_space<vmem>> -> memref<128xi32, #tpu.memory_space<vmem>>
    %dma_start3A_73 = arith.constant 0 : i32
    %dma_start3A_74 = arith.constant 0 : i32
    %dma_start3A_75 = tpu.memref_slice %arg2[%dma_start3A_73, %dma_start3A_74] : memref<10000x64xf32, #tpu.memory_space<hbm>> -> memref<10000x64xf32, #tpu.memory_space<hbm>>
    tpu.enqueue_indirect_dma source(%dma_start3A_75 : memref<10000x64xf32, #tpu.memory_space<hbm>>) target(%arg14 : memref<128x64xf32, #tpu.memory_space<vmem>>) offsets(%dma_start3A_72 : memref<128xi32, #tpu.memory_space<vmem>>) semaphore(%arg16 : memref<!tpu.dma_semaphore, #tpu.memory_space<semaphore_mem>>)
    %scan3A_76 = arith.constant 0 : i32
    %scan3A_77 = arith.constant 0 : i32
    %scan3A_78 = arith.constant 16 : i32
    %scan3A_79 = arith.addi %scan3A_77, %scan3A_78 : i32
    %scan3A_80 = arith.constant 1 : i32
    scf.for %scan3A_152 = %scan3A_77 to %scan3A_79 step %scan3A_80  : i32 {
      %mul3A_153 = arith.constant 5 : i32
      %mul3A_154 = arith.muli %mul3A_153, %scan3A_152 : i32
      %add3A_155 = arith.constant 0 : i32
      %add3A_156 = arith.addi %mul3A_154, %add3A_155 : i32
      %dma_wait3A_157 = arith.constant 0 : i32
      %dma_wait3A_158 = tpu.memref_slice %arg8[%add3A_156, %dma_wait3A_157] : memref<80x128xi32, #tpu.memory_space<vmem>> -> memref<1x128xi32, #tpu.memory_space<vmem>>
      %dma_wait3A_159 = tpu.memref_squeeze %dma_wait3A_158 : memref<1x128xi32, #tpu.memory_space<vmem>> -> memref<128xi32, #tpu.memory_space<vmem>>
      %dma_wait3A_160 = arith.constant 0 : i32
      %dma_wait3A_161 = arith.constant 0 : i32
      %dma_wait3A_162 = tpu.memref_slice %arg2[%dma_wait3A_160, %dma_wait3A_161] : memref<10000x64xf32, #tpu.memory_space<hbm>> -> memref<10000x64xf32, #tpu.memory_space<hbm>>
      tpu.wait_indirect_dma semaphore(%arg16 : memref<!tpu.dma_semaphore, #tpu.memory_space<semaphore_mem>>) src(%dma_wait3A_162 : memref<10000x64xf32, #tpu.memory_space<hbm>>) dst(%arg10 : memref<128x64xf32, #tpu.memory_space<vmem>>)
      %dma_start3A_163 = arith.constant 0 : i32
      %dma_start3A_164 = tpu.memref_slice %arg9[%add3A_156, %dma_start3A_163] : memref<80x128xi32, #tpu.memory_space<vmem>> -> memref<1x128xi32, #tpu.memory_space<vmem>>
      %dma_start3A_165 = tpu.memref_squeeze %dma_start3A_164 : memref<1x128xi32, #tpu.memory_space<vmem>> -> memref<128xi32, #tpu.memory_space<vmem>>
      %dma_start3A_166 = arith.constant 0 : i32
      %dma_start3A_167 = arith.constant 0 : i32
      %dma_start3A_168 = tpu.memref_slice %arg15[%dma_start3A_166, %dma_start3A_167] : memref<10240x64xf32, #tpu.memory_space<vmem_shared>> -> memref<10240x64xf32, #tpu.memory_space<vmem_shared>>
      tpu.enqueue_indirect_dma source(%arg10 : memref<128x64xf32, #tpu.memory_space<vmem>>) target(%dma_start3A_168 : memref<10240x64xf32, #tpu.memory_space<vmem_shared>>) offsets(%dma_start3A_165 : memref<128xi32, #tpu.memory_space<vmem>>) semaphore(%arg17 : memref<!tpu.dma_semaphore, #tpu.memory_space<semaphore_mem>>) {add = true}
      %sub3A = arith.constant 2 : i32
      %sub3A_169 = arith.subi %add3A_156, %sub3A : i32
      %add3A_170 = arith.constant 5 : i32
      %add3A_171 = arith.addi %sub3A_169, %add3A_170 : i32
      %ge3A = arith.constant 2 : i32
      %ge3A_172 = arith.cmpi sge, %add3A_156, %ge3A : i32
      %lt3A_173 = arith.constant 80 : i32
      %lt3A_174 = arith.cmpi slt, %add3A_171, %lt3A_173 : i32
      %and3A = arith.andi %ge3A_172, %lt3A_174 : i1
      %convert_element_type3A_175 = arith.extui %and3A : i1 to i32
      %cond3A_176 = arith.constant 0 : i32
      %cond3A_177 = arith.cmpi ne, %convert_element_type3A_175, %cond3A_176 : i32
      scf.if %cond3A_177 {
        %sub3A_290 = arith.constant 2 : i32
        %sub3A_291 = arith.subi %add3A_156, %sub3A_290 : i32
        %dma_wait3A_292 = arith.constant 0 : i32
        %dma_wait3A_293 = tpu.memref_slice %arg9[%sub3A_291, %dma_wait3A_292] : memref<80x128xi32, #tpu.memory_space<vmem>> -> memref<1x128xi32, #tpu.memory_space<vmem>>
        %dma_wait3A_294 = tpu.memref_squeeze %dma_wait3A_293 : memref<1x128xi32, #tpu.memory_space<vmem>> -> memref<128xi32, #tpu.memory_space<vmem>>
        %dma_wait3A_295 = arith.constant 0 : i32
        %dma_wait3A_296 = arith.constant 0 : i32
        %dma_wait3A_297 = tpu.memref_slice %arg15[%dma_wait3A_295, %dma_wait3A_296] : memref<10240x64xf32, #tpu.memory_space<vmem_shared>> -> memref<10240x64xf32, #tpu.memory_space<vmem_shared>>
        tpu.wait_indirect_dma semaphore(%arg17 : memref<!tpu.dma_semaphore, #tpu.memory_space<semaphore_mem>>) src(%arg13 : memref<128x64xf32, #tpu.memory_space<vmem>>) dst(%dma_wait3A_297 : memref<10240x64xf32, #tpu.memory_space<vmem_shared>>)
        %dma_start3A_298 = arith.constant 0 : i32
        %dma_start3A_299 = tpu.memref_slice %arg8[%add3A_171, %dma_start3A_298] : memref<80x128xi32, #tpu.memory_space<vmem>> -> memref<1x128xi32, #tpu.memory_space<vmem>>
        %dma_start3A_300 = tpu.memref_squeeze %dma_start3A_299 : memref<1x128xi32, #tpu.memory_space<vmem>> -> memref<128xi32, #tpu.memory_space<vmem>>
        %dma_start3A_301 = arith.constant 0 : i32
        %dma_start3A_302 = arith.constant 0 : i32
        %dma_start3A_303 = tpu.memref_slice %arg2[%dma_start3A_301, %dma_start3A_302] : memref<10000x64xf32, #tpu.memory_space<hbm>> -> memref<10000x64xf32, #tpu.memory_space<hbm>>
        tpu.enqueue_indirect_dma source(%dma_start3A_303 : memref<10000x64xf32, #tpu.memory_space<hbm>>) target(%arg13 : memref<128x64xf32, #tpu.memory_space<vmem>>) offsets(%dma_start3A_300 : memref<128xi32, #tpu.memory_space<vmem>>) semaphore(%arg16 : memref<!tpu.dma_semaphore, #tpu.memory_space<semaphore_mem>>)
      } else {
      }
      %mul3A_178 = arith.constant 5 : i32
      %mul3A_179 = arith.muli %mul3A_178, %scan3A_152 : i32
      %add3A_180 = arith.constant 1 : i32
      %add3A_181 = arith.addi %mul3A_179, %add3A_180 : i32
      %dma_wait3A_182 = arith.constant 0 : i32
      %dma_wait3A_183 = tpu.memref_slice %arg8[%add3A_181, %dma_wait3A_182] : memref<80x128xi32, #tpu.memory_space<vmem>> -> memref<1x128xi32, #tpu.memory_space<vmem>>
      %dma_wait3A_184 = tpu.memref_squeeze %dma_wait3A_183 : memref<1x128xi32, #tpu.memory_space<vmem>> -> memref<128xi32, #tpu.memory_space<vmem>>
      %dma_wait3A_185 = arith.constant 0 : i32
      %dma_wait3A_186 = arith.constant 0 : i32
      %dma_wait3A_187 = tpu.memref_slice %arg2[%dma_wait3A_185, %dma_wait3A_186] : memref<10000x64xf32, #tpu.memory_space<hbm>> -> memref<10000x64xf32, #tpu.memory_space<hbm>>
      tpu.wait_indirect_dma semaphore(%arg16 : memref<!tpu.dma_semaphore, #tpu.memory_space<semaphore_mem>>) src(%dma_wait3A_187 : memref<10000x64xf32, #tpu.memory_space<hbm>>) dst(%arg11 : memref<128x64xf32, #tpu.memory_space<vmem>>)
      %dma_start3A_188 = arith.constant 0 : i32
      %dma_start3A_189 = tpu.memref_slice %arg9[%add3A_181, %dma_start3A_188] : memref<80x128xi32, #tpu.memory_space<vmem>> -> memref<1x128xi32, #tpu.memory_space<vmem>>
      %dma_start3A_190 = tpu.memref_squeeze %dma_start3A_189 : memref<1x128xi32, #tpu.memory_space<vmem>> -> memref<128xi32, #tpu.memory_space<vmem>>
      %dma_start3A_191 = arith.constant 0 : i32
      %dma_start3A_192 = arith.constant 0 : i32
      %dma_start3A_193 = tpu.memref_slice %arg15[%dma_start3A_191, %dma_start3A_192] : memref<10240x64xf32, #tpu.memory_space<vmem_shared>> -> memref<10240x64xf32, #tpu.memory_space<vmem_shared>>
      tpu.enqueue_indirect_dma source(%arg11 : memref<128x64xf32, #tpu.memory_space<vmem>>) target(%dma_start3A_193 : memref<10240x64xf32, #tpu.memory_space<vmem_shared>>) offsets(%dma_start3A_190 : memref<128xi32, #tpu.memory_space<vmem>>) semaphore(%arg17 : memref<!tpu.dma_semaphore, #tpu.memory_space<semaphore_mem>>) {add = true}
      %sub3A_194 = arith.constant 2 : i32
      %sub3A_195 = arith.subi %add3A_181, %sub3A_194 : i32
      %add3A_196 = arith.constant 5 : i32
      %add3A_197 = arith.addi %sub3A_195, %add3A_196 : i32
      %ge3A_198 = arith.constant 2 : i32
      %ge3A_199 = arith.cmpi sge, %add3A_181, %ge3A_198 : i32
      %lt3A_200 = arith.constant 80 : i32
      %lt3A_201 = arith.cmpi slt, %add3A_197, %lt3A_200 : i32
      %and3A_202 = arith.andi %ge3A_199, %lt3A_201 : i1
      %convert_element_type3A_203 = arith.extui %and3A_202 : i1 to i32
      %cond3A_204 = arith.constant 0 : i32
      %cond3A_205 = arith.cmpi ne, %convert_element_type3A_203, %cond3A_204 : i32
      scf.if %cond3A_205 {
        %sub3A_290 = arith.constant 2 : i32
        %sub3A_291 = arith.subi %add3A_181, %sub3A_290 : i32
        %dma_wait3A_292 = arith.constant 0 : i32
        %dma_wait3A_293 = tpu.memref_slice %arg9[%sub3A_291, %dma_wait3A_292] : memref<80x128xi32, #tpu.memory_space<vmem>> -> memref<1x128xi32, #tpu.memory_space<vmem>>
        %dma_wait3A_294 = tpu.memref_squeeze %dma_wait3A_293 : memref<1x128xi32, #tpu.memory_space<vmem>> -> memref<128xi32, #tpu.memory_space<vmem>>
        %dma_wait3A_295 = arith.constant 0 : i32
        %dma_wait3A_296 = arith.constant 0 : i32
        %dma_wait3A_297 = tpu.memref_slice %arg15[%dma_wait3A_295, %dma_wait3A_296] : memref<10240x64xf32, #tpu.memory_space<vmem_shared>> -> memref<10240x64xf32, #tpu.memory_space<vmem_shared>>
        tpu.wait_indirect_dma semaphore(%arg17 : memref<!tpu.dma_semaphore, #tpu.memory_space<semaphore_mem>>) src(%arg14 : memref<128x64xf32, #tpu.memory_space<vmem>>) dst(%dma_wait3A_297 : memref<10240x64xf32, #tpu.memory_space<vmem_shared>>)
        %dma_start3A_298 = arith.constant 0 : i32
        %dma_start3A_299 = tpu.memref_slice %arg8[%add3A_197, %dma_start3A_298] : memref<80x128xi32, #tpu.memory_space<vmem>> -> memref<1x128xi32, #tpu.memory_space<vmem>>
        %dma_start3A_300 = tpu.memref_squeeze %dma_start3A_299 : memref<1x128xi32, #tpu.memory_space<vmem>> -> memref<128xi32, #tpu.memory_space<vmem>>
        %dma_start3A_301 = arith.constant 0 : i32
        %dma_start3A_302 = arith.constant 0 : i32
        %dma_start3A_303 = tpu.memref_slice %arg2[%dma_start3A_301, %dma_start3A_302] : memref<10000x64xf32, #tpu.memory_space<hbm>> -> memref<10000x64xf32, #tpu.memory_space<hbm>>
        tpu.enqueue_indirect_dma source(%dma_start3A_303 : memref<10000x64xf32, #tpu.memory_space<hbm>>) target(%arg14 : memref<128x64xf32, #tpu.memory_space<vmem>>) offsets(%dma_start3A_300 : memref<128xi32, #tpu.memory_space<vmem>>) semaphore(%arg16 : memref<!tpu.dma_semaphore, #tpu.memory_space<semaphore_mem>>)
      } else {
      }
      %mul3A_206 = arith.constant 5 : i32
      %mul3A_207 = arith.muli %mul3A_206, %scan3A_152 : i32
      %add3A_208 = arith.constant 2 : i32
      %add3A_209 = arith.addi %mul3A_207, %add3A_208 : i32
      %dma_wait3A_210 = arith.constant 0 : i32
      %dma_wait3A_211 = tpu.memref_slice %arg8[%add3A_209, %dma_wait3A_210] : memref<80x128xi32, #tpu.memory_space<vmem>> -> memref<1x128xi32, #tpu.memory_space<vmem>>
      %dma_wait3A_212 = tpu.memref_squeeze %dma_wait3A_211 : memref<1x128xi32, #tpu.memory_space<vmem>> -> memref<128xi32, #tpu.memory_space<vmem>>
      %dma_wait3A_213 = arith.constant 0 : i32
      %dma_wait3A_214 = arith.constant 0 : i32
      %dma_wait3A_215 = tpu.memref_slice %arg2[%dma_wait3A_213, %dma_wait3A_214] : memref<10000x64xf32, #tpu.memory_space<hbm>> -> memref<10000x64xf32, #tpu.memory_space<hbm>>
      tpu.wait_indirect_dma semaphore(%arg16 : memref<!tpu.dma_semaphore, #tpu.memory_space<semaphore_mem>>) src(%dma_wait3A_215 : memref<10000x64xf32, #tpu.memory_space<hbm>>) dst(%arg12 : memref<128x64xf32, #tpu.memory_space<vmem>>)
      %dma_start3A_216 = arith.constant 0 : i32
      %dma_start3A_217 = tpu.memref_slice %arg9[%add3A_209, %dma_start3A_216] : memref<80x128xi32, #tpu.memory_space<vmem>> -> memref<1x128xi32, #tpu.memory_space<vmem>>
      %dma_start3A_218 = tpu.memref_squeeze %dma_start3A_217 : memref<1x128xi32, #tpu.memory_space<vmem>> -> memref<128xi32, #tpu.memory_space<vmem>>
      %dma_start3A_219 = arith.constant 0 : i32
      %dma_start3A_220 = arith.constant 0 : i32
      %dma_start3A_221 = tpu.memref_slice %arg15[%dma_start3A_219, %dma_start3A_220] : memref<10240x64xf32, #tpu.memory_space<vmem_shared>> -> memref<10240x64xf32, #tpu.memory_space<vmem_shared>>
      tpu.enqueue_indirect_dma source(%arg12 : memref<128x64xf32, #tpu.memory_space<vmem>>) target(%dma_start3A_221 : memref<10240x64xf32, #tpu.memory_space<vmem_shared>>) offsets(%dma_start3A_218 : memref<128xi32, #tpu.memory_space<vmem>>) semaphore(%arg17 : memref<!tpu.dma_semaphore, #tpu.memory_space<semaphore_mem>>) {add = true}
      %sub3A_222 = arith.constant 2 : i32
      %sub3A_223 = arith.subi %add3A_209, %sub3A_222 : i32
      %add3A_224 = arith.constant 5 : i32
      %add3A_225 = arith.addi %sub3A_223, %add3A_224 : i32
      %ge3A_226 = arith.constant 2 : i32
      %ge3A_227 = arith.cmpi sge, %add3A_209, %ge3A_226 : i32
      %lt3A_228 = arith.constant 80 : i32
      %lt3A_229 = arith.cmpi slt, %add3A_225, %lt3A_228 : i32
      %and3A_230 = arith.andi %ge3A_227, %lt3A_229 : i1
      %convert_element_type3A_231 = arith.extui %and3A_230 : i1 to i32
      %cond3A_232 = arith.constant 0 : i32
      %cond3A_233 = arith.cmpi ne, %convert_element_type3A_231, %cond3A_232 : i32
      scf.if %cond3A_233 {
        %sub3A_290 = arith.constant 2 : i32
        %sub3A_291 = arith.subi %add3A_209, %sub3A_290 : i32
        %dma_wait3A_292 = arith.constant 0 : i32
        %dma_wait3A_293 = tpu.memref_slice %arg9[%sub3A_291, %dma_wait3A_292] : memref<80x128xi32, #tpu.memory_space<vmem>> -> memref<1x128xi32, #tpu.memory_space<vmem>>
        %dma_wait3A_294 = tpu.memref_squeeze %dma_wait3A_293 : memref<1x128xi32, #tpu.memory_space<vmem>> -> memref<128xi32, #tpu.memory_space<vmem>>
        %dma_wait3A_295 = arith.constant 0 : i32
        %dma_wait3A_296 = arith.constant 0 : i32
        %dma_wait3A_297 = tpu.memref_slice %arg15[%dma_wait3A_295, %dma_wait3A_296] : memref<10240x64xf32, #tpu.memory_space<vmem_shared>> -> memref<10240x64xf32, #tpu.memory_space<vmem_shared>>
        tpu.wait_indirect_dma semaphore(%arg17 : memref<!tpu.dma_semaphore, #tpu.memory_space<semaphore_mem>>) src(%arg10 : memref<128x64xf32, #tpu.memory_space<vmem>>) dst(%dma_wait3A_297 : memref<10240x64xf32, #tpu.memory_space<vmem_shared>>)
        %dma_start3A_298 = arith.constant 0 : i32
        %dma_start3A_299 = tpu.memref_slice %arg8[%add3A_225, %dma_start3A_298] : memref<80x128xi32, #tpu.memory_space<vmem>> -> memref<1x128xi32, #tpu.memory_space<vmem>>
        %dma_start3A_300 = tpu.memref_squeeze %dma_start3A_299 : memref<1x128xi32, #tpu.memory_space<vmem>> -> memref<128xi32, #tpu.memory_space<vmem>>
        %dma_start3A_301 = arith.constant 0 : i32
        %dma_start3A_302 = arith.constant 0 : i32
        %dma_start3A_303 = tpu.memref_slice %arg2[%dma_start3A_301, %dma_start3A_302] : memref<10000x64xf32, #tpu.memory_space<hbm>> -> memref<10000x64xf32, #tpu.memory_space<hbm>>
        tpu.enqueue_indirect_dma source(%dma_start3A_303 : memref<10000x64xf32, #tpu.memory_space<hbm>>) target(%arg10 : memref<128x64xf32, #tpu.memory_space<vmem>>) offsets(%dma_start3A_300 : memref<128xi32, #tpu.memory_space<vmem>>) semaphore(%arg16 : memref<!tpu.dma_semaphore, #tpu.memory_space<semaphore_mem>>)
      } else {
      }
      %mul3A_234 = arith.constant 5 : i32
      %mul3A_235 = arith.muli %mul3A_234, %scan3A_152 : i32
      %add3A_236 = arith.constant 3 : i32
      %add3A_237 = arith.addi %mul3A_235, %add3A_236 : i32
      %dma_wait3A_238 = arith.constant 0 : i32
      %dma_wait3A_239 = tpu.memref_slice %arg8[%add3A_237, %dma_wait3A_238] : memref<80x128xi32, #tpu.memory_space<vmem>> -> memref<1x128xi32, #tpu.memory_space<vmem>>
      %dma_wait3A_240 = tpu.memref_squeeze %dma_wait3A_239 : memref<1x128xi32, #tpu.memory_space<vmem>> -> memref<128xi32, #tpu.memory_space<vmem>>
      %dma_wait3A_241 = arith.constant 0 : i32
      %dma_wait3A_242 = arith.constant 0 : i32
      %dma_wait3A_243 = tpu.memref_slice %arg2[%dma_wait3A_241, %dma_wait3A_242] : memref<10000x64xf32, #tpu.memory_space<hbm>> -> memref<10000x64xf32, #tpu.memory_space<hbm>>
      tpu.wait_indirect_dma semaphore(%arg16 : memref<!tpu.dma_semaphore, #tpu.memory_space<semaphore_mem>>) src(%dma_wait3A_243 : memref<10000x64xf32, #tpu.memory_space<hbm>>) dst(%arg13 : memref<128x64xf32, #tpu.memory_space<vmem>>)
      %dma_start3A_244 = arith.constant 0 : i32
      %dma_start3A_245 = tpu.memref_slice %arg9[%add3A_237, %dma_start3A_244] : memref<80x128xi32, #tpu.memory_space<vmem>> -> memref<1x128xi32, #tpu.memory_space<vmem>>
      %dma_start3A_246 = tpu.memref_squeeze %dma_start3A_245 : memref<1x128xi32, #tpu.memory_space<vmem>> -> memref<128xi32, #tpu.memory_space<vmem>>
      %dma_start3A_247 = arith.constant 0 : i32
      %dma_start3A_248 = arith.constant 0 : i32
      %dma_start3A_249 = tpu.memref_slice %arg15[%dma_start3A_247, %dma_start3A_248] : memref<10240x64xf32, #tpu.memory_space<vmem_shared>> -> memref<10240x64xf32, #tpu.memory_space<vmem_shared>>
      tpu.enqueue_indirect_dma source(%arg13 : memref<128x64xf32, #tpu.memory_space<vmem>>) target(%dma_start3A_249 : memref<10240x64xf32, #tpu.memory_space<vmem_shared>>) offsets(%dma_start3A_246 : memref<128xi32, #tpu.memory_space<vmem>>) semaphore(%arg17 : memref<!tpu.dma_semaphore, #tpu.memory_space<semaphore_mem>>) {add = true}
      %sub3A_250 = arith.constant 2 : i32
      %sub3A_251 = arith.subi %add3A_237, %sub3A_250 : i32
      %add3A_252 = arith.constant 5 : i32
      %add3A_253 = arith.addi %sub3A_251, %add3A_252 : i32
      %ge3A_254 = arith.constant 2 : i32
      %ge3A_255 = arith.cmpi sge, %add3A_237, %ge3A_254 : i32
      %lt3A_256 = arith.constant 80 : i32
      %lt3A_257 = arith.cmpi slt, %add3A_253, %lt3A_256 : i32
      %and3A_258 = arith.andi %ge3A_255, %lt3A_257 : i1
      %convert_element_type3A_259 = arith.extui %and3A_258 : i1 to i32
      %cond3A_260 = arith.constant 0 : i32
      %cond3A_261 = arith.cmpi ne, %convert_element_type3A_259, %cond3A_260 : i32
      scf.if %cond3A_261 {
        %sub3A_290 = arith.constant 2 : i32
        %sub3A_291 = arith.subi %add3A_237, %sub3A_290 : i32
        %dma_wait3A_292 = arith.constant 0 : i32
        %dma_wait3A_293 = tpu.memref_slice %arg9[%sub3A_291, %dma_wait3A_292] : memref<80x128xi32, #tpu.memory_space<vmem>> -> memref<1x128xi32, #tpu.memory_space<vmem>>
        %dma_wait3A_294 = tpu.memref_squeeze %dma_wait3A_293 : memref<1x128xi32, #tpu.memory_space<vmem>> -> memref<128xi32, #tpu.memory_space<vmem>>
        %dma_wait3A_295 = arith.constant 0 : i32
        %dma_wait3A_296 = arith.constant 0 : i32
        %dma_wait3A_297 = tpu.memref_slice %arg15[%dma_wait3A_295, %dma_wait3A_296] : memref<10240x64xf32, #tpu.memory_space<vmem_shared>> -> memref<10240x64xf32, #tpu.memory_space<vmem_shared>>
        tpu.wait_indirect_dma semaphore(%arg17 : memref<!tpu.dma_semaphore, #tpu.memory_space<semaphore_mem>>) src(%arg11 : memref<128x64xf32, #tpu.memory_space<vmem>>) dst(%dma_wait3A_297 : memref<10240x64xf32, #tpu.memory_space<vmem_shared>>)
        %dma_start3A_298 = arith.constant 0 : i32
        %dma_start3A_299 = tpu.memref_slice %arg8[%add3A_253, %dma_start3A_298] : memref<80x128xi32, #tpu.memory_space<vmem>> -> memref<1x128xi32, #tpu.memory_space<vmem>>
        %dma_start3A_300 = tpu.memref_squeeze %dma_start3A_299 : memref<1x128xi32, #tpu.memory_space<vmem>> -> memref<128xi32, #tpu.memory_space<vmem>>
        %dma_start3A_301 = arith.constant 0 : i32
        %dma_start3A_302 = arith.constant 0 : i32
        %dma_start3A_303 = tpu.memref_slice %arg2[%dma_start3A_301, %dma_start3A_302] : memref<10000x64xf32, #tpu.memory_space<hbm>> -> memref<10000x64xf32, #tpu.memory_space<hbm>>
        tpu.enqueue_indirect_dma source(%dma_start3A_303 : memref<10000x64xf32, #tpu.memory_space<hbm>>) target(%arg11 : memref<128x64xf32, #tpu.memory_space<vmem>>) offsets(%dma_start3A_300 : memref<128xi32, #tpu.memory_space<vmem>>) semaphore(%arg16 : memref<!tpu.dma_semaphore, #tpu.memory_space<semaphore_mem>>)
      } else {
      }
      %mul3A_262 = arith.constant 5 : i32
      %mul3A_263 = arith.muli %mul3A_262, %scan3A_152 : i32
      %add3A_264 = arith.constant 4 : i32
      %add3A_265 = arith.addi %mul3A_263, %add3A_264 : i32
      %dma_wait3A_266 = arith.constant 0 : i32
      %dma_wait3A_267 = tpu.memref_slice %arg8[%add3A_265, %dma_wait3A_266] : memref<80x128xi32, #tpu.memory_space<vmem>> -> memref<1x128xi32, #tpu.memory_space<vmem>>
      %dma_wait3A_268 = tpu.memref_squeeze %dma_wait3A_267 : memref<1x128xi32, #tpu.memory_space<vmem>> -> memref<128xi32, #tpu.memory_space<vmem>>
      %dma_wait3A_269 = arith.constant 0 : i32
      %dma_wait3A_270 = arith.constant 0 : i32
      %dma_wait3A_271 = tpu.memref_slice %arg2[%dma_wait3A_269, %dma_wait3A_270] : memref<10000x64xf32, #tpu.memory_space<hbm>> -> memref<10000x64xf32, #tpu.memory_space<hbm>>
      tpu.wait_indirect_dma semaphore(%arg16 : memref<!tpu.dma_semaphore, #tpu.memory_space<semaphore_mem>>) src(%dma_wait3A_271 : memref<10000x64xf32, #tpu.memory_space<hbm>>) dst(%arg14 : memref<128x64xf32, #tpu.memory_space<vmem>>)
      %dma_start3A_272 = arith.constant 0 : i32
      %dma_start3A_273 = tpu.memref_slice %arg9[%add3A_265, %dma_start3A_272] : memref<80x128xi32, #tpu.memory_space<vmem>> -> memref<1x128xi32, #tpu.memory_space<vmem>>
      %dma_start3A_274 = tpu.memref_squeeze %dma_start3A_273 : memref<1x128xi32, #tpu.memory_space<vmem>> -> memref<128xi32, #tpu.memory_space<vmem>>
      %dma_start3A_275 = arith.constant 0 : i32
      %dma_start3A_276 = arith.constant 0 : i32
      %dma_start3A_277 = tpu.memref_slice %arg15[%dma_start3A_275, %dma_start3A_276] : memref<10240x64xf32, #tpu.memory_space<vmem_shared>> -> memref<10240x64xf32, #tpu.memory_space<vmem_shared>>
      tpu.enqueue_indirect_dma source(%arg14 : memref<128x64xf32, #tpu.memory_space<vmem>>) target(%dma_start3A_277 : memref<10240x64xf32, #tpu.memory_space<vmem_shared>>) offsets(%dma_start3A_274 : memref<128xi32, #tpu.memory_space<vmem>>) semaphore(%arg17 : memref<!tpu.dma_semaphore, #tpu.memory_space<semaphore_mem>>) {add = true}
      %sub3A_278 = arith.constant 2 : i32
      %sub3A_279 = arith.subi %add3A_265, %sub3A_278 : i32
      %add3A_280 = arith.constant 5 : i32
      %add3A_281 = arith.addi %sub3A_279, %add3A_280 : i32
      %ge3A_282 = arith.constant 2 : i32
      %ge3A_283 = arith.cmpi sge, %add3A_265, %ge3A_282 : i32
      %lt3A_284 = arith.constant 80 : i32
      %lt3A_285 = arith.cmpi slt, %add3A_281, %lt3A_284 : i32
      %and3A_286 = arith.andi %ge3A_283, %lt3A_285 : i1
      %convert_element_type3A_287 = arith.extui %and3A_286 : i1 to i32
      %cond3A_288 = arith.constant 0 : i32
      %cond3A_289 = arith.cmpi ne, %convert_element_type3A_287, %cond3A_288 : i32
      scf.if %cond3A_289 {
        %sub3A_290 = arith.constant 2 : i32
        %sub3A_291 = arith.subi %add3A_265, %sub3A_290 : i32
        %dma_wait3A_292 = arith.constant 0 : i32
        %dma_wait3A_293 = tpu.memref_slice %arg9[%sub3A_291, %dma_wait3A_292] : memref<80x128xi32, #tpu.memory_space<vmem>> -> memref<1x128xi32, #tpu.memory_space<vmem>>
        %dma_wait3A_294 = tpu.memref_squeeze %dma_wait3A_293 : memref<1x128xi32, #tpu.memory_space<vmem>> -> memref<128xi32, #tpu.memory_space<vmem>>
        %dma_wait3A_295 = arith.constant 0 : i32
        %dma_wait3A_296 = arith.constant 0 : i32
        %dma_wait3A_297 = tpu.memref_slice %arg15[%dma_wait3A_295, %dma_wait3A_296] : memref<10240x64xf32, #tpu.memory_space<vmem_shared>> -> memref<10240x64xf32, #tpu.memory_space<vmem_shared>>
        tpu.wait_indirect_dma semaphore(%arg17 : memref<!tpu.dma_semaphore, #tpu.memory_space<semaphore_mem>>) src(%arg12 : memref<128x64xf32, #tpu.memory_space<vmem>>) dst(%dma_wait3A_297 : memref<10240x64xf32, #tpu.memory_space<vmem_shared>>)
        %dma_start3A_298 = arith.constant 0 : i32
        %dma_start3A_299 = tpu.memref_slice %arg8[%add3A_281, %dma_start3A_298] : memref<80x128xi32, #tpu.memory_space<vmem>> -> memref<1x128xi32, #tpu.memory_space<vmem>>
        %dma_start3A_300 = tpu.memref_squeeze %dma_start3A_299 : memref<1x128xi32, #tpu.memory_space<vmem>> -> memref<128xi32, #tpu.memory_space<vmem>>
        %dma_start3A_301 = arith.constant 0 : i32
        %dma_start3A_302 = arith.constant 0 : i32
        %dma_start3A_303 = tpu.memref_slice %arg2[%dma_start3A_301, %dma_start3A_302] : memref<10000x64xf32, #tpu.memory_space<hbm>> -> memref<10000x64xf32, #tpu.memory_space<hbm>>
        tpu.enqueue_indirect_dma source(%dma_start3A_303 : memref<10000x64xf32, #tpu.memory_space<hbm>>) target(%arg12 : memref<128x64xf32, #tpu.memory_space<vmem>>) offsets(%dma_start3A_300 : memref<128xi32, #tpu.memory_space<vmem>>) semaphore(%arg16 : memref<!tpu.dma_semaphore, #tpu.memory_space<semaphore_mem>>)
      } else {
      }
    }
    %scan3A_81 = arith.constant 16 : i32
    %dma_wait3A = arith.constant 75 : i32
    %dma_wait3A_82 = arith.constant 0 : i32
    %dma_wait3A_83 = tpu.memref_slice %arg9[%dma_wait3A, %dma_wait3A_82] : memref<80x128xi32, #tpu.memory_space<vmem>> -> memref<1x128xi32, #tpu.memory_space<vmem>>
    %dma_wait3A_84 = tpu.memref_squeeze %dma_wait3A_83 : memref<1x128xi32, #tpu.memory_space<vmem>> -> memref<128xi32, #tpu.memory_space<vmem>>
    %dma_wait3A_85 = arith.constant 0 : i32
    %dma_wait3A_86 = arith.constant 0 : i32
    %dma_wait3A_87 = tpu.memref_slice %arg15[%dma_wait3A_85, %dma_wait3A_86] : memref<10240x64xf32, #tpu.memory_space<vmem_shared>> -> memref<10240x64xf32, #tpu.memory_space<vmem_shared>>
    tpu.wait_indirect_dma semaphore(%arg17 : memref<!tpu.dma_semaphore, #tpu.memory_space<semaphore_mem>>) src(%arg10 : memref<128x64xf32, #tpu.memory_space<vmem>>) dst(%dma_wait3A_87 : memref<10240x64xf32, #tpu.memory_space<vmem_shared>>)
    %dma_wait3A_88 = arith.constant 76 : i32
    %dma_wait3A_89 = arith.constant 0 : i32
    %dma_wait3A_90 = tpu.memref_slice %arg9[%dma_wait3A_88, %dma_wait3A_89] : memref<80x128xi32, #tpu.memory_space<vmem>> -> memref<1x128xi32, #tpu.memory_space<vmem>>
    %dma_wait3A_91 = tpu.memref_squeeze %dma_wait3A_90 : memref<1x128xi32, #tpu.memory_space<vmem>> -> memref<128xi32, #tpu.memory_space<vmem>>
    %dma_wait3A_92 = arith.constant 0 : i32
    %dma_wait3A_93 = arith.constant 0 : i32
    %dma_wait3A_94 = tpu.memref_slice %arg15[%dma_wait3A_92, %dma_wait3A_93] : memref<10240x64xf32, #tpu.memory_space<vmem_shared>> -> memref<10240x64xf32, #tpu.memory_space<vmem_shared>>
    tpu.wait_indirect_dma semaphore(%arg17 : memref<!tpu.dma_semaphore, #tpu.memory_space<semaphore_mem>>) src(%arg11 : memref<128x64xf32, #tpu.memory_space<vmem>>) dst(%dma_wait3A_94 : memref<10240x64xf32, #tpu.memory_space<vmem_shared>>)
    %dma_wait3A_95 = arith.constant 77 : i32
    %dma_wait3A_96 = arith.constant 0 : i32
    %dma_wait3A_97 = tpu.memref_slice %arg9[%dma_wait3A_95, %dma_wait3A_96] : memref<80x128xi32, #tpu.memory_space<vmem>> -> memref<1x128xi32, #tpu.memory_space<vmem>>
    %dma_wait3A_98 = tpu.memref_squeeze %dma_wait3A_97 : memref<1x128xi32, #tpu.memory_space<vmem>> -> memref<128xi32, #tpu.memory_space<vmem>>
    %dma_wait3A_99 = arith.constant 0 : i32
    %dma_wait3A_100 = arith.constant 0 : i32
    %dma_wait3A_101 = tpu.memref_slice %arg15[%dma_wait3A_99, %dma_wait3A_100] : memref<10240x64xf32, #tpu.memory_space<vmem_shared>> -> memref<10240x64xf32, #tpu.memory_space<vmem_shared>>
    tpu.wait_indirect_dma semaphore(%arg17 : memref<!tpu.dma_semaphore, #tpu.memory_space<semaphore_mem>>) src(%arg12 : memref<128x64xf32, #tpu.memory_space<vmem>>) dst(%dma_wait3A_101 : memref<10240x64xf32, #tpu.memory_space<vmem_shared>>)
    %dma_wait3A_102 = arith.constant 78 : i32
    %dma_wait3A_103 = arith.constant 0 : i32
    %dma_wait3A_104 = tpu.memref_slice %arg9[%dma_wait3A_102, %dma_wait3A_103] : memref<80x128xi32, #tpu.memory_space<vmem>> -> memref<1x128xi32, #tpu.memory_space<vmem>>
    %dma_wait3A_105 = tpu.memref_squeeze %dma_wait3A_104 : memref<1x128xi32, #tpu.memory_space<vmem>> -> memref<128xi32, #tpu.memory_space<vmem>>
    %dma_wait3A_106 = arith.constant 0 : i32
    %dma_wait3A_107 = arith.constant 0 : i32
    %dma_wait3A_108 = tpu.memref_slice %arg15[%dma_wait3A_106, %dma_wait3A_107] : memref<10240x64xf32, #tpu.memory_space<vmem_shared>> -> memref<10240x64xf32, #tpu.memory_space<vmem_shared>>
    tpu.wait_indirect_dma semaphore(%arg17 : memref<!tpu.dma_semaphore, #tpu.memory_space<semaphore_mem>>) src(%arg13 : memref<128x64xf32, #tpu.memory_space<vmem>>) dst(%dma_wait3A_108 : memref<10240x64xf32, #tpu.memory_space<vmem_shared>>)
    %dma_wait3A_109 = arith.constant 79 : i32
    %dma_wait3A_110 = arith.constant 0 : i32
    %dma_wait3A_111 = tpu.memref_slice %arg9[%dma_wait3A_109, %dma_wait3A_110] : memref<80x128xi32, #tpu.memory_space<vmem>> -> memref<1x128xi32, #tpu.memory_space<vmem>>
    %dma_wait3A_112 = tpu.memref_squeeze %dma_wait3A_111 : memref<1x128xi32, #tpu.memory_space<vmem>> -> memref<128xi32, #tpu.memory_space<vmem>>
    %dma_wait3A_113 = arith.constant 0 : i32
    %dma_wait3A_114 = arith.constant 0 : i32
    %dma_wait3A_115 = tpu.memref_slice %arg15[%dma_wait3A_113, %dma_wait3A_114] : memref<10240x64xf32, #tpu.memory_space<vmem_shared>> -> memref<10240x64xf32, #tpu.memory_space<vmem_shared>>
    tpu.wait_indirect_dma semaphore(%arg17 : memref<!tpu.dma_semaphore, #tpu.memory_space<semaphore_mem>>) src(%arg14 : memref<128x64xf32, #tpu.memory_space<vmem>>) dst(%dma_wait3A_115 : memref<10240x64xf32, #tpu.memory_space<vmem_shared>>)
    %barrier3A_116 = arith.constant 0 : index
    tpu.barrier barrier_id(%barrier3A_116)
    %mul3A_117 = arith.constant 640 : i32
    %mul3A_118 = arith.muli %arg1, %mul3A_117 : i32
    %add3A_119 = arith.constant 0 : i32
    %add3A_120 = arith.addi %mul3A_118, %add3A_119 : i32
    "tpu.region"() ({
      %run_scoped3A = tpu.sem_alloc : memref<!tpu.dma_semaphore, #tpu.memory_space<semaphore_mem>>
      %dma_start3A_152 = arith.constant 0 : i32
      %dma_start3A_153 = tpu.memref_slice %arg15[%add3A_120, %dma_start3A_152] : memref<10240x64xf32, #tpu.memory_space<vmem_shared>> -> memref<128x64xf32, #tpu.memory_space<vmem_shared>>
      %dma_start3A_154 = arith.constant 0 : i32
      %dma_start3A_155 = tpu.memref_slice %arg15[%add3A_120, %dma_start3A_154] : memref<10240x64xf32, #tpu.memory_space<vmem_shared>> -> memref<128x64xf32, #tpu.memory_space<vmem_shared>>
      tpu.enqueue_dma source(%dma_start3A_155 : memref<128x64xf32, #tpu.memory_space<vmem_shared>>) target(%arg10 : memref<128x64xf32, #tpu.memory_space<vmem>>) target_semaphore(%run_scoped3A : memref<!tpu.dma_semaphore, #tpu.memory_space<semaphore_mem>>)
      %dma_wait3A_156 = arith.constant 0 : i32
      %dma_wait3A_157 = tpu.memref_slice %arg15[%add3A_120, %dma_wait3A_156] : memref<10240x64xf32, #tpu.memory_space<vmem_shared>> -> memref<128x64xf32, #tpu.memory_space<vmem_shared>>
      %dma_wait3A_158 = arith.constant 0 : i32
      %dma_wait3A_159 = tpu.memref_slice %arg15[%add3A_120, %dma_wait3A_158] : memref<10240x64xf32, #tpu.memory_space<vmem_shared>> -> memref<128x64xf32, #tpu.memory_space<vmem_shared>>
      tpu.wait_dma2 semaphore(%run_scoped3A : memref<!tpu.dma_semaphore, #tpu.memory_space<semaphore_mem>>) src(%dma_wait3A_159 : memref<128x64xf32, #tpu.memory_space<vmem_shared>>) dst(%arg10 : memref<128x64xf32, #tpu.memory_space<vmem>>)
      tpu.yield
    }) : () -> ()
    %mul3A_121 = arith.constant 10240 : i32
    %mul3A_122 = arith.muli %arg0, %mul3A_121 : i32
    %add3A_123 = arith.addi %mul3A_122, %add3A_120 : i32
    "tpu.region"() ({
      %run_scoped3A = tpu.sem_alloc : memref<!tpu.dma_semaphore, #tpu.memory_space<semaphore_mem>>
      %dma_start3A_152 = arith.constant 0 : i32
      %dma_start3A_153 = tpu.memref_slice %arg7[%add3A_123, %dma_start3A_152] : memref<20480x64xf32, #tpu.memory_space<hbm>> -> memref<128x64xf32, #tpu.memory_space<hbm>>
      %dma_start3A_154 = arith.constant 0 : i32
      %dma_start3A_155 = tpu.memref_slice %arg7[%add3A_123, %dma_start3A_154] : memref<20480x64xf32, #tpu.memory_space<hbm>> -> memref<128x64xf32, #tpu.memory_space<hbm>>
      tpu.enqueue_dma source(%arg10 : memref<128x64xf32, #tpu.memory_space<vmem>>) target(%dma_start3A_155 : memref<128x64xf32, #tpu.memory_space<hbm>>) target_semaphore(%run_scoped3A : memref<!tpu.dma_semaphore, #tpu.memory_space<semaphore_mem>>)
      %dma_wait3A_156 = arith.constant 0 : i32
      %dma_wait3A_157 = tpu.memref_slice %arg7[%add3A_123, %dma_wait3A_156] : memref<20480x64xf32, #tpu.memory_space<hbm>> -> memref<128x64xf32, #tpu.memory_space<hbm>>
      %dma_wait3A_158 = arith.constant 0 : i32
      %dma_wait3A_159 = tpu.memref_slice %arg7[%add3A_123, %dma_wait3A_158] : memref<20480x64xf32, #tpu.memory_space<hbm>> -> memref<128x64xf32, #tpu.memory_space<hbm>>
      tpu.wait_dma2 semaphore(%run_scoped3A : memref<!tpu.dma_semaphore, #tpu.memory_space<semaphore_mem>>) src(%arg10 : memref<128x64xf32, #tpu.memory_space<vmem>>) dst(%dma_wait3A_159 : memref<128x64xf32, #tpu.memory_space<hbm>>)
      tpu.yield
    }) : () -> ()
    %mul3A_124 = arith.constant 640 : i32
    %mul3A_125 = arith.muli %arg1, %mul3A_124 : i32
    %add3A_126 = arith.constant 128 : i32
    %add3A_127 = arith.addi %mul3A_125, %add3A_126 : i32
    "tpu.region"() ({
      %run_scoped3A = tpu.sem_alloc : memref<!tpu.dma_semaphore, #tpu.memory_space<semaphore_mem>>
      %dma_start3A_152 = arith.constant 0 : i32
      %dma_start3A_153 = tpu.memref_slice %arg15[%add3A_127, %dma_start3A_152] : memref<10240x64xf32, #tpu.memory_space<vmem_shared>> -> memref<128x64xf32, #tpu.memory_space<vmem_shared>>
      %dma_start3A_154 = arith.constant 0 : i32
      %dma_start3A_155 = tpu.memref_slice %arg15[%add3A_127, %dma_start3A_154] : memref<10240x64xf32, #tpu.memory_space<vmem_shared>> -> memref<128x64xf32, #tpu.memory_space<vmem_shared>>
      tpu.enqueue_dma source(%dma_start3A_155 : memref<128x64xf32, #tpu.memory_space<vmem_shared>>) target(%arg10 : memref<128x64xf32, #tpu.memory_space<vmem>>) target_semaphore(%run_scoped3A : memref<!tpu.dma_semaphore, #tpu.memory_space<semaphore_mem>>)
      %dma_wait3A_156 = arith.constant 0 : i32
      %dma_wait3A_157 = tpu.memref_slice %arg15[%add3A_127, %dma_wait3A_156] : memref<10240x64xf32, #tpu.memory_space<vmem_shared>> -> memref<128x64xf32, #tpu.memory_space<vmem_shared>>
      %dma_wait3A_158 = arith.constant 0 : i32
      %dma_wait3A_159 = tpu.memref_slice %arg15[%add3A_127, %dma_wait3A_158] : memref<10240x64xf32, #tpu.memory_space<vmem_shared>> -> memref<128x64xf32, #tpu.memory_space<vmem_shared>>
      tpu.wait_dma2 semaphore(%run_scoped3A : memref<!tpu.dma_semaphore, #tpu.memory_space<semaphore_mem>>) src(%dma_wait3A_159 : memref<128x64xf32, #tpu.memory_space<vmem_shared>>) dst(%arg10 : memref<128x64xf32, #tpu.memory_space<vmem>>)
      tpu.yield
    }) : () -> ()
    %mul3A_128 = arith.constant 10240 : i32
    %mul3A_129 = arith.muli %arg0, %mul3A_128 : i32
    %add3A_130 = arith.addi %mul3A_129, %add3A_127 : i32
    "tpu.region"() ({
      %run_scoped3A = tpu.sem_alloc : memref<!tpu.dma_semaphore, #tpu.memory_space<semaphore_mem>>
      %dma_start3A_152 = arith.constant 0 : i32
      %dma_start3A_153 = tpu.memref_slice %arg7[%add3A_130, %dma_start3A_152] : memref<20480x64xf32, #tpu.memory_space<hbm>> -> memref<128x64xf32, #tpu.memory_space<hbm>>
      %dma_start3A_154 = arith.constant 0 : i32
      %dma_start3A_155 = tpu.memref_slice %arg7[%add3A_130, %dma_start3A_154] : memref<20480x64xf32, #tpu.memory_space<hbm>> -> memref<128x64xf32, #tpu.memory_space<hbm>>
      tpu.enqueue_dma source(%arg10 : memref<128x64xf32, #tpu.memory_space<vmem>>) target(%dma_start3A_155 : memref<128x64xf32, #tpu.memory_space<hbm>>) target_semaphore(%run_scoped3A : memref<!tpu.dma_semaphore, #tpu.memory_space<semaphore_mem>>)
      %dma_wait3A_156 = arith.constant 0 : i32
      %dma_wait3A_157 = tpu.memref_slice %arg7[%add3A_130, %dma_wait3A_156] : memref<20480x64xf32, #tpu.memory_space<hbm>> -> memref<128x64xf32, #tpu.memory_space<hbm>>
      %dma_wait3A_158 = arith.constant 0 : i32
      %dma_wait3A_159 = tpu.memref_slice %arg7[%add3A_130, %dma_wait3A_158] : memref<20480x64xf32, #tpu.memory_space<hbm>> -> memref<128x64xf32, #tpu.memory_space<hbm>>
      tpu.wait_dma2 semaphore(%run_scoped3A : memref<!tpu.dma_semaphore, #tpu.memory_space<semaphore_mem>>) src(%arg10 : memref<128x64xf32, #tpu.memory_space<vmem>>) dst(%dma_wait3A_159 : memref<128x64xf32, #tpu.memory_space<hbm>>)
      tpu.yield
    }) : () -> ()
    %mul3A_131 = arith.constant 640 : i32
    %mul3A_132 = arith.muli %arg1, %mul3A_131 : i32
    %add3A_133 = arith.constant 256 : i32
    %add3A_134 = arith.addi %mul3A_132, %add3A_133 : i32
    "tpu.region"() ({
      %run_scoped3A = tpu.sem_alloc : memref<!tpu.dma_semaphore, #tpu.memory_space<semaphore_mem>>
      %dma_start3A_152 = arith.constant 0 : i32
      %dma_start3A_153 = tpu.memref_slice %arg15[%add3A_134, %dma_start3A_152] : memref<10240x64xf32, #tpu.memory_space<vmem_shared>> -> memref<128x64xf32, #tpu.memory_space<vmem_shared>>
      %dma_start3A_154 = arith.constant 0 : i32
      %dma_start3A_155 = tpu.memref_slice %arg15[%add3A_134, %dma_start3A_154] : memref<10240x64xf32, #tpu.memory_space<vmem_shared>> -> memref<128x64xf32, #tpu.memory_space<vmem_shared>>
      tpu.enqueue_dma source(%dma_start3A_155 : memref<128x64xf32, #tpu.memory_space<vmem_shared>>) target(%arg10 : memref<128x64xf32, #tpu.memory_space<vmem>>) target_semaphore(%run_scoped3A : memref<!tpu.dma_semaphore, #tpu.memory_space<semaphore_mem>>)
      %dma_wait3A_156 = arith.constant 0 : i32
      %dma_wait3A_157 = tpu.memref_slice %arg15[%add3A_134, %dma_wait3A_156] : memref<10240x64xf32, #tpu.memory_space<vmem_shared>> -> memref<128x64xf32, #tpu.memory_space<vmem_shared>>
      %dma_wait3A_158 = arith.constant 0 : i32
      %dma_wait3A_159 = tpu.memref_slice %arg15[%add3A_134, %dma_wait3A_158] : memref<10240x64xf32, #tpu.memory_space<vmem_shared>> -> memref<128x64xf32, #tpu.memory_space<vmem_shared>>
      tpu.wait_dma2 semaphore(%run_scoped3A : memref<!tpu.dma_semaphore, #tpu.memory_space<semaphore_mem>>) src(%dma_wait3A_159 : memref<128x64xf32, #tpu.memory_space<vmem_shared>>) dst(%arg10 : memref<128x64xf32, #tpu.memory_space<vmem>>)
      tpu.yield
    }) : () -> ()
    %mul3A_135 = arith.constant 10240 : i32
    %mul3A_136 = arith.muli %arg0, %mul3A_135 : i32
    %add3A_137 = arith.addi %mul3A_136, %add3A_134 : i32
    "tpu.region"() ({
      %run_scoped3A = tpu.sem_alloc : memref<!tpu.dma_semaphore, #tpu.memory_space<semaphore_mem>>
      %dma_start3A_152 = arith.constant 0 : i32
      %dma_start3A_153 = tpu.memref_slice %arg7[%add3A_137, %dma_start3A_152] : memref<20480x64xf32, #tpu.memory_space<hbm>> -> memref<128x64xf32, #tpu.memory_space<hbm>>
      %dma_start3A_154 = arith.constant 0 : i32
      %dma_start3A_155 = tpu.memref_slice %arg7[%add3A_137, %dma_start3A_154] : memref<20480x64xf32, #tpu.memory_space<hbm>> -> memref<128x64xf32, #tpu.memory_space<hbm>>
      tpu.enqueue_dma source(%arg10 : memref<128x64xf32, #tpu.memory_space<vmem>>) target(%dma_start3A_155 : memref<128x64xf32, #tpu.memory_space<hbm>>) target_semaphore(%run_scoped3A : memref<!tpu.dma_semaphore, #tpu.memory_space<semaphore_mem>>)
      %dma_wait3A_156 = arith.constant 0 : i32
      %dma_wait3A_157 = tpu.memref_slice %arg7[%add3A_137, %dma_wait3A_156] : memref<20480x64xf32, #tpu.memory_space<hbm>> -> memref<128x64xf32, #tpu.memory_space<hbm>>
      %dma_wait3A_158 = arith.constant 0 : i32
      %dma_wait3A_159 = tpu.memref_slice %arg7[%add3A_137, %dma_wait3A_158] : memref<20480x64xf32, #tpu.memory_space<hbm>> -> memref<128x64xf32, #tpu.memory_space<hbm>>
      tpu.wait_dma2 semaphore(%run_scoped3A : memref<!tpu.dma_semaphore, #tpu.memory_space<semaphore_mem>>) src(%arg10 : memref<128x64xf32, #tpu.memory_space<vmem>>) dst(%dma_wait3A_159 : memref<128x64xf32, #tpu.memory_space<hbm>>)
      tpu.yield
    }) : () -> ()
    %mul3A_138 = arith.constant 640 : i32
    %mul3A_139 = arith.muli %arg1, %mul3A_138 : i32
    %add3A_140 = arith.constant 384 : i32
    %add3A_141 = arith.addi %mul3A_139, %add3A_140 : i32
    "tpu.region"() ({
      %run_scoped3A = tpu.sem_alloc : memref<!tpu.dma_semaphore, #tpu.memory_space<semaphore_mem>>
      %dma_start3A_152 = arith.constant 0 : i32
      %dma_start3A_153 = tpu.memref_slice %arg15[%add3A_141, %dma_start3A_152] : memref<10240x64xf32, #tpu.memory_space<vmem_shared>> -> memref<128x64xf32, #tpu.memory_space<vmem_shared>>
      %dma_start3A_154 = arith.constant 0 : i32
      %dma_start3A_155 = tpu.memref_slice %arg15[%add3A_141, %dma_start3A_154] : memref<10240x64xf32, #tpu.memory_space<vmem_shared>> -> memref<128x64xf32, #tpu.memory_space<vmem_shared>>
      tpu.enqueue_dma source(%dma_start3A_155 : memref<128x64xf32, #tpu.memory_space<vmem_shared>>) target(%arg10 : memref<128x64xf32, #tpu.memory_space<vmem>>) target_semaphore(%run_scoped3A : memref<!tpu.dma_semaphore, #tpu.memory_space<semaphore_mem>>)
      %dma_wait3A_156 = arith.constant 0 : i32
      %dma_wait3A_157 = tpu.memref_slice %arg15[%add3A_141, %dma_wait3A_156] : memref<10240x64xf32, #tpu.memory_space<vmem_shared>> -> memref<128x64xf32, #tpu.memory_space<vmem_shared>>
      %dma_wait3A_158 = arith.constant 0 : i32
      %dma_wait3A_159 = tpu.memref_slice %arg15[%add3A_141, %dma_wait3A_158] : memref<10240x64xf32, #tpu.memory_space<vmem_shared>> -> memref<128x64xf32, #tpu.memory_space<vmem_shared>>
      tpu.wait_dma2 semaphore(%run_scoped3A : memref<!tpu.dma_semaphore, #tpu.memory_space<semaphore_mem>>) src(%dma_wait3A_159 : memref<128x64xf32, #tpu.memory_space<vmem_shared>>) dst(%arg10 : memref<128x64xf32, #tpu.memory_space<vmem>>)
      tpu.yield
    }) : () -> ()
    %mul3A_142 = arith.constant 10240 : i32
    %mul3A_143 = arith.muli %arg0, %mul3A_142 : i32
    %add3A_144 = arith.addi %mul3A_143, %add3A_141 : i32
    "tpu.region"() ({
      %run_scoped3A = tpu.sem_alloc : memref<!tpu.dma_semaphore, #tpu.memory_space<semaphore_mem>>
      %dma_start3A_152 = arith.constant 0 : i32
      %dma_start3A_153 = tpu.memref_slice %arg7[%add3A_144, %dma_start3A_152] : memref<20480x64xf32, #tpu.memory_space<hbm>> -> memref<128x64xf32, #tpu.memory_space<hbm>>
      %dma_start3A_154 = arith.constant 0 : i32
      %dma_start3A_155 = tpu.memref_slice %arg7[%add3A_144, %dma_start3A_154] : memref<20480x64xf32, #tpu.memory_space<hbm>> -> memref<128x64xf32, #tpu.memory_space<hbm>>
      tpu.enqueue_dma source(%arg10 : memref<128x64xf32, #tpu.memory_space<vmem>>) target(%dma_start3A_155 : memref<128x64xf32, #tpu.memory_space<hbm>>) target_semaphore(%run_scoped3A : memref<!tpu.dma_semaphore, #tpu.memory_space<semaphore_mem>>)
      %dma_wait3A_156 = arith.constant 0 : i32
      %dma_wait3A_157 = tpu.memref_slice %arg7[%add3A_144, %dma_wait3A_156] : memref<20480x64xf32, #tpu.memory_space<hbm>> -> memref<128x64xf32, #tpu.memory_space<hbm>>
      %dma_wait3A_158 = arith.constant 0 : i32
      %dma_wait3A_159 = tpu.memref_slice %arg7[%add3A_144, %dma_wait3A_158] : memref<20480x64xf32, #tpu.memory_space<hbm>> -> memref<128x64xf32, #tpu.memory_space<hbm>>
      tpu.wait_dma2 semaphore(%run_scoped3A : memref<!tpu.dma_semaphore, #tpu.memory_space<semaphore_mem>>) src(%arg10 : memref<128x64xf32, #tpu.memory_space<vmem>>) dst(%dma_wait3A_159 : memref<128x64xf32, #tpu.memory_space<hbm>>)
      tpu.yield
    }) : () -> ()
    %mul3A_145 = arith.constant 640 : i32
    %mul3A_146 = arith.muli %arg1, %mul3A_145 : i32
    %add3A_147 = arith.constant 512 : i32
    %add3A_148 = arith.addi %mul3A_146, %add3A_147 : i32
    "tpu.region"() ({
      %run_scoped3A = tpu.sem_alloc : memref<!tpu.dma_semaphore, #tpu.memory_space<semaphore_mem>>
      %dma_start3A_152 = arith.constant 0 : i32
      %dma_start3A_153 = tpu.memref_slice %arg15[%add3A_148, %dma_start3A_152] : memref<10240x64xf32, #tpu.memory_space<vmem_shared>> -> memref<128x64xf32, #tpu.memory_space<vmem_shared>>
      %dma_start3A_154 = arith.constant 0 : i32
      %dma_start3A_155 = tpu.memref_slice %arg15[%add3A_148, %dma_start3A_154] : memref<10240x64xf32, #tpu.memory_space<vmem_shared>> -> memref<128x64xf32, #tpu.memory_space<vmem_shared>>
      tpu.enqueue_dma source(%dma_start3A_155 : memref<128x64xf32, #tpu.memory_space<vmem_shared>>) target(%arg10 : memref<128x64xf32, #tpu.memory_space<vmem>>) target_semaphore(%run_scoped3A : memref<!tpu.dma_semaphore, #tpu.memory_space<semaphore_mem>>)
      %dma_wait3A_156 = arith.constant 0 : i32
      %dma_wait3A_157 = tpu.memref_slice %arg15[%add3A_148, %dma_wait3A_156] : memref<10240x64xf32, #tpu.memory_space<vmem_shared>> -> memref<128x64xf32, #tpu.memory_space<vmem_shared>>
      %dma_wait3A_158 = arith.constant 0 : i32
      %dma_wait3A_159 = tpu.memref_slice %arg15[%add3A_148, %dma_wait3A_158] : memref<10240x64xf32, #tpu.memory_space<vmem_shared>> -> memref<128x64xf32, #tpu.memory_space<vmem_shared>>
      tpu.wait_dma2 semaphore(%run_scoped3A : memref<!tpu.dma_semaphore, #tpu.memory_space<semaphore_mem>>) src(%dma_wait3A_159 : memref<128x64xf32, #tpu.memory_space<vmem_shared>>) dst(%arg10 : memref<128x64xf32, #tpu.memory_space<vmem>>)
      tpu.yield
    }) : () -> ()
    %mul3A_149 = arith.constant 10240 : i32
    %mul3A_150 = arith.muli %arg0, %mul3A_149 : i32
    %add3A_151 = arith.addi %mul3A_150, %add3A_148 : i32
    "tpu.region"() ({
      %run_scoped3A = tpu.sem_alloc : memref<!tpu.dma_semaphore, #tpu.memory_space<semaphore_mem>>
      %dma_start3A_152 = arith.constant 0 : i32
      %dma_start3A_153 = tpu.memref_slice %arg7[%add3A_151, %dma_start3A_152] : memref<20480x64xf32, #tpu.memory_space<hbm>> -> memref<128x64xf32, #tpu.memory_space<hbm>>
      %dma_start3A_154 = arith.constant 0 : i32
      %dma_start3A_155 = tpu.memref_slice %arg7[%add3A_151, %dma_start3A_154] : memref<20480x64xf32, #tpu.memory_space<hbm>> -> memref<128x64xf32, #tpu.memory_space<hbm>>
      tpu.enqueue_dma source(%arg10 : memref<128x64xf32, #tpu.memory_space<vmem>>) target(%dma_start3A_155 : memref<128x64xf32, #tpu.memory_space<hbm>>) target_semaphore(%run_scoped3A : memref<!tpu.dma_semaphore, #tpu.memory_space<semaphore_mem>>)
      %dma_wait3A_156 = arith.constant 0 : i32
      %dma_wait3A_157 = tpu.memref_slice %arg7[%add3A_151, %dma_wait3A_156] : memref<20480x64xf32, #tpu.memory_space<hbm>> -> memref<128x64xf32, #tpu.memory_space<hbm>>
      %dma_wait3A_158 = arith.constant 0 : i32
      %dma_wait3A_159 = tpu.memref_slice %arg7[%add3A_151, %dma_wait3A_158] : memref<20480x64xf32, #tpu.memory_space<hbm>> -> memref<128x64xf32, #tpu.memory_space<hbm>>
      tpu.wait_dma2 semaphore(%run_scoped3A : memref<!tpu.dma_semaphore, #tpu.memory_space<semaphore_mem>>) src(%arg10 : memref<128x64xf32, #tpu.memory_space<vmem>>) dst(%dma_wait3A_159 : memref<128x64xf32, #tpu.memory_space<hbm>>)
      tpu.yield
    }) : () -> ()
    return
  }
}

module attributes {stable_mosaic.version = 14 : i64} {
  func.func @body(%arg0: i32, %arg1: memref<1000x128xf32, #tpu.memory_space<vmem>>, %arg2: memref<128x128xf32, #tpu.memory_space<vmem>>, %arg3: memref<1000x1xf32, #tpu.memory_space<vmem>>, %arg4: memref<1000x128xf32, #tpu.memory_space<vmem>>) attributes {dimension_semantics = [#tpu.dimension_semantics<arbitrary>], iteration_bounds = array<i64: 10>, scalar_prefetch = 0 : i64, scratch_operands = 0 : i64, tpu.core_type = #tpu.core_type<tc>, window_params = [{transform_indices = @transform_0, window_bounds = array<i64: 1000, 128>}, {pipeline_mode = #tpu.pipeline_mode<synchronous>, transform_indices = @transform_1, window_bounds = array<i64: 128, 128>}, {transform_indices = @transform_2, window_bounds = array<i64: 1000, 1>}, {transform_indices = @transform_3, window_bounds = array<i64: 1000, 128>}]} {
    %get3A = arith.constant 0 : index
    %get3A_0 = arith.constant 0 : index
    %get3A_1 = vector.load %arg1[%get3A, %get3A_0] : memref<1000x128xf32, #tpu.memory_space<vmem>>, vector<1000x128xf32>
    %get3A_2 = arith.constant 0 : index
    %get3A_3 = arith.constant 0 : index
    %get3A_4 = vector.load %arg2[%get3A_2, %get3A_3] : memref<128x128xf32, #tpu.memory_space<vmem>>, vector<128x128xf32>
    %dot_general3A = arith.constant dense<0.000000e+00> : vector<1000x128xf32>
    %dot_general3A_5 = tpu.matmul %get3A_1, %get3A_4, %dot_general3A {dimension_numbers = #tpu.dot_dimension_numbers<[1], [0], [0], [1], [0, 0, 1, 1], [], []>, transpose_lhs_hint = false} : vector<1000x128xf32>, vector<128x128xf32>, vector<1000x128xf32> -> vector<1000x128xf32>
    %get3A_6 = arith.constant 0 : index
    %get3A_7 = arith.constant 0 : index
    %get3A_8 = vector.load %arg3[%get3A_6, %get3A_7] : memref<1000x1xf32, #tpu.memory_space<vmem>>, vector<1000x1xf32>
    %mul3A = vector.broadcast %get3A_8 : vector<1000x1xf32> to vector<1000x128xf32>
    %mul3A_9 = arith.mulf %dot_general3A_5, %mul3A : vector<1000x128xf32>
    %swap3A = arith.constant 0 : index
    %swap3A_10 = arith.constant 0 : index
    %swap3A_11 = vector.load %arg4[%swap3A, %swap3A_10] : memref<1000x128xf32, #tpu.memory_space<vmem>>, vector<1000x128xf32>
    tpu.vector_store %arg4[%swap3A, %swap3A_10], %mul3A_9 {strides = array<i32>} : memref<1000x128xf32, #tpu.memory_space<vmem>>, vector<1000x128xf32>,
    return
  }
  func.func @transform_0(%arg0: i32) -> (i32, i32) {
    %c0_i32 = arith.constant 0 : i32
    %c0_i32_0 = arith.constant 0 : i32
    return %arg0, %c0_i32 : i32, i32
  }
  func.func @transform_1(%arg0: i32) -> (i32, i32) {
    %c0_i32 = arith.constant 0 : i32
    %c0_i32_0 = arith.constant 0 : i32
    %c0_i32_1 = arith.constant 0 : i32
    return %c0_i32, %c0_i32_0 : i32, i32
  }
  func.func @transform_2(%arg0: i32) -> (i32, i32) {
    %c0_i32 = arith.constant 0 : i32
    %c0_i32_0 = arith.constant 0 : i32
    return %arg0, %c0_i32 : i32, i32
  }
  func.func @transform_3(%arg0: i32) -> (i32, i32) {
    %c0_i32 = arith.constant 0 : i32
    %c0_i32_0 = arith.constant 0 : i32
    return %arg0, %c0_i32 : i32, i32
  }
}

module attributes {stable_mosaic.version = 14 : i64} {
  func.func @body(%arg0: i32, %arg1: memref<2x1000x64xf32, #tpu.memory_space<vmem>>, %arg2: memref<1000x128xf32, #tpu.memory_space<vmem>>, %arg3: memref<1000x1xf32, #tpu.memory_space<vmem>>, %arg4: memref<1x128xf32, #tpu.memory_space<vmem>>, %arg5: memref<128x64xf32, #tpu.memory_space<vmem>>, %arg6: memref<1000x64xf32, #tpu.memory_space<vmem>>) attributes {dimension_semantics = [#tpu.dimension_semantics<arbitrary>], iteration_bounds = array<i64: 10>, scalar_prefetch = 0 : i64, scratch_operands = 0 : i64, tpu.core_type = #tpu.core_type<tc>, window_params = [{transform_indices = @transform_0, window_bounds = array<i64: 2, 1000, 64>}, {transform_indices = @transform_1, window_bounds = array<i64: 1000, 128>}, {transform_indices = @transform_2, window_bounds = array<i64: 1000, 1>}, {pipeline_mode = #tpu.pipeline_mode<synchronous>, transform_indices = @transform_3, window_bounds = array<i64: 1, 128>}, {pipeline_mode = #tpu.pipeline_mode<synchronous>, transform_indices = @transform_4, window_bounds = array<i64: 128, 64>}, {transform_indices = @transform_5, window_bounds = array<i64: 1000, 64>}]} {
    %get3A = arith.constant 0 : index
    %get3A_0 = arith.constant 0 : index
    %get3A_1 = vector.load %arg3[%get3A, %get3A_0] : memref<1000x1xf32, #tpu.memory_space<vmem>>, vector<1000x1xf32>
    %get3A_2 = arith.constant 0 : index
    %get3A_3 = arith.constant 0 : index
    %get3A_4 = arith.constant 0 : index
    %get3A_5 = vector.load %arg1[%get3A_2, %get3A_3, %get3A_4] : memref<2x1000x64xf32, #tpu.memory_space<vmem>>, vector<1x1000x64xf32>
    %get3A_6 = vector.shape_cast %get3A_5 : vector<1x1000x64xf32> to vector<1000x64xf32>
    %get3A_7 = arith.constant 0 : index
    %get3A_8 = arith.constant 0 : index
    %get3A_9 = vector.load %arg2[%get3A_7, %get3A_8] : memref<1000x128xf32, #tpu.memory_space<vmem>>, vector<1000x64xf32>
    %add3A = arith.addf %get3A_6, %get3A_9 : vector<1000x64xf32>
    %mul3A = vector.broadcast %get3A_1 : vector<1000x1xf32> to vector<1000x64xf32>
    %mul3A_10 = arith.mulf %add3A, %mul3A : vector<1000x64xf32>
    %get3A_11 = arith.constant 0 : index
    %get3A_12 = arith.constant 0 : index
    %get3A_13 = vector.load %arg4[%get3A_11, %get3A_12] : memref<1x128xf32, #tpu.memory_space<vmem>>, vector<1x64xf32>
    %add3A_14 = vector.broadcast %get3A_13 : vector<1x64xf32> to vector<1000x64xf32>
    %add3A_15 = arith.addf %mul3A_10, %add3A_14 : vector<1000x64xf32>
    %max3A = arith.constant 0.000000e+00 : f32
    %max3A_16 = vector.broadcast %max3A : f32 to vector<1000x64xf32>
    %max3A_17 = arith.maximumf %add3A_15, %max3A_16 : vector<1000x64xf32>
    %get3A_18 = arith.constant 1 : index
    %get3A_19 = arith.constant 0 : index
    %get3A_20 = arith.constant 0 : index
    %get3A_21 = vector.load %arg1[%get3A_18, %get3A_19, %get3A_20] : memref<2x1000x64xf32, #tpu.memory_space<vmem>>, vector<1x1000x64xf32>
    %get3A_22 = vector.shape_cast %get3A_21 : vector<1x1000x64xf32> to vector<1000x64xf32>
    %get3A_23 = arith.constant 0 : index
    %get3A_24 = arith.constant 64 : index
    %get3A_25 = vector.load %arg2[%get3A_23, %get3A_24] : memref<1000x128xf32, #tpu.memory_space<vmem>>, vector<1000x64xf32>
    %add3A_26 = arith.addf %get3A_22, %get3A_25 : vector<1000x64xf32>
    %mul3A_27 = vector.broadcast %get3A_1 : vector<1000x1xf32> to vector<1000x64xf32>
    %mul3A_28 = arith.mulf %add3A_26, %mul3A_27 : vector<1000x64xf32>
    %get3A_29 = arith.constant 0 : index
    %get3A_30 = arith.constant 64 : index
    %get3A_31 = vector.load %arg4[%get3A_29, %get3A_30] : memref<1x128xf32, #tpu.memory_space<vmem>>, vector<1x64xf32>
    %add3A_32 = vector.broadcast %get3A_31 : vector<1x64xf32> to vector<1000x64xf32>
    %add3A_33 = arith.addf %mul3A_28, %add3A_32 : vector<1000x64xf32>
    %max3A_34 = arith.constant 0.000000e+00 : f32
    %max3A_35 = vector.broadcast %max3A_34 : f32 to vector<1000x64xf32>
    %max3A_36 = arith.maximumf %add3A_33, %max3A_35 : vector<1000x64xf32>
    %get3A_37 = arith.constant 0 : index
    %get3A_38 = arith.constant 0 : index
    %get3A_39 = vector.load %arg5[%get3A_37, %get3A_38] : memref<128x64xf32, #tpu.memory_space<vmem>>, vector<64x64xf32>
    %dot_general3A = arith.constant dense<0.000000e+00> : vector<1000x64xf32>
    %dot_general3A_40 = tpu.matmul %max3A_17, %get3A_39, %dot_general3A {dimension_numbers = #tpu.dot_dimension_numbers<[1], [0], [0], [1], [0, 0, 1, 1], [], []>, transpose_lhs_hint = false} : vector<1000x64xf32>, vector<64x64xf32>, vector<1000x64xf32> -> vector<1000x64xf32>
    %get3A_41 = arith.constant 64 : index
    %get3A_42 = arith.constant 0 : index
    %get3A_43 = vector.load %arg5[%get3A_41, %get3A_42] : memref<128x64xf32, #tpu.memory_space<vmem>>, vector<64x64xf32>
    %dot_general3A_44 = arith.constant dense<0.000000e+00> : vector<1000x64xf32>
    %dot_general3A_45 = tpu.matmul %max3A_36, %get3A_43, %dot_general3A_44 {dimension_numbers = #tpu.dot_dimension_numbers<[1], [0], [0], [1], [0, 0, 1, 1], [], []>, transpose_lhs_hint = false} : vector<1000x64xf32>, vector<64x64xf32>, vector<1000x64xf32> -> vector<1000x64xf32>
    %add3A_46 = arith.addf %dot_general3A_40, %dot_general3A_45 : vector<1000x64xf32>
    %mul3A_47 = vector.broadcast %get3A_1 : vector<1000x1xf32> to vector<1000x64xf32>
    %mul3A_48 = arith.mulf %add3A_46, %mul3A_47 : vector<1000x64xf32>
    %swap3A = arith.constant 0 : index
    %swap3A_49 = arith.constant 0 : index
    %swap3A_50 = vector.load %arg6[%swap3A, %swap3A_49] : memref<1000x64xf32, #tpu.memory_space<vmem>>, vector<1000x64xf32>
    tpu.vector_store %arg6[%swap3A, %swap3A_49], %mul3A_48 {strides = array<i32>} : memref<1000x64xf32, #tpu.memory_space<vmem>>, vector<1000x64xf32>,
    return
  }
  func.func @transform_0(%arg0: i32) -> (i32, i32, i32) {
    %c0_i32 = arith.constant 0 : i32
    %c0_i32_0 = arith.constant 0 : i32
    %c0_i32_1 = arith.constant 0 : i32
    return %c0_i32, %arg0, %c0_i32_0 : i32, i32, i32
  }
  func.func @transform_1(%arg0: i32) -> (i32, i32) {
    %c0_i32 = arith.constant 0 : i32
    %c0_i32_0 = arith.constant 0 : i32
    return %arg0, %c0_i32 : i32, i32
  }
  func.func @transform_2(%arg0: i32) -> (i32, i32) {
    %c0_i32 = arith.constant 0 : i32
    %c0_i32_0 = arith.constant 0 : i32
    return %arg0, %c0_i32 : i32, i32
  }
  func.func @transform_3(%arg0: i32) -> (i32, i32) {
    %c0_i32 = arith.constant 0 : i32
    %c0_i32_0 = arith.constant 0 : i32
    %c0_i32_1 = arith.constant 0 : i32
    return %c0_i32, %c0_i32_0 : i32, i32
  }
  func.func @transform_4(%arg0: i32) -> (i32, i32) {
    %c0_i32 = arith.constant 0 : i32
    %c0_i32_0 = arith.constant 0 : i32
    %c0_i32_1 = arith.constant 0 : i32
    return %c0_i32, %c0_i32_0 : i32, i32
  }
  func.func @transform_5(%arg0: i32) -> (i32, i32) {
    %c0_i32 = arith.constant 0 : i32
    %c0_i32_0 = arith.constant 0 : i32
    return %arg0, %c0_i32 : i32, i32
  }
}

module attributes {stable_mosaic.version = 14 : i64} {
  func.func @body(%arg0: i32, %arg1: memref<2x1000x64xf32, #tpu.memory_space<vmem>>, %arg2: memref<1000x64xf32, #tpu.memory_space<vmem>>, %arg3: memref<1000x1xf32, #tpu.memory_space<vmem>>, %arg4: memref<1x64xf32, #tpu.memory_space<vmem>>, %arg5: memref<1000x64xf32, #tpu.memory_space<vmem>>) attributes {dimension_semantics = [#tpu.dimension_semantics<arbitrary>], iteration_bounds = array<i64: 10>, scalar_prefetch = 0 : i64, scratch_operands = 0 : i64, tpu.core_type = #tpu.core_type<tc>, window_params = [{transform_indices = @transform_0, window_bounds = array<i64: 2, 1000, 64>}, {transform_indices = @transform_1, window_bounds = array<i64: 1000, 64>}, {transform_indices = @transform_2, window_bounds = array<i64: 1000, 1>}, {pipeline_mode = #tpu.pipeline_mode<synchronous>, transform_indices = @transform_3, window_bounds = array<i64: 1, 64>}, {transform_indices = @transform_4, window_bounds = array<i64: 1000, 64>}]} {
    %get3A = arith.constant 0 : index
    %get3A_0 = arith.constant 0 : index
    %get3A_1 = arith.constant 0 : index
    %get3A_2 = vector.load %arg1[%get3A, %get3A_0, %get3A_1] : memref<2x1000x64xf32, #tpu.memory_space<vmem>>, vector<1x1000x64xf32>
    %get3A_3 = vector.shape_cast %get3A_2 : vector<1x1000x64xf32> to vector<1000x64xf32>
    %get3A_4 = arith.constant 1 : index
    %get3A_5 = arith.constant 0 : index
    %get3A_6 = arith.constant 0 : index
    %get3A_7 = vector.load %arg1[%get3A_4, %get3A_5, %get3A_6] : memref<2x1000x64xf32, #tpu.memory_space<vmem>>, vector<1x1000x64xf32>
    %get3A_8 = vector.shape_cast %get3A_7 : vector<1x1000x64xf32> to vector<1000x64xf32>
    %add3A = arith.addf %get3A_3, %get3A_8 : vector<1000x64xf32>
    %get3A_9 = arith.constant 0 : index
    %get3A_10 = arith.constant 0 : index
    %get3A_11 = vector.load %arg2[%get3A_9, %get3A_10] : memref<1000x64xf32, #tpu.memory_space<vmem>>, vector<1000x64xf32>
    %add3A_12 = arith.addf %add3A, %get3A_11 : vector<1000x64xf32>
    %get3A_13 = arith.constant 0 : index
    %get3A_14 = arith.constant 0 : index
    %get3A_15 = vector.load %arg3[%get3A_13, %get3A_14] : memref<1000x1xf32, #tpu.memory_space<vmem>>, vector<1000x1xf32>
    %mul3A = vector.broadcast %get3A_15 : vector<1000x1xf32> to vector<1000x64xf32>
    %mul3A_16 = arith.mulf %add3A_12, %mul3A : vector<1000x64xf32>
    %get3A_17 = arith.constant 0 : index
    %get3A_18 = arith.constant 0 : index
    %get3A_19 = vector.load %arg4[%get3A_17, %get3A_18] : memref<1x64xf32, #tpu.memory_space<vmem>>, vector<1x64xf32>
    %add3A_20 = vector.broadcast %get3A_19 : vector<1x64xf32> to vector<1000x64xf32>
    %add3A_21 = arith.addf %mul3A_16, %add3A_20 : vector<1000x64xf32>
    %reduce_max3A = arith.constant dense<0xFF800000> : vector<1000xf32>
    %reduce_max3A_22 = vector.multi_reduction <maximumf>, %add3A_21, %reduce_max3A [1] : vector<1000x64xf32> to vector<1000xf32>
    %broadcast_in_dim3A = vector.shape_cast %reduce_max3A_22 : vector<1000xf32> to vector<1000x1xf32>
    %sub3A = vector.broadcast %broadcast_in_dim3A : vector<1000x1xf32> to vector<1000x64xf32>
    %sub3A_23 = arith.subf %add3A_21, %sub3A : vector<1000x64xf32>
    %exp3A = math.exp %sub3A_23 : vector<1000x64xf32>
    %sub3A_24 = vector.broadcast %broadcast_in_dim3A : vector<1000x1xf32> to vector<1000x64xf32>
    %sub3A_25 = arith.subf %add3A_21, %sub3A_24 : vector<1000x64xf32>
    %reduce_sum3A = arith.constant dense<0.000000e+00> : vector<1000xf32>
    %reduce_sum3A_26 = vector.multi_reduction <add>, %exp3A, %reduce_sum3A [1] : vector<1000x64xf32> to vector<1000xf32>
    %broadcast_in_dim3A_27 = vector.shape_cast %reduce_sum3A_26 : vector<1000xf32> to vector<1000x1xf32>
    %log3A = math.log %broadcast_in_dim3A_27 : vector<1000x1xf32>
    %sub3A_28 = vector.broadcast %log3A : vector<1000x1xf32> to vector<1000x64xf32>
    %sub3A_29 = arith.subf %sub3A_25, %sub3A_28 : vector<1000x64xf32>
    %swap3A = arith.constant 0 : index
    %swap3A_30 = arith.constant 0 : index
    %swap3A_31 = vector.load %arg5[%swap3A, %swap3A_30] : memref<1000x64xf32, #tpu.memory_space<vmem>>, vector<1000x64xf32>
    tpu.vector_store %arg5[%swap3A, %swap3A_30], %sub3A_29 {strides = array<i32>} : memref<1000x64xf32, #tpu.memory_space<vmem>>, vector<1000x64xf32>,
    return
  }
  func.func @transform_0(%arg0: i32) -> (i32, i32, i32) {
    %c0_i32 = arith.constant 0 : i32
    %c0_i32_0 = arith.constant 0 : i32
    %c0_i32_1 = arith.constant 0 : i32
    return %c0_i32, %arg0, %c0_i32_0 : i32, i32, i32
  }
  func.func @transform_1(%arg0: i32) -> (i32, i32) {
    %c0_i32 = arith.constant 0 : i32
    %c0_i32_0 = arith.constant 0 : i32
    return %arg0, %c0_i32 : i32, i32
  }
  func.func @transform_2(%arg0: i32) -> (i32, i32) {
    %c0_i32 = arith.constant 0 : i32
    %c0_i32_0 = arith.constant 0 : i32
    return %arg0, %c0_i32 : i32, i32
  }
  func.func @transform_3(%arg0: i32) -> (i32, i32) {
    %c0_i32 = arith.constant 0 : i32
    %c0_i32_0 = arith.constant 0 : i32
    %c0_i32_1 = arith.constant 0 : i32
    return %c0_i32, %c0_i32_0 : i32, i32
  }
  func.func @transform_4(%arg0: i32) -> (i32, i32) {
    %c0_i32 = arith.constant 0 : i32
    %c0_i32_0 = arith.constant 0 : i32
    return %arg0, %c0_i32 : i32, i32
  }
}

</mosaic_0001>

<sc_bundles>
// kernel: kernel.11.cloned.1.call-start
scs
__scs_entry_jumppad:
0x0: {  	(pc) =	sbr.rel $0x88, $3  }
0x1: {  	(tag) =	ssettag $0x0;
	lr =	simm.s32 $0x1  }
0x2: {  	[smem:$0x3F9B] =	sst lr;
	_ =	strace $0xD0000000  }
0x3: {  	_ = 	snop  }
0x4: {  	_ = 	snop  }
0x5: {  	_ = 	snop  }
0x6: {  	_ = 	snop  }
0x7: {  	_ = 	snop  }
__scs_overlays_trampoline_lowered:
0x8: {  	[smem:$0x3FAA] =	sst s0  }
0x9: {  	[smem:$0x3FAB] =	sst s1  }
0xa: {  	[smem:$0x3FAC] =	sst s2  }
0xb: {  	[smem:$0x3FAD] =	sst s3  }
0xc: {  	[smem:$0x3FAE] =	sst s4  }
0xd: {  	[smem:$0x3FAF] =	sst s5  }
0xe: {  	[smem:$0x3FB0] =	sst s6  }
0xf: {  	[smem:$0x3FB1] =	sst s7  }
0x10: {  	[smem:$0x3FB2] =	sst s8  }
0x11: {  	[smem:$0x3FB3] =	sst s9;
	s0 =	simm.s32 @!p0 $0x0  }
0x12: {  	s1 =	sld [smem:$0x3F99];
	s0 =	simm.s32 @p0 $0x1  }
0x13: {  	[smem:$0x3FB4] =	sst s0;
	s0 =	simm.s32 @!p1 $0x0  }
0x14: {  	s2 =	sld [smem:$0x3F98];
	s0 =	simm.s32 @p1 $0x1  }
0x15: {  	[smem:$0x3FB5] =	sst s0;
	s0 =	simm.s32 @!p2 $0x0  }
0x16: {  	s3 =	sld [smem:$0x3FDB];
	s0 =	simm.s32 @p2 $0x1  }
0x17: {  	s4 =	simm.s32 $0x1BF5;
	[smem:$0x3FB7] =	sst s0  }
0x18: {  	s0 =	sld [smem:$0x3F9A];
	_ =	swait.ge [sflag:s4], $0x0  }
0x19: {  	s7 =	sld [smem:$0x3F9B]  }
0x1a: {  	s8 =	sadd.s32 $0xFFFFE003, lr  }
0x1b: {  	s9 =	sadd.s32 $0xFFFFFEF7, lr;
	s5 =	simm.s32 $0xFFFFFFFF;
	p2 =	slt.u32 s8, $0xFFFFF086  }
0x1c: {  	p1 =	slt.u32 s9, $0xF7A;
	s5 =	simm.s32 @!p2 $0x0  }
0x1d: {  	s5 =	simm.s32 @p1 $0x1;
	p0 =	seq.s32 s7, s2  }
0x1e: {  	s7 =	smul.u32 @!p0 $0xF7A, s2;
	p2 =	seq.s32 @!p0 s5, $0x0  }
0x1f: {  	s9 =	smul.u32 $0xF7A, s1;
	s8 =	simm.s32 @!p0 $0x1BF5;
	p2 =	por !p2, p0  }
0x20: {  	[sflag:s8] =	ssyncset.s32 @!p0 $0xFFFFF086;
	s6 =	sadd.s32 @!p0 s3, s7;
	s7 =	simm.s32 @!p0 $0x108  }
0x21: {  	s3 =	sadd.s32 s3, s9;
	s6 =	sadd.s32 @!p0 $0x88, s6;
	s7 =	simm.s32 @p2 $0x1082  }
0x22: {  	[simem:s7], [sflag:s8] =	dma.local @!p0 [hbm:s6], $0xF7A  }
0x23: {  	s9 =	sor.u32 $0xD0000000, s2;
	s6 =	simm.s32 $0x108;
	_ =	swait.ge @!p0 [sflag:s8], $0x0  }
0x24: {  	s3 =	sadd.s32 $0x88, s3;
	s6 =	simm.s32 @!p1 $0x1082;
	[sflag:s4] =	ssyncset.s32 $0xFFFFF086  }
0x25: {  	[simem:s6], [sflag:s4] =	dma.local [hbm:s3], $0xF7A  }
0x26: {  	[smem:$0x3F9B] =	sst s1;
	(tag) =	ssettag s2;
	_ =	strace s9  }
0x27: {  	s1 =	sld [smem:$0x3FAB]  }
0x28: {  	s2 =	sld [smem:$0x3FAC]  }
0x29: {  	s4 =	sld [smem:$0x3FAE]  }
0x2a: {  	p0 =	seq.s32 s5, $0x0;
	s5 =	sld [smem:$0x3FAF]  }
0x2b: {  	s6 =	sld [smem:$0x3FB0]  }
0x2c: {  	s7 =	sld [smem:$0x3FB1]  }
0x2d: {  	s3 =	simm.s32 $0x108;
	s8 =	sld [smem:$0x3FB2]  }
0x2e: {  	s3 =	simm.s32 @!p0 $0x1082;
	s9 =	sld [smem:$0x3FB3]  }
0x2f: {  	lr =	sadd.s32 s0, s3;
	s0 =	sld [smem:$0x3FAA]  }
0x30: {  	s3 =	sld [smem:$0x3FAD]  }
0x31: {  	[smem:$0x3FB6] =	sst s10  }
0x32: {  	s10 =	sld [smem:$0x3FB4];
	_ =	sdelay $0x3  }
0x33: {  	p0 =	seq.s32 s10, $0x1;
	s10 =	sld [smem:$0x3FB6];
	_ =	sdelay $0x3  }
0x34: {  	[smem:$0x3FB6] =	sst s10  }
0x35: {  	s10 =	sld [smem:$0x3FB5];
	_ =	sdelay $0x3  }
0x36: {  	p1 =	seq.s32 s10, $0x1;
	s10 =	sld [smem:$0x3FB6];
	_ =	sdelay $0x3  }
0x37: {  	[smem:$0x3FB6] =	sst s10  }
0x38: {  	s10 =	sld [smem:$0x3FB7]  }
0x39: {  	_ = 	snop;
	(pc) =	sbr.ind lr, $3  }
0x3a: {  	_ = 	snop  }
0x3b: {  	_ = 	snop  }
0x3c: {  	p2 =	seq.s32 s10, $0x1;
	s10 =	sld [smem:$0x3FB6]  }
0x3d: {  	_ =	shalt  }
0x3e: {  	_ =	shalt  }
0x3f: {  	_ =	shalt  }
0x40: {  	_ =	shalt  }
0x41: {  	_ =	shalt  }
0x42: {  	_ =	shalt  }
0x43: {  	_ =	shalt  }
0x44: {  	_ =	shalt  }
0x45: {  	_ =	shalt  }
0x46: {  	_ =	shalt  }
0x47: {  	_ =	shalt  }
0x48: {  	_ =	shalt  }
0x49: {  	_ =	shalt  }
0x4a: {  	_ =	shalt  }
0x4b: {  	_ =	shalt  }
0x4c: {  	_ =	shalt  }
0x4d: {  	_ =	shalt  }
0x4e: {  	_ =	shalt  }
0x4f: {  	_ =	shalt  }
0x50: {  	_ =	shalt  }
0x51: {  	_ =	shalt  }
0x52: {  	_ =	shalt  }
0x53: {  	_ =	shalt  }
0x54: {  	_ =	shalt  }
0x55: {  	_ =	shalt  }
0x56: {  	_ =	shalt  }
0x57: {  	_ =	shalt  }
0x58: {  	_ =	shalt  }
0x59: {  	_ =	shalt  }
0x5a: {  	_ =	shalt  }
0x5b: {  	_ =	shalt  }
0x5c: {  	_ =	shalt  }
0x5d: {  	_ =	shalt  }
0x5e: {  	_ =	shalt  }
0x5f: {  	_ =	shalt  }
0x60: {  	_ =	shalt  }
0x61: {  	_ =	shalt  }
0x62: {  	_ =	shalt  }
0x63: {  	_ =	shalt  }
0x64: {  	_ =	shalt  }
0x65: {  	_ =	shalt  }
0x66: {  	_ =	shalt  }
0x67: {  	_ =	shalt  }
0x68: {  	_ =	shalt  }
0x69: {  	_ =	shalt  }
0x6a: {  	_ =	shalt  }
0x6b: {  	_ =	shalt  }
0x6c: {  	_ =	shalt  }
0x6d: {  	_ =	shalt  }
0x6e: {  	_ =	shalt  }
0x6f: {  	_ =	shalt  }
0x70: {  	_ =	shalt  }
0x71: {  	_ =	shalt  }
0x72: {  	_ =	shalt  }
0x73: {  	_ =	shalt  }
0x74: {  	_ =	shalt  }
0x75: {  	_ =	shalt  }
0x76: {  	_ =	shalt  }
0x77: {  	_ =	shalt  }
0x78: {  	_ =	shalt  }
0x79: {  	_ =	shalt  }
0x7a: {  	_ =	shalt  }
0x7b: {  	_ =	shalt  }
0x7c: {  	_ =	shalt  }
0x7d: {  	_ =	shalt  }
0x7e: {  	_ =	shalt  }
0x7f: {  	_ =	shalt  }
0x80: {  	_ =	shalt  }
0x81: {  	_ =	shalt  }
0x82: {  	_ =	shalt  }
0x83: {  	_ =	shalt  }
0x84: {  	_ =	shalt  }
0x85: {  	_ =	shalt  }
0x86: {  	_ =	shalt  }
0x87: {  	_ =	shalt  }
.Lfunc_end0:
.L_simem_size_0:
called_computation.1_lowered:
.L_overlay_start_0:
0x88: {  	s2 =	sld [smem:$0x3FD9]  }
0x89: {  	s3 =	sld [smem:$0x3FFE];
	_ =	sdelay $0x1  }
0x8a: {  	s1 =	srdreg.scid  }
0x8b: {  	s0 =	sand.u32 $0x1, s1  }
0x8c: {  	s17 =	sshll.u32 s0, $0xA;
	s2 =	sadd.s32 s3, s2  }
0x8d: {  	s2 =	sadd.s32 s2, s17  }
0x8e: {  	[smem:$0x3FC2] =	sst s2  }
0x8f: {  	_ = 	snop  }
0x90: {  	s2 =	sld [smem:$0x3FD0];
	(tm) =	ssettm $0x1  }
0x91: {  	s18 =	sld [smem:$0x3FFB];
	_ =	sdelay $0x3  }
0x92: {  	_ =	strace s18  }
0x93: {  	s3 =	sld [smem:$0x3FFC];
	_ =	sdelay $0x3  }
0x94: {  	_ =	strace s3  }
0x95: {  	s3 =	sld [smem:$0x3FFD];
	_ =	sdelay $0x3  }
0x96: {  	_ =	strace s3  }
0x97: {  	_ =	strace $0x8FFFFFFF  }
0x98: {  	s19 =	sld [smem:$0x3FDB];
	_ =	sdelay $0x1  }
0x99: {  	s4 =	simm.s32 $_scs_section_size  }
0x9a: {  	s5 =	simm.s32 $_size__tile_overlayer_lowered;
	s6 =	simm.s32 $_tile_overlayer_lowered  }
0x9b: {  	s22 =	simm.s32 $0x1BFF;
	s21 =	sshll.u32 s6, $0x1;
	s3 =	sadd.s32 s4, s19  }
0x9c: {  	s7 =	simm.s32 $0x0;
	s20 =	sshll.u32 s5, $0x1;
	s5 =	sadd.s32 s21, s3  }
0x9d: {  	[timem:s7], [sflag:s22] =	dma.local [hbm:s5], s20  }
0x9e: {  	_ =	swait.ge [sflag:s22], s20  }
0x9f: {  	s4 =	ssub.s32 $0x0, s20;
	[sflag:s22] =	ssyncset.done $0x0  }
0xa0: {  	[sflag:s22] =	ssyncadd.s32 s4;
	_ =	sdelay $0x1  }
0xa1: {  	s23 =	simm.s32 $0x1B8B  }
0xa2: {  	_ =	swait.ge [sflag:s23], $0x1  }
0xa3: {  	[sflag:s23] =	ssyncset.done $0x0  }
0xa4: {  	s25 =	simm.s32 $0x1B8E;
	s24 =	sld [smem:$0x3FFE];
	[sflag:s23] =	ssyncadd.s32 $0xFFFFFFFF  }
0xa5: {  	s26 =	simm.s32 $execute0_lowered;
	[smem:$0x3FD2] =	sst s25  }
0xa6: {  	s5 =	sshll.u32 s26, $0x1;
	_ =	strace $0x80000049;
	[dreg:$0x1] =	wrdreg $0xFFFFFFFF  }
0xa7: {  	s28 =	simm.s32 $_size_execute0_lowered;
	s3 =	sadd.s32 s3, s5;
	[dreg:$0x0] =	wrdreg $0x0  }
0xa8: {  	s5 =	sshll.u32 s28, $0x1;
	[dreg:$0x2] =	wrdreg s3  }
0xa9: {  	[dreg:$0x3] =	wrdreg s5  }
0xaa: {  	[dreg:$0x4] =	wrdreg $0xC0  }
0xab: {  	_ =	task [dreg:s7], $0x5FFFF  }
0xac: {  	[dreg:$0x1] =	wrdreg $0xFFFFFFFF  }
0xad: {  	[dreg:$0x0] =	wrdreg $0x60  }
0xae: {  	[dreg:$0x2] =	wrdreg s24  }
0xaf: {  	[dreg:$0x3] =	wrdreg s2  }
0xb0: {  	[dreg:$0x4] =	wrdreg $0x140000  }
0xb1: {  	[dreg:$0x5] =	wrdreg $0x9  }
0xb2: {  	_ =	task.clear_ibuf [dreg:s7], $0x6FFFF;
	_ =	strace $0x90000049  }
0xb3: {  	s29 =	simm.s32 $0x9;
	_ =	strace $0x8000004B  }
0xb4: {  	_ =	swait.ge [sflag:s29], $0x1  }
0xb5: {  	[sflag:s29] =	ssyncadd.s32 $0xFFFFFFFF  }
0xb6: {  	_ =	strace $0x9000004B  }
0xb7: {  	_ =	sfence  }
0xb8: {  	s30 =	sld [smem:$0x0];
	_ =	sdelay $0x2  }
0xb9: {  	s31 =	sshll.u32 s1, $0xD;
	s1 =	sshrl.u32 s1, $0x2  }
0xba: {  	s3 =	sand.u32 $0x4000, s31;
	s1 =	sadd.s32 s1, s30  }
0xbb: {  	s0 =	sor.u32 s3, s0;
	s1 =	sshll.u32 s1, $0x11  }
0xbc: {  	s0 =	sor.u32 s1, s0  }
0xbd: {  	s0 =	sadd.s32 $0x8F2B, s0  }
0xbe: {  	[sflag:s0] =	ssyncadd.remote.s32 $0x1  }
0xbf: {  	_ =	sfence.sel $0xFFFF  }
0xc0: {  	[dreg:$0x0] =	wrdreg $0xFFFFFFFF;
	(pc) =	sbr.abs _section_cstart, $3  }
0xc1: {  	[dreg:$0x1] =	wrdreg $0xFFFFFFFF  }
0xc2: {  	_ =	task.clear_ibuf [dreg:s7], $0x2FFFF;
	_ =	strace $0x9FFFFFFF  }
0xc3: {  	(tm) =	ssettm $0x7FFFFFFF  }
tec
execute0_lowered:
.L_overlay_start_1:
0x0: {  	(tag) =	ssettag $0x1  }
0x1: {  	s0 =	rddreg [dreg:$0x0]  }
0x2: {  	s3 =	rddreg [dreg:$0x2];
	s4 =	simm.s32 $0x0;
	s6 =	stileid.u32  }
0x3: {  	s2 =	srdreg.scid;
	s28 =	simm.s32 $0xE000;
	s30 =	simm.s32 $0x10000  }
0x4: {  	s31 =	simm.s32 $0x2;
	s29 =	simm.s32 $0x0;
	s1 =	smul.u32 $0xA00, s6  }
0x5: {  	[smem:$0x7FF] =	sst s4;
	s5 =	sadd.s32 $0x16400, s0;
	s14 =	smul.u32 $0x280, s6  }
0x6: {  	s2 =	sand.u32 $0x1, s2;
	s7 =	sadd.s32 $0x15C00, s0;
	s8 =	smul.u32 $0x28000, s6  }
0x7: {  	s20 =	sadd.s32 $0x3D600, s0;
	s16 =	sadd.s32 $0xB200, s0;
	p0 =	seq.s32 s6, $0xF  }
0x8: {  	_ =	strace $0x8000004A;
	[dreg:$0x4] =	wrdreg s7;
	s10 =	ssub.s32 $0x2, s2  }
0x9: {  	s23 =	smul.u32 $0x2800, s2;
	[dreg:$0x7] =	wrdreg s16;
	s1 =	sadd.s32 s1, s0  }
0xa: {  	s9 =	sshrl.u32 s10, $0x1;
	s15 =	sadd.s32 $0x80, s14;
	s11 =	sshrl.u32 s8, $0x2  }
0xb: {  	s18 =	sadd.s32 $0x100, s14;
	s19 =	sadd.s32 $0x180, s14;
	s22 =	sadd.s32 $0x200, s14  }
0xc: {  	s0 =	sadd.s32 $0x15000, s0;
	s21 =	ssub.s32 s10, s9;
	s12 =	sshll.u32 s15, $0x6  }
0xd: {  	s7 =	sadd.s32 s11, s3;
	s13 =	sshll.u32 s18, $0x6;
	s10 =	sshll.u32 s19, $0x6  }
0xe: {  	s11 =	sshll.u32 s22, $0x6;
	s14 =	sadd.s32 s14, s23;
	s17 =	sadd.s32 s23, s15  }
0xf: {  	[dreg:$0x8] =	wrdreg s0;
	s24 =	sadd.s32 s23, s18;
	s25 =	sadd.s32 s23, s19  }
0x10: {  	s22 =	sadd.s32 s23, s22;
	s23 =	simm.s32 $0x3;
	s8 =	sadd.s32 s12, s3  }
0x11: {  	s9 =	sadd.s32 s13, s3;
	s10 =	sadd.s32 s10, s3;
	s11 =	sadd.s32 s11, s3  }
0x12: {  	s12 =	sadd.s32 $0x1C00, s1;
	s1 =	sadd.s32 $0xBA00, s1;
	s17 =	sshll.u32 s17, $0x3  }
0x13: {  	s0 =	sshll.u32 s24, $0x3;
	s26 =	sshll.u32 s22, $0x3;
	s21 =	smax.u32 s21, $0x1  }
.Ltmp0:
0x14: {  	s22 =	simm.s32 $0xA000;
	[dreg:$0x5] =	wrdreg s12;
	(pc) =	sbr.rel .LBB2_1-.Ltmp0, $4  }
0x15: {  	s24 =	simm.s32 $0x80;
	[dreg:$0x6] =	wrdreg s1;
	s1 =	sshll.u32 s14, $0x3  }
0x16: {  	s17 =	sadd.s32 s20, s17;
	s18 =	sadd.s32 s20, s0;
	s0 =	simm.s32 $0x12000  }
0x17: {  	s16 =	sadd.s32 s20, s1;
	s1 =	sshll.u32 s25, $0x3;
	s25 =	simm.s32 $0xC000  }
0x18: {  	v1 =	vimm.f32 $0.0e+00;
	v0 =	vmov s2;
	s19 =	sadd.s32 s20, s1;
	s20 =	sadd.s32 s20, s26;
	s1 =	simm.s32 $0x1  }
.LBB2_8:
0x19: {  	_ =	swait.ge [sflag:s31], $0x2000  }
0x1a: {  	[sflag:s31] =	ssyncset.done $0x0  }
0x1b: {  	[sflag:s31] =	ssyncadd.s32 $0xFFFFE000  }
0x1c: {  	_ =	swait.ge [sflag:s31], $0x2000  }
0x1d: {  	[sflag:s31] =	ssyncset.done $0x0  }
0x1e: {  	[sflag:s31] =	ssyncadd.s32 $0xFFFFE000  }
0x1f: {  	_ =	swait.ge [sflag:s31], $0x2000  }
0x20: {  	[sflag:s31] =	ssyncset.done $0x0  }
0x21: {  	[sflag:s31] =	ssyncadd.s32 $0xFFFFE000  }
0x22: {  	_ =	swait.ge [sflag:s31], $0x2000  }
0x23: {  	[sflag:s31] =	ssyncset.done $0x0  }
0x24: {  	[sflag:s31] =	ssyncadd.s32 $0xFFFFE000  }
0x25: {  	[bflag:$0x0] =	sbarrier.arrive $0xFFFF  }
0x26: {  	[tilespmem:s22], [sflag:$0x3] =	stream.linear.gather [spmem:s7], $0x2000, $0x38;
	[tilespmem:$0x1E000] =	vst v63  }
0x27: {  	_ =	swait.ge [sflag:s23], $0x2000  }
0x28: {  	[sflag:s23] =	ssyncset.done $0x0  }
0x29: {  	[sflag:s23] =	ssyncadd.s32 $0xFFFFE000  }
0x2a: {  	[hbm4b:s16+s4] =	stream.linear.scatter [tilespmem:s22], [sflag:$0x3], $0x2000, $0x38;
	[tilespmem:$0x1E000] =	vst v63  }
0x2b: {  	_ =	swait.ge [sflag:s23], $0x2000  }
0x2c: {  	[sflag:s23] =	ssyncset.done $0x0  }
0x2d: {  	[sflag:s23] =	ssyncadd.s32 $0xFFFFE000  }
0x2e: {  	[tilespmem:s22], [sflag:$0x3] =	stream.linear.gather [spmem:s8], $0x2000, $0x38;
	[tilespmem:$0x1E000] =	vst v63  }
0x2f: {  	_ =	swait.ge [sflag:s23], $0x2000  }
0x30: {  	[sflag:s23] =	ssyncset.done $0x0  }
0x31: {  	[sflag:s23] =	ssyncadd.s32 $0xFFFFE000  }
0x32: {  	[hbm4b:s17+s4] =	stream.linear.scatter [tilespmem:s22], [sflag:$0x3], $0x2000, $0x38;
	[tilespmem:$0x1E000] =	vst v63  }
0x33: {  	_ =	swait.ge [sflag:s23], $0x2000  }
0x34: {  	[sflag:s23] =	ssyncset.done $0x0  }
0x35: {  	[sflag:s23] =	ssyncadd.s32 $0xFFFFE000  }
0x36: {  	[tilespmem:s22], [sflag:$0x3] =	stream.linear.gather [spmem:s9], $0x2000, $0x38;
	[tilespmem:$0x1E000] =	vst v63  }
0x37: {  	_ =	swait.ge [sflag:s23], $0x2000  }
0x38: {  	[sflag:s23] =	ssyncset.done $0x0  }
0x39: {  	[sflag:s23] =	ssyncadd.s32 $0xFFFFE000  }
0x3a: {  	[hbm4b:s18+s4] =	stream.linear.scatter [tilespmem:s22], [sflag:$0x3], $0x2000, $0x38;
	[tilespmem:$0x1E000] =	vst v63  }
0x3b: {  	_ =	swait.ge [sflag:s23], $0x2000  }
0x3c: {  	[sflag:s23] =	ssyncset.done $0x0  }
0x3d: {  	[sflag:s23] =	ssyncadd.s32 $0xFFFFE000  }
0x3e: {  	[tilespmem:s22], [sflag:$0x3] =	stream.linear.gather [spmem:s10], $0x2000, $0x38;
	[tilespmem:$0x1E000] =	vst v63  }
0x3f: {  	_ =	swait.ge [sflag:s23], $0x2000  }
0x40: {  	[sflag:s23] =	ssyncset.done $0x0  }
0x41: {  	[sflag:s23] =	ssyncadd.s32 $0xFFFFE000  }
0x42: {  	[hbm4b:s19+s4] =	stream.linear.scatter [tilespmem:s22], [sflag:$0x3], $0x2000, $0x38;
	[tilespmem:$0x1E000] =	vst v63  }
0x43: {  	_ =	swait.ge [sflag:s23], $0x2000  }
0x44: {  	[sflag:s23] =	ssyncset.done $0x0  }
0x45: {  	[sflag:s23] =	ssyncadd.s32 $0xFFFFE000  }
0x46: {  	[tilespmem:s22], [sflag:$0x3] =	stream.linear.gather [spmem:s11], $0x2000, $0x38;
	[tilespmem:$0x1E000] =	vst v63  }
0x47: {  	s29 =	sadd.s32 $0x1, s29;
	_ =	swait.ge [sflag:s23], $0x2000  }
0x48: {  	p1 =	sne.s32 s29, s21;
	[sflag:s23] =	ssyncset.done $0x0  }
.Ltmp1:
0x49: {  	[sflag:s23] =	ssyncadd.s32 $0xFFFFE000;
	(pc) =	sbr.rel @!p1 .LBB2_9-.Ltmp1, $4  }
0x4a: {  	[hbm4b:s20+s4] =	stream.linear.scatter [tilespmem:s22], [sflag:$0x3], $0x2000, $0x38;
	[tilespmem:$0x1E000] =	vst v63  }
0x4b: {  	_ =	swait.ge [sflag:s23], $0x2000  }
0x4c: {  	[sflag:s23] =	ssyncset.done $0x0  }
0x4d: {  	[sflag:s23] =	ssyncadd.s32 $0xFFFFE000  }
.LBB2_1:
0x4e: {  	s26 =	simm.s32 $0x100;
	s2 =	simm.s32 $0x0  }
.LBB2_2:
0x4f: {  	p1 =	sne.s32 s26, $0x7F00;
	[tilespmem:s2+$0xA030] =	vst v1;
	s6 =	smov.u32 s26;
	s26 =	sadd.s32 $0x100, s26  }
.Ltmp2:
0x50: {  	[tilespmem:s2+$0xA020] =	vst v1;
	(pc) =	sbr.rel @p1 .LBB2_2-.Ltmp2, $3  }
0x51: {  	[tilespmem:s2+$0xA000] =	vst v1  }
0x52: {  	[tilespmem:s2+$0xA010] =	vst v1;
	_ =	sdelay $0x1  }
0x53: {  	s2 =	sshra.s32 s6, $0x2  }
0x54: {  	[tilespmem:s2+$0xA030] =	vst v1  }
0x55: {  	[tilespmem:s2+$0xA020] =	vst v1  }
0x56: {  	[tilespmem:s2+$0xA000] =	vst v1  }
0x57: {  	[tilespmem:s2+$0xA010] =	vst v1  }
0x58: {  	[spmem:s7] =	stream.linear.scatter [tilespmem:s22], [sflag:$0x3], $0x2000, $0x38;
	[tilespmem:$0x1E000] =	vst v63  }
0x59: {  	_ =	swait.ge [sflag:s23], $0x2000  }
0x5a: {  	[sflag:s23] =	ssyncset.done $0x0  }
0x5b: {  	[sflag:s23] =	ssyncadd.s32 $0xFFFFE000  }
0x5c: {  	[spmem:s8] =	stream.linear.scatter [tilespmem:s22], [sflag:$0x3], $0x2000, $0x38;
	[tilespmem:$0x1E000] =	vst v63  }
0x5d: {  	_ =	swait.ge [sflag:s23], $0x2000  }
0x5e: {  	[sflag:s23] =	ssyncset.done $0x0  }
0x5f: {  	[sflag:s23] =	ssyncadd.s32 $0xFFFFE000  }
0x60: {  	[spmem:s9] =	stream.linear.scatter [tilespmem:s22], [sflag:$0x3], $0x2000, $0x38;
	[tilespmem:$0x1E000] =	vst v63  }
0x61: {  	_ =	swait.ge [sflag:s23], $0x2000  }
0x62: {  	[sflag:s23] =	ssyncset.done $0x0  }
0x63: {  	[sflag:s23] =	ssyncadd.s32 $0xFFFFE000  }
0x64: {  	[spmem:s10] =	stream.linear.scatter [tilespmem:s22], [sflag:$0x3], $0x2000, $0x38;
	[tilespmem:$0x1E000] =	vst v63  }
0x65: {  	_ =	swait.ge [sflag:s23], $0x2000  }
0x66: {  	[sflag:s23] =	ssyncset.done $0x0  }
0x67: {  	[sflag:s23] =	ssyncadd.s32 $0xFFFFE000  }
0x68: {  	[spmem:s11] =	stream.linear.scatter [tilespmem:s22], [sflag:$0x3], $0x2000, $0x38;
	[tilespmem:$0x1E000] =	vst v63  }
0x69: {  	_ =	swait.ge [sflag:s23], $0x2000  }
0x6a: {  	[sflag:s23] =	ssyncset.done $0x0  }
0x6b: {  	s2 =	simm.s32 @p0 $0x0;
	s6 =	rddreg [dreg:$0x7];
	[sflag:s23] =	ssyncadd.s32 $0xFFFFE000  }
0x6c: {  	[tilespmem:s2], [sflag:$0x3] =	stream.linear.gather @p0 [hbm4b:s6+s2], $0x3200, $0x38;
	[tilespmem:$0x1E000] =	vst v63  }
0x6d: {  	s6 =	simm.s32 @p0 $0x3  }
0x6e: {  	_ =	swait.ge @p0 [sflag:s6], $0x3200  }
0x6f: {  	[sflag:s6] =	ssyncset.done @p0 $0x0  }
0x70: {  	[sflag:s6] =	ssyncadd.s32 @p0 $0xFFFFCE00  }
0x71: {  	s26 =	simm.s32 @p0 $0x3200;
	s12 =	rddreg [dreg:$0x1]  }
0x72: {  	[tilespmem:s26], [sflag:$0x3] =	stream.linear.gather @p0 [hbm4b:s12+s2], $0x1E00, $0x38;
	[tilespmem:$0x1E000] =	vst v63  }
0x73: {  	_ =	swait.ge @p0 [sflag:s6], $0x1E00  }
0x74: {  	[sflag:s6] =	ssyncset.done @p0 $0x0  }
0x75: {  	s26 =	simm.s32 @p0 $0x5000;
	s12 =	rddreg [dreg:$0x8];
	[sflag:s6] =	ssyncadd.s32 @p0 $0xFFFFE200  }
0x76: {  	[tilespmem:s26], [sflag:$0x3] =	stream.linear.gather @p0 [hbm4b:s12+s2], $0x3200, $0x38;
	[tilespmem:$0x1E000] =	vst v63  }
0x77: {  	_ =	swait.ge @p0 [sflag:s6], $0x3200  }
0x78: {  	[sflag:s6] =	ssyncset.done @p0 $0x0  }
0x79: {  	s26 =	simm.s32 @p0 $0x8200;
	s12 =	rddreg [dreg:$0x4];
	[sflag:s6] =	ssyncadd.s32 @p0 $0xFFFFCE00  }
0x7a: {  	[tilespmem:s26], [sflag:$0x3] =	stream.linear.gather @p0 [hbm4b:s12+s2], $0x1E00, $0x38;
	[tilespmem:$0x1E000] =	vst v63  }
0x7b: {  	_ =	swait.ge @p0 [sflag:s6], $0x1E00  }
0x7c: {  	[sflag:s6] =	ssyncset.done @p0 $0x0  }
0x7d: {  	s2 =	simm.s32 @!p0 $0x0;
	[sflag:s6] =	ssyncadd.s32 @p0 $0xFFFFE200;
	s6 =	rddreg [dreg:$0x5]  }
0x7e: {  	[tilespmem:s2], [sflag:$0x3] =	stream.linear.gather @!p0 [hbm4b:s6+s2], $0x5000, $0x38;
	[tilespmem:$0x1E000] =	vst v63  }
0x7f: {  	s6 =	simm.s32 @!p0 $0x3  }
0x80: {  	_ =	swait.ge @!p0 [sflag:s6], $0x5000  }
0x81: {  	[sflag:s6] =	ssyncset.done @!p0 $0x0  }
0x82: {  	s26 =	simm.s32 @!p0 $0x5000;
	s12 =	rddreg [dreg:$0x6];
	[sflag:s6] =	ssyncadd.s32 @!p0 $0xFFFFB000  }
0x83: {  	[tilespmem:s26], [sflag:$0x3] =	stream.linear.gather @!p0 [hbm4b:s12+s2], $0x5000, $0x38;
	[tilespmem:$0x1E000] =	vst v63  }
0x84: {  	_ =	swait.ge @!p0 [sflag:s6], $0x5000  }
0x85: {  	[sflag:s6] =	ssyncset.done @!p0 $0x0  }
0x86: {  	s2 =	simm.s32 $0x0;
	[sflag:s6] =	ssyncadd.s32 @!p0 $0xFFFFB000  }
0x87: {  	v3 =	vld [tilespmem:s2+$0x0]  }
0x88: {  	v4 =	vld [tilespmem:s2+$0x10]  }
0x89: {  	v6 =	vld [tilespmem:s2+$0x20]  }
0x8a: {  	v5 =	vld [tilespmem:s2+$0x30]  }
0x8b: {  	v2 =	vld [tilespmem:s2+$0x40]  }
0x8c: {  	v7 =	vshll.u32 v3, $0x1;
	v3 =	vld [tilespmem:s2+$0x50]  }
0x8d: {  	s26 =	simm.s32 $0x200;
	v8 =	vshll.u32 v4, $0x1;
	v4 =	vld [tilespmem:s2+$0x60];
	v7 =	vor.u32 v0, v7  }
.LBB2_4:
0x8e: {  	s6 =	sshra.s32 s26, $0x2;
	p1 =	sne.s32 s26, $0x13E00;
	[tilespmem:s2+$0x0] =	vst v7;
	v7 =	vor.u32 v0, v8;
	v6 =	vshll.u32 v6, $0x1;
	v8 =	vld [tilespmem:s2+$0x70]  }
0x8f: {  	v9 =	vld [tilespmem:s6+$0x0];
	[tilespmem:s2+$0x10] =	vst v7;
	v6 =	vor.u32 v0, v6;
	v5 =	vshll.u32 v5, $0x1  }
0x90: {  	v10 =	vld [tilespmem:s6+$0x10];
	[tilespmem:s2+$0x20] =	vst v6;
	v5 =	vor.u32 v0, v5;
	v2 =	vshll.u32 v2, $0x1  }
.Ltmp3:
0x91: {  	v6 =	vld [tilespmem:s6+$0x20];
	[tilespmem:s2+$0x30] =	vst v5;
	v2 =	vor.u32 v0, v2;
	v3 =	vshll.u32 v3, $0x1;
	(pc) =	sbr.rel @p1 .LBB2_4-.Ltmp3, $4  }
0x92: {  	v5 =	vld [tilespmem:s6+$0x30];
	[tilespmem:s2+$0x40] =	vst v2;
	v3 =	vor.u32 v0, v3;
	v4 =	vshll.u32 v4, $0x1  }
0x93: {  	v2 =	vld [tilespmem:s6+$0x40];
	[tilespmem:s2+$0x50] =	vst v3;
	v4 =	vor.u32 v0, v4;
	v7 =	vshll.u32 v8, $0x1  }
0x94: {  	v8 =	vshll.u32 v9, $0x1;
	v3 =	vld [tilespmem:s6+$0x50];
	[tilespmem:s2+$0x60] =	vst v4;
	v9 =	vor.u32 v0, v7  }
0x95: {  	s26 =	sadd.s32 $0x200, s26;
	v7 =	vor.u32 v0, v8;
	v8 =	vshll.u32 v10, $0x1;
	v4 =	vld [tilespmem:s6+$0x60];
	[tilespmem:s2+$0x70] =	vst v9;
	s2 =	smov.u32 s6  }
0x96: {  	[tilespmem:s2+$0x0] =	vst v7;
	v62 =	vor.u32 v0, v8;
	v6 =	vshll.u32 v6, $0x1;
	v63 =	vld [tilespmem:s2+$0x70]  }
0x97: {  	[tilespmem:s2+$0x10] =	vst v62;
	v6 =	vor.u32 v0, v6;
	v5 =	vshll.u32 v5, $0x1  }
0x98: {  	[tilespmem:s2+$0x20] =	vst v6;
	v5 =	vor.u32 v0, v5;
	v2 =	vshll.u32 v2, $0x1  }
0x99: {  	[tilespmem:s2+$0x30] =	vst v5;
	v2 =	vor.u32 v0, v2;
	v3 =	vshll.u32 v3, $0x1  }
0x9a: {  	[tilespmem:s2+$0x40] =	vst v2;
	v2 =	vor.u32 v0, v3;
	v3 =	vshll.u32 v4, $0x1  }
0x9b: {  	[tilespmem:s2+$0x50] =	vst v2;
	v2 =	vor.u32 v0, v3;
	v3 =	vshll.u32 v63, $0x1  }
0x9c: {  	[tilespmem:s2+$0x60] =	vst v2;
	v2 =	vor.u32 v0, v3  }
0x9d: {  	[tilespmem:s2+$0x70] =	vst v2  }
0x9e: {  	s2 =	simm.s32 $0x0;
	[bflag:$0x0] =	sbarrier.arrive $0xFFFF  }
0x9f: {  	[tilespmem:s22], [sflag:$0x1] =	stream.indirect.gather [hbm4b:s5+s24], $0x40, s2, s24, $0xb8;
	[tilespmem:$0x1E000] =	vst v63  }
0xa0: {  	_ = 	snop  }
0xa1: {  	[tilespmem:s25], [sflag:$0x1] =	stream.indirect.gather [hbm4b:s5+s24], $0x40, s24, s24, $0xb8;
	[tilespmem:$0x1E000] =	vst v63  }
0xa2: {  	s6 =	simm.s32 $0x100  }
0xa3: {  	[tilespmem:s28], [sflag:$0x1] =	stream.indirect.gather [hbm4b:s5+s24], $0x40, s6, s24, $0xb8;
	[tilespmem:$0x1E000] =	vst v63  }
0xa4: {  	s12 =	simm.s32 $0x180  }
0xa5: {  	[tilespmem:s30], [sflag:$0x1] =	stream.indirect.gather [hbm4b:s5+s24], $0x40, s12, s24, $0xb8;
	[tilespmem:$0x1E000] =	vst v63  }
0xa6: {  	s13 =	simm.s32 $0x200  }
0xa7: {  	[tilespmem:s0], [sflag:$0x1] =	stream.indirect.gather [hbm4b:s5+s24], $0x40, s13, s24, $0xb8;
	[tilespmem:$0x1E000] =	vst v63  }
0xa8: {  	_ =	swait.ge [sflag:s1], $0x2000  }
0xa9: {  	[sflag:s1] =	ssyncset.done $0x0  }
0xaa: {  	s14 =	simm.s32 $0x5000;
	[sflag:s1] =	ssyncadd.s32 $0xFFFFE000  }
0xab: {  	[spmem:s3] =	stream.indirect.scatter.add.f32 [tilespmem:s22], [sflag:$0x2], $0x40, s14, s24, $0xb8;
	[tilespmem:$0x1E000] =	vst v63  }
0xac: {  	_ =	swait.ge [sflag:s1], $0x2000  }
0xad: {  	[sflag:s1] =	ssyncset.done $0x0  }
0xae: {  	s15 =	simm.s32 $0x5080;
	[sflag:s1] =	ssyncadd.s32 $0xFFFFE000  }
0xaf: {  	[spmem:s3] =	stream.indirect.scatter.add.f32 [tilespmem:s25], [sflag:$0x2], $0x40, s15, s24, $0xb8;
	[tilespmem:$0x1E000] =	vst v63  }
0xb0: {  	_ =	swait.ge [sflag:s1], $0x2000  }
0xb1: {  	[sflag:s1] =	ssyncset.done $0x0  }
0xb2: {  	s26 =	simm.s32 $0x5100;
	[sflag:s1] =	ssyncadd.s32 $0xFFFFE000  }
0xb3: {  	[spmem:s3] =	stream.indirect.scatter.add.f32 [tilespmem:s28], [sflag:$0x2], $0x40, s26, s24, $0xb8;
	[tilespmem:$0x1E000] =	vst v63  }
0xb4: {  	_ =	swait.ge [sflag:s31], $0x2000  }
0xb5: {  	[sflag:s31] =	ssyncset.done $0x0  }
0xb6: {  	s12 =	simm.s32 $0x280;
	[sflag:s31] =	ssyncadd.s32 $0xFFFFE000  }
0xb7: {  	[tilespmem:s22], [sflag:$0x1] =	stream.indirect.gather [hbm4b:s5+s24], $0x40, s12, s24, $0xb8;
	[tilespmem:$0x1E000] =	vst v63  }
0xb8: {  	_ =	swait.ge [sflag:s1], $0x2000  }
0xb9: {  	[sflag:s1] =	ssyncset.done $0x0  }
0xba: {  	s13 =	simm.s32 $0x5180;
	[sflag:s1] =	ssyncadd.s32 $0xFFFFE000  }
0xbb: {  	[spmem:s3] =	stream.indirect.scatter.add.f32 [tilespmem:s30], [sflag:$0x2], $0x40, s13, s24, $0xb8;
	[tilespmem:$0x1E000] =	vst v63  }
0xbc: {  	_ =	swait.ge [sflag:s31], $0x2000  }
0xbd: {  	[sflag:s31] =	ssyncset.done $0x0  }
0xbe: {  	s14 =	simm.s32 $0x300;
	[sflag:s31] =	ssyncadd.s32 $0xFFFFE000  }
0xbf: {  	[tilespmem:s25], [sflag:$0x1] =	stream.indirect.gather [hbm4b:s5+s24], $0x40, s14, s24, $0xb8;
	[tilespmem:$0x1E000] =	vst v63  }
0xc0: {  	_ =	swait.ge [sflag:s1], $0x2000  }
0xc1: {  	[sflag:s1] =	ssyncset.done $0x0  }
0xc2: {  	s15 =	simm.s32 $0x5200;
	[sflag:s1] =	ssyncadd.s32 $0xFFFFE000  }
0xc3: {  	[spmem:s3] =	stream.indirect.scatter.add.f32 [tilespmem:s0], [sflag:$0x2], $0x40, s15, s24, $0xb8;
	[tilespmem:$0x1E000] =	vst v63  }
0xc4: {  	_ =	swait.ge [sflag:s31], $0x2000  }
0xc5: {  	[sflag:s31] =	ssyncset.done $0x0  }
0xc6: {  	s26 =	simm.s32 $0x380;
	[sflag:s31] =	ssyncadd.s32 $0xFFFFE000  }
0xc7: {  	[tilespmem:s28], [sflag:$0x1] =	stream.indirect.gather [hbm4b:s5+s24], $0x40, s26, s24, $0xb8;
	[tilespmem:$0x1E000] =	vst v63  }
.LBB2_6:
0xc8: {  	_ =	swait.ge [sflag:s1], $0x2000  }
0xc9: {  	s26 =	sshra.s32 s2, $0x2;
	[sflag:s1] =	ssyncset.done $0x0  }
0xca: {  	s6 =	sadd.s32 $0x5280, s26;
	[sflag:s1] =	ssyncadd.s32 $0xFFFFE000  }
0xcb: {  	[spmem:s3] =	stream.indirect.scatter.add.f32 [tilespmem:s22], [sflag:$0x2], $0x40, s6, s24, $0xb8;
	[tilespmem:$0x1E000] =	vst v63  }
0xcc: {  	_ =	swait.ge [sflag:s31], $0x2000  }
0xcd: {  	[sflag:s31] =	ssyncset.done $0x0  }
0xce: {  	s15 =	sadd.s32 $0x400, s26;
	[sflag:s31] =	ssyncadd.s32 $0xFFFFE000  }
0xcf: {  	[tilespmem:s30], [sflag:$0x1] =	stream.indirect.gather [hbm4b:s5+s24], $0x40, s15, s24, $0xb8;
	[tilespmem:$0x1E000] =	vst v63  }
0xd0: {  	_ =	swait.ge [sflag:s1], $0x2000  }
0xd1: {  	[sflag:s1] =	ssyncset.done $0x0  }
0xd2: {  	s12 =	sadd.s32 $0x5300, s26;
	[sflag:s1] =	ssyncadd.s32 $0xFFFFE000  }
0xd3: {  	[spmem:s3] =	stream.indirect.scatter.add.f32 [tilespmem:s25], [sflag:$0x2], $0x40, s12, s24, $0xb8;
	[tilespmem:$0x1E000] =	vst v63  }
0xd4: {  	_ =	swait.ge [sflag:s31], $0x2000  }
0xd5: {  	[sflag:s31] =	ssyncset.done $0x0  }
0xd6: {  	s13 =	sadd.s32 $0x480, s26;
	[sflag:s31] =	ssyncadd.s32 $0xFFFFE000  }
0xd7: {  	[tilespmem:s0], [sflag:$0x1] =	stream.indirect.gather [hbm4b:s5+s24], $0x40, s13, s24, $0xb8;
	[tilespmem:$0x1E000] =	vst v63  }
0xd8: {  	_ =	swait.ge [sflag:s1], $0x2000  }
0xd9: {  	p1 =	seq.s32 s2, $0x12C00;
	[sflag:s1] =	ssyncset.done $0x0  }
0xda: {  	s14 =	sadd.s32 $0x5380, s26;
	s6 =	simm.s32 @p1 $0x1;
	[sflag:s1] =	ssyncadd.s32 $0xFFFFE000  }
0xdb: {  	[spmem:s3] =	stream.indirect.scatter.add.f32 [tilespmem:s28], [sflag:$0x2], $0x40, s14, s24, $0xb8;
	[tilespmem:$0x1E000] =	vst v63  }
0xdc: {  	_ =	swait.ge @p1 [sflag:s6], $0x2000  }
0xdd: {  	s12 =	simm.s32 @p1 $0x9F00;
	[sflag:s6] =	ssyncset.done @p1 $0x0  }
0xde: {  	s13 =	simm.s32 @p1 $0x10000;
	[sflag:s6] =	ssyncadd.s32 @p1 $0xFFFFE000;
	s6 =	simm.s32 @p1 $0x80  }
0xdf: {  	[spmem:s3] =	stream.indirect.scatter.add.f32 @p1 [tilespmem:s13], [sflag:$0x2], $0x40, s12, s6, $0xb8;
	[tilespmem:$0x1E000] =	vst v63  }
0xe0: {  	s6 =	simm.s32 @!p1 $0x2  }
0xe1: {  	_ =	swait.ge @!p1 [sflag:s6], $0x2000  }
0xe2: {  	s15 =	simm.s32 @!p1 $0xA000;
	s12 =	sshra.s32 @!p1 s2, $0x2;
	[sflag:s6] =	ssyncset.done @!p1 $0x0  }
0xe3: {  	s14 =	simm.s32 @!p1 $0x80;
	s13 =	sadd.s32 @!p1 $0x500, s12;
	[sflag:s6] =	ssyncadd.s32 @!p1 $0xFFFFE000  }
0xe4: {  	[tilespmem:s15], [sflag:$0x1] =	stream.indirect.gather @!p1 [hbm4b:s5+s14], $0x40, s13, s14, $0xb8;
	[tilespmem:$0x1E000] =	vst v63  }
0xe5: {  	s13 =	simm.s32 @!p1 $0x1  }
0xe6: {  	_ =	swait.ge @!p1 [sflag:s13], $0x2000  }
0xe7: {  	[sflag:s13] =	ssyncset.done @!p1 $0x0  }
0xe8: {  	s15 =	simm.s32 @!p1 $0x10000;
	[sflag:s13] =	ssyncadd.s32 @!p1 $0xFFFFE000;
	s13 =	sadd.s32 @!p1 $0x5400, s12  }
0xe9: {  	[spmem:s3] =	stream.indirect.scatter.add.f32 @!p1 [tilespmem:s15], [sflag:$0x2], $0x40, s13, s14, $0xb8;
	[tilespmem:$0x1E000] =	vst v63  }
0xea: {  	_ =	swait.ge @!p1 [sflag:s6], $0x2000  }
0xeb: {  	[sflag:s6] =	ssyncset.done @!p1 $0x0  }
0xec: {  	[sflag:s6] =	ssyncadd.s32 @!p1 $0xFFFFE000;
	s6 =	sadd.s32 @!p1 $0x580, s12;
	s12 =	simm.s32 @!p1 $0xC000  }
0xed: {  	[tilespmem:s12], [sflag:$0x1] =	stream.indirect.gather @!p1 [hbm4b:s5+s14], $0x40, s6, s14, $0xb8;
	[tilespmem:$0x1E000] =	vst v63  }
0xee: {  	_ =	swait.ge [sflag:s1], $0x2000  }
0xef: {  	[sflag:s1] =	ssyncset.done $0x0  }
.Ltmp4:
0xf0: {  	s15 =	sadd.s32 $0x5480, s26;
	[sflag:s1] =	ssyncadd.s32 $0xFFFFE000;
	(pc) =	sbr.rel @p1 .LBB2_8-.Ltmp4, $4  }
0xf1: {  	[spmem:s3] =	stream.indirect.scatter.add.f32 [tilespmem:s0], [sflag:$0x2], $0x40, s15, s24, $0xb8;
	[tilespmem:$0x1E000] =	vst v63  }
0xf2: {  	_ =	swait.ge [sflag:s31], $0x2000  }
0xf3: {  	[sflag:s31] =	ssyncset.done $0x0  }
0xf4: {  	[sflag:s31] =	ssyncadd.s32 $0xFFFFE000  }
.Ltmp5:
0xf5: {  	(pc) =	sbr.rel .LBB2_6-.Ltmp5, $3  }
0xf6: {  	_ =	sdelay $0x1  }
0xf7: {  	s6 =	sadd.s32 $0x600, s26;
	s2 =	sadd.s32 $0xA00, s2  }
0xf8: {  	[tilespmem:s28], [sflag:$0x1] =	stream.indirect.gather [hbm4b:s5+s24], $0x40, s6, s24, $0xb8;
	[tilespmem:$0x1E000] =	vst v63  }
.LBB2_9:
0xf9: {  	_ =	sfence.sel $0x180000  }
0xfa: {  	[bflag:$0x0] =	sbarrier.arrive $0xFFFF  }
0xfb: {  	_ =	strace $0x9000004A  }
0xfc: {  	s0 =	stileid.u32;
	[bflag:$0x2] =	sbarrier.arrive $0xFFFF  }
0xfd: {  	p0 =	sne.s32 s0, $0x0;
	s0 =	rddreg [dreg:$0x3]  }
0xfe: {  	s0 =	sadd.s32 @!p0 $0x100000, s0  }
0xff: {  	[sflag:s0] =	ssyncadd.tile.s32 @!p0 $0x1;
	_ =	shalt  }
.Lfunc_end2:
_tile_overlayer_lowered:
.L_overlay_start_2:
0x100: {  	(tag) =	ssettag $0x2  }
0x101: {  	s0 =	rddreg [dreg:$0x0];
	s2 =	stileid.u32  }
0x102: {  	s1 =	rddreg [dreg:$0x1];
	p0 =	sne.s32 s2, $0x0  }
0x103: {  	s3 =	rddreg [dreg:$0x2];
	[bflag:$0x3] =	sbarrier.arrive $0xFFFF;
	s2 =	simm.s32 @!p0 $0x1C03  }
0x104: {  	[timem:s3], [sflag:s2] =	dma.local @!p0 [hbm:s0], s1  }
0x105: {  	s0 =	simm.s32 @!p0 $0x3  }
0x106: {  	_ =	swait.ge @!p0 [sflag:s0], s1  }
0x107: {  	s1 =	ssub.s32 @!p0 $0x0, s1;
	[sflag:s0] =	ssyncset.done @!p0 $0x0  }
0x108: {  	[sflag:s0] =	ssyncadd.s32 @!p0 s1  }
0x109: {  	[bflag:$0x3] =	sbarrier.arrive $0xFFFF  }
0x10a: {  	_ =	shalt  }

// kernel: kernel.14.cloned.1.call-start
scs
__scs_entry_jumppad:
0x0: {  	(pc) =	sbr.rel $0x88, $3  }
0x1: {  	(tag) =	ssettag $0x0;
	lr =	simm.s32 $0x1  }
0x2: {  	[smem:$0x3F9B] =	sst lr;
	_ =	strace $0xD0000000  }
0x3: {  	_ = 	snop  }
0x4: {  	_ = 	snop  }
0x5: {  	_ = 	snop  }
0x6: {  	_ = 	snop  }
0x7: {  	_ = 	snop  }
__scs_overlays_trampoline_lowered:
0x8: {  	[smem:$0x3FAA] =	sst s0  }
0x9: {  	[smem:$0x3FAB] =	sst s1  }
0xa: {  	[smem:$0x3FAC] =	sst s2  }
0xb: {  	[smem:$0x3FAD] =	sst s3  }
0xc: {  	[smem:$0x3FAE] =	sst s4  }
0xd: {  	[smem:$0x3FAF] =	sst s5  }
0xe: {  	[smem:$0x3FB0] =	sst s6  }
0xf: {  	[smem:$0x3FB1] =	sst s7  }
0x10: {  	[smem:$0x3FB2] =	sst s8  }
0x11: {  	[smem:$0x3FB3] =	sst s9;
	s0 =	simm.s32 @!p0 $0x0  }
0x12: {  	s1 =	sld [smem:$0x3F99];
	s0 =	simm.s32 @p0 $0x1  }
0x13: {  	[smem:$0x3FB4] =	sst s0;
	s0 =	simm.s32 @!p1 $0x0  }
0x14: {  	s2 =	sld [smem:$0x3F98];
	s0 =	simm.s32 @p1 $0x1  }
0x15: {  	[smem:$0x3FB5] =	sst s0;
	s0 =	simm.s32 @!p2 $0x0  }
0x16: {  	s3 =	sld [smem:$0x3FDB];
	s0 =	simm.s32 @p2 $0x1  }
0x17: {  	s4 =	simm.s32 $0x1BF5;
	[smem:$0x3FB7] =	sst s0  }
0x18: {  	s0 =	sld [smem:$0x3F9A];
	_ =	swait.ge [sflag:s4], $0x0  }
0x19: {  	s7 =	sld [smem:$0x3F9B]  }
0x1a: {  	s8 =	sadd.s32 $0xFFFFE003, lr  }
0x1b: {  	s9 =	sadd.s32 $0xFFFFFEF7, lr;
	s5 =	simm.s32 $0xFFFFFFFF;
	p2 =	slt.u32 s8, $0xFFFFF086  }
0x1c: {  	p1 =	slt.u32 s9, $0xF7A;
	s5 =	simm.s32 @!p2 $0x0  }
0x1d: {  	s5 =	simm.s32 @p1 $0x1;
	p0 =	seq.s32 s7, s2  }
0x1e: {  	s7 =	smul.u32 @!p0 $0xF7A, s2;
	p2 =	seq.s32 @!p0 s5, $0x0  }
0x1f: {  	s9 =	smul.u32 $0xF7A, s1;
	s8 =	simm.s32 @!p0 $0x1BF5;
	p2 =	por !p2, p0  }
0x20: {  	[sflag:s8] =	ssyncset.s32 @!p0 $0xFFFFF086;
	s6 =	sadd.s32 @!p0 s3, s7;
	s7 =	simm.s32 @!p0 $0x108  }
0x21: {  	s3 =	sadd.s32 s3, s9;
	s6 =	sadd.s32 @!p0 $0x88, s6;
	s7 =	simm.s32 @p2 $0x1082  }
0x22: {  	[simem:s7], [sflag:s8] =	dma.local @!p0 [hbm:s6], $0xF7A  }
0x23: {  	s9 =	sor.u32 $0xD0000000, s2;
	s6 =	simm.s32 $0x108;
	_ =	swait.ge @!p0 [sflag:s8], $0x0  }
0x24: {  	s3 =	sadd.s32 $0x88, s3;
	s6 =	simm.s32 @!p1 $0x1082;
	[sflag:s4] =	ssyncset.s32 $0xFFFFF086  }
0x25: {  	[simem:s6], [sflag:s4] =	dma.local [hbm:s3], $0xF7A  }
0x26: {  	[smem:$0x3F9B] =	sst s1;
	(tag) =	ssettag s2;
	_ =	strace s9  }
0x27: {  	s1 =	sld [smem:$0x3FAB]  }
0x28: {  	s2 =	sld [smem:$0x3FAC]  }
0x29: {  	s4 =	sld [smem:$0x3FAE]  }
0x2a: {  	p0 =	seq.s32 s5, $0x0;
	s5 =	sld [smem:$0x3FAF]  }
0x2b: {  	s6 =	sld [smem:$0x3FB0]  }
0x2c: {  	s7 =	sld [smem:$0x3FB1]  }
0x2d: {  	s3 =	simm.s32 $0x108;
	s8 =	sld [smem:$0x3FB2]  }
0x2e: {  	s3 =	simm.s32 @!p0 $0x1082;
	s9 =	sld [smem:$0x3FB3]  }
0x2f: {  	lr =	sadd.s32 s0, s3;
	s0 =	sld [smem:$0x3FAA]  }
0x30: {  	s3 =	sld [smem:$0x3FAD]  }
0x31: {  	[smem:$0x3FB6] =	sst s10  }
0x32: {  	s10 =	sld [smem:$0x3FB4];
	_ =	sdelay $0x3  }
0x33: {  	p0 =	seq.s32 s10, $0x1;
	s10 =	sld [smem:$0x3FB6];
	_ =	sdelay $0x3  }
0x34: {  	[smem:$0x3FB6] =	sst s10  }
0x35: {  	s10 =	sld [smem:$0x3FB5];
	_ =	sdelay $0x3  }
0x36: {  	p1 =	seq.s32 s10, $0x1;
	s10 =	sld [smem:$0x3FB6];
	_ =	sdelay $0x3  }
0x37: {  	[smem:$0x3FB6] =	sst s10  }
0x38: {  	s10 =	sld [smem:$0x3FB7]  }
0x39: {  	_ = 	snop;
	(pc) =	sbr.ind lr, $3  }
0x3a: {  	_ = 	snop  }
0x3b: {  	_ = 	snop  }
0x3c: {  	p2 =	seq.s32 s10, $0x1;
	s10 =	sld [smem:$0x3FB6]  }
0x3d: {  	_ =	shalt  }
0x3e: {  	_ =	shalt  }
0x3f: {  	_ =	shalt  }
0x40: {  	_ =	shalt  }
0x41: {  	_ =	shalt  }
0x42: {  	_ =	shalt  }
0x43: {  	_ =	shalt  }
0x44: {  	_ =	shalt  }
0x45: {  	_ =	shalt  }
0x46: {  	_ =	shalt  }
0x47: {  	_ =	shalt  }
0x48: {  	_ =	shalt  }
0x49: {  	_ =	shalt  }
0x4a: {  	_ =	shalt  }
0x4b: {  	_ =	shalt  }
0x4c: {  	_ =	shalt  }
0x4d: {  	_ =	shalt  }
0x4e: {  	_ =	shalt  }
0x4f: {  	_ =	shalt  }
0x50: {  	_ =	shalt  }
0x51: {  	_ =	shalt  }
0x52: {  	_ =	shalt  }
0x53: {  	_ =	shalt  }
0x54: {  	_ =	shalt  }
0x55: {  	_ =	shalt  }
0x56: {  	_ =	shalt  }
0x57: {  	_ =	shalt  }
0x58: {  	_ =	shalt  }
0x59: {  	_ =	shalt  }
0x5a: {  	_ =	shalt  }
0x5b: {  	_ =	shalt  }
0x5c: {  	_ =	shalt  }
0x5d: {  	_ =	shalt  }
0x5e: {  	_ =	shalt  }
0x5f: {  	_ =	shalt  }
0x60: {  	_ =	shalt  }
0x61: {  	_ =	shalt  }
0x62: {  	_ =	shalt  }
0x63: {  	_ =	shalt  }
0x64: {  	_ =	shalt  }
0x65: {  	_ =	shalt  }
0x66: {  	_ =	shalt  }
0x67: {  	_ =	shalt  }
0x68: {  	_ =	shalt  }
0x69: {  	_ =	shalt  }
0x6a: {  	_ =	shalt  }
0x6b: {  	_ =	shalt  }
0x6c: {  	_ =	shalt  }
0x6d: {  	_ =	shalt  }
0x6e: {  	_ =	shalt  }
0x6f: {  	_ =	shalt  }
0x70: {  	_ =	shalt  }
0x71: {  	_ =	shalt  }
0x72: {  	_ =	shalt  }
0x73: {  	_ =	shalt  }
0x74: {  	_ =	shalt  }
0x75: {  	_ =	shalt  }
0x76: {  	_ =	shalt  }
0x77: {  	_ =	shalt  }
0x78: {  	_ =	shalt  }
0x79: {  	_ =	shalt  }
0x7a: {  	_ =	shalt  }
0x7b: {  	_ =	shalt  }
0x7c: {  	_ =	shalt  }
0x7d: {  	_ =	shalt  }
0x7e: {  	_ =	shalt  }
0x7f: {  	_ =	shalt  }
0x80: {  	_ =	shalt  }
0x81: {  	_ =	shalt  }
0x82: {  	_ =	shalt  }
0x83: {  	_ =	shalt  }
0x84: {  	_ =	shalt  }
0x85: {  	_ =	shalt  }
0x86: {  	_ =	shalt  }
0x87: {  	_ =	shalt  }
.Lfunc_end0:
.L_simem_size_0:
called_computation.2_lowered:
.L_overlay_start_0:
0x88: {  	s2 =	sld [smem:$0x3FD9]  }
0x89: {  	s3 =	sld [smem:$0x3FFE];
	_ =	sdelay $0x1  }
0x8a: {  	s1 =	srdreg.scid  }
0x8b: {  	s0 =	sand.u32 $0x1, s1  }
0x8c: {  	s17 =	sshll.u32 s0, $0xA;
	s2 =	sadd.s32 s3, s2  }
0x8d: {  	s2 =	sadd.s32 s2, s17  }
0x8e: {  	[smem:$0x3FC2] =	sst s2  }
0x8f: {  	_ = 	snop  }
0x90: {  	s2 =	sld [smem:$0x3FD0];
	(tm) =	ssettm $0x1  }
0x91: {  	s18 =	sld [smem:$0x3FFB];
	_ =	sdelay $0x3  }
0x92: {  	_ =	strace s18  }
0x93: {  	s3 =	sld [smem:$0x3FFC];
	_ =	sdelay $0x3  }
0x94: {  	_ =	strace s3  }
0x95: {  	s3 =	sld [smem:$0x3FFD];
	_ =	sdelay $0x3  }
0x96: {  	_ =	strace s3  }
0x97: {  	_ =	strace $0x8FFFFFFF  }
0x98: {  	s19 =	sld [smem:$0x3FDB];
	_ =	sdelay $0x1  }
0x99: {  	s4 =	simm.s32 $_scs_section_size  }
0x9a: {  	s5 =	simm.s32 $_size__tile_overlayer_lowered;
	s6 =	simm.s32 $_tile_overlayer_lowered  }
0x9b: {  	s22 =	simm.s32 $0x1BFF;
	s21 =	sshll.u32 s6, $0x1;
	s3 =	sadd.s32 s4, s19  }
0x9c: {  	s7 =	simm.s32 $0x0;
	s20 =	sshll.u32 s5, $0x1;
	s5 =	sadd.s32 s21, s3  }
0x9d: {  	[timem:s7], [sflag:s22] =	dma.local [hbm:s5], s20  }
0x9e: {  	_ =	swait.ge [sflag:s22], s20  }
0x9f: {  	s4 =	ssub.s32 $0x0, s20;
	[sflag:s22] =	ssyncset.done $0x0  }
0xa0: {  	[sflag:s22] =	ssyncadd.s32 s4;
	_ =	sdelay $0x1  }
0xa1: {  	s23 =	simm.s32 $0x1B8B  }
0xa2: {  	_ =	swait.ge [sflag:s23], $0x1  }
0xa3: {  	[sflag:s23] =	ssyncset.done $0x0  }
0xa4: {  	s25 =	simm.s32 $0x1B8E;
	s24 =	sld [smem:$0x3FFE];
	[sflag:s23] =	ssyncadd.s32 $0xFFFFFFFF  }
0xa5: {  	s26 =	simm.s32 $execute0_lowered;
	[smem:$0x3FD2] =	sst s25  }
0xa6: {  	s5 =	sshll.u32 s26, $0x1;
	_ =	strace $0x8000004C;
	[dreg:$0x1] =	wrdreg $0xFFFFFFFF  }
0xa7: {  	s28 =	simm.s32 $_size_execute0_lowered;
	s3 =	sadd.s32 s3, s5;
	[dreg:$0x0] =	wrdreg $0x0  }
0xa8: {  	s5 =	sshll.u32 s28, $0x1;
	[dreg:$0x2] =	wrdreg s3  }
0xa9: {  	[dreg:$0x3] =	wrdreg s5  }
0xaa: {  	[dreg:$0x4] =	wrdreg $0xC0  }
0xab: {  	_ =	task [dreg:s7], $0x5FFFF  }
0xac: {  	[dreg:$0x1] =	wrdreg $0xFFFFFFFF  }
0xad: {  	[dreg:$0x0] =	wrdreg $0x60  }
0xae: {  	[dreg:$0x2] =	wrdreg s2  }
0xaf: {  	[dreg:$0x3] =	wrdreg s24  }
0xb0: {  	[dreg:$0x4] =	wrdreg $0xF0000  }
0xb1: {  	[dreg:$0x5] =	wrdreg $0x9  }
0xb2: {  	_ =	task.clear_ibuf [dreg:s7], $0x6FFFF;
	_ =	strace $0x9000004C  }
0xb3: {  	s29 =	simm.s32 $0x9;
	_ =	strace $0x8000004E  }
0xb4: {  	_ =	swait.ge [sflag:s29], $0x1  }
0xb5: {  	[sflag:s29] =	ssyncadd.s32 $0xFFFFFFFF  }
0xb6: {  	_ =	strace $0x9000004E  }
0xb7: {  	_ =	sfence  }
0xb8: {  	s30 =	sld [smem:$0x0];
	_ =	sdelay $0x2  }
0xb9: {  	s31 =	sshll.u32 s1, $0xD;
	s1 =	sshrl.u32 s1, $0x2  }
0xba: {  	s3 =	sand.u32 $0x4000, s31;
	s1 =	sadd.s32 s1, s30  }
0xbb: {  	s0 =	sor.u32 s3, s0;
	s1 =	sshll.u32 s1, $0x11  }
0xbc: {  	s0 =	sor.u32 s1, s0  }
0xbd: {  	s0 =	sadd.s32 $0x8F2B, s0  }
0xbe: {  	[sflag:s0] =	ssyncadd.remote.s32 $0x1  }
0xbf: {  	_ =	sfence.sel $0xFFFF  }
0xc0: {  	[dreg:$0x0] =	wrdreg $0xFFFFFFFF;
	(pc) =	sbr.abs _section_cstart, $3  }
0xc1: {  	[dreg:$0x1] =	wrdreg $0xFFFFFFFF  }
0xc2: {  	_ =	task.clear_ibuf [dreg:s7], $0x2FFFF;
	_ =	strace $0x9FFFFFFF  }
0xc3: {  	(tm) =	ssettm $0x7FFFFFFF  }
tec
execute0_lowered:
.L_overlay_start_1:
0x0: {  	(tag) =	ssettag $0x1  }
0x1: {  	s0 =	rddreg [dreg:$0x0]  }
0x2: {  	s1 =	srdreg.scid;
	s2 =	rddreg [dreg:$0x1]  }
0x3: {  	s3 =	rddreg [dreg:$0x2];
	s8 =	stileid.u32  }
0x4: {  	s4 =	simm.s32 $0x0;
	s28 =	simm.s32 $0x9000;
	s30 =	simm.s32 $0xB000  }
0x5: {  	s31 =	simm.s32 $0x0;
	s1 =	sand.u32 $0x1, s1;
	[smem:$0x7FF] =	sst s4  }
0x6: {  	s9 =	sadd.s32 $0x15800, s2;
	s14 =	smul.u32 $0x280, s8;
	s10 =	sadd.s32 $0x16000, s2  }
0x7: {  	s20 =	sadd.s32 $0x16400, s2;
	_ =	strace $0x8000004D;
	[dreg:$0x4] =	wrdreg s9  }
0x8: {  	s24 =	sadd.s32 $0xB700, s2;
	s5 =	sshll.u32 s1, $0x4;
	[dreg:$0x5] =	wrdreg s10  }
0x9: {  	s7 =	ssub.s32 $0x2, s1;
	s1 =	smul.u32 $0x2800, s1;
	[dreg:$0x8] =	wrdreg s24  }
0xa: {  	s24 =	simm.s32 $0x80;
	s5 =	sor.u32 s8, s5;
	s8 =	smul.u32 $0x28000, s8  }
0xb: {  	s9 =	sshrl.u32 s7, $0x1;
	s15 =	sadd.s32 $0x80, s14;
	s18 =	sadd.s32 $0x100, s14  }
0xc: {  	s19 =	sadd.s32 $0x180, s14;
	s22 =	sadd.s32 $0x200, s14;
	s6 =	smul.u32 $0x500, s5  }
0xd: {  	s21 =	ssub.s32 s7, s9;
	s12 =	sshll.u32 s15, $0x6;
	s16 =	sshll.u32 s18, $0x6  }
0xe: {  	s10 =	sshll.u32 s19, $0x6;
	s26 =	sadd.s32 s1, s18;
	s29 =	sadd.s32 s1, s19  }
0xf: {  	p0 =	seq.s32 s5, $0x1F;
	s11 =	sshrl.u32 s8, $0x2;
	s8 =	sadd.s32 s12, s3  }
0x10: {  	s9 =	sadd.s32 s16, s3;
	s10 =	sadd.s32 s10, s3;
	s16 =	sadd.s32 s14, s1  }
0x11: {  	s19 =	sshll.u32 s29, $0x3;
	s21 =	smax.u32 s21, $0x1;
	s13 =	sadd.s32 s6, s2  }
0x12: {  	s7 =	sadd.s32 s11, s3;
	s11 =	sshll.u32 s22, $0x6;
	s16 =	sshll.u32 s16, $0x3  }
0x13: {  	s2 =	sadd.s32 $0x15500, s2;
	s19 =	sadd.s32 s20, s19;
	s11 =	sadd.s32 s11, s3  }
0x14: {  	s17 =	sadd.s32 $0x1C00, s13;
	s23 =	sadd.s32 $0xBA00, s13;
	[dreg:$0x9] =	wrdreg s2  }
0x15: {  	s16 =	sadd.s32 s20, s16;
	s2 =	sshll.u32 s26, $0x3;
	[dreg:$0x6] =	wrdreg s17  }
.Ltmp0:
0x16: {  	s26 =	simm.s32 $0x2;
	[dreg:$0x7] =	wrdreg s23;
	(pc) =	sbr.rel .LBB2_1-.Ltmp0, $4  }
0x17: {  	s17 =	sadd.s32 s1, s15;
	s1 =	sadd.s32 s1, s22;
	s18 =	sadd.s32 s20, s2  }
0x18: {  	s22 =	simm.s32 $0x5000;
	s23 =	simm.s32 $0x3;
	s25 =	sshll.u32 s17, $0x3  }
0x19: {  	s2 =	simm.s32 $0x1;
	s1 =	sshll.u32 s1, $0x3;
	s17 =	sadd.s32 s20, s25  }
0x1a: {  	v0 =	vimm.f32 $0.0e+00;
	s20 =	sadd.s32 s20, s1;
	s25 =	simm.s32 $0x7000;
	s1 =	simm.s32 $0xD000  }
.LBB2_6:
0x1b: {  	_ =	swait.ge [sflag:s26], $0x2000  }
0x1c: {  	[sflag:s26] =	ssyncset.done $0x0  }
0x1d: {  	[sflag:s26] =	ssyncadd.s32 $0xFFFFE000  }
0x1e: {  	_ =	swait.ge [sflag:s26], $0x2000  }
0x1f: {  	[sflag:s26] =	ssyncset.done $0x0  }
0x20: {  	[sflag:s26] =	ssyncadd.s32 $0xFFFFE000  }
0x21: {  	_ =	swait.ge [sflag:s26], $0x2000  }
0x22: {  	[sflag:s26] =	ssyncset.done $0x0  }
0x23: {  	[sflag:s26] =	ssyncadd.s32 $0xFFFFE000  }
0x24: {  	_ =	swait.ge [sflag:s26], $0x2000  }
0x25: {  	[sflag:s26] =	ssyncset.done $0x0  }
0x26: {  	[sflag:s26] =	ssyncadd.s32 $0xFFFFE000  }
0x27: {  	[bflag:$0x0] =	sbarrier.arrive $0xFFFF  }
0x28: {  	[tilespmem:s22], [sflag:$0x3] =	stream.linear.gather [spmem:s7], $0x2000, $0x38;
	[tilespmem:$0x19000] =	vst v63  }
0x29: {  	_ =	swait.ge [sflag:s23], $0x2000  }
0x2a: {  	[sflag:s23] =	ssyncset.done $0x0  }
0x2b: {  	[sflag:s23] =	ssyncadd.s32 $0xFFFFE000  }
0x2c: {  	[hbm4b:s16+s4] =	stream.linear.scatter [tilespmem:s22], [sflag:$0x3], $0x2000, $0x38;
	[tilespmem:$0x19000] =	vst v63  }
0x2d: {  	_ =	swait.ge [sflag:s23], $0x2000  }
0x2e: {  	[sflag:s23] =	ssyncset.done $0x0  }
0x2f: {  	[sflag:s23] =	ssyncadd.s32 $0xFFFFE000  }
0x30: {  	[tilespmem:s22], [sflag:$0x3] =	stream.linear.gather [spmem:s8], $0x2000, $0x38;
	[tilespmem:$0x19000] =	vst v63  }
0x31: {  	_ =	swait.ge [sflag:s23], $0x2000  }
0x32: {  	[sflag:s23] =	ssyncset.done $0x0  }
0x33: {  	[sflag:s23] =	ssyncadd.s32 $0xFFFFE000  }
0x34: {  	[hbm4b:s17+s4] =	stream.linear.scatter [tilespmem:s22], [sflag:$0x3], $0x2000, $0x38;
	[tilespmem:$0x19000] =	vst v63  }
0x35: {  	_ =	swait.ge [sflag:s23], $0x2000  }
0x36: {  	[sflag:s23] =	ssyncset.done $0x0  }
0x37: {  	[sflag:s23] =	ssyncadd.s32 $0xFFFFE000  }
0x38: {  	[tilespmem:s22], [sflag:$0x3] =	stream.linear.gather [spmem:s9], $0x2000, $0x38;
	[tilespmem:$0x19000] =	vst v63  }
0x39: {  	_ =	swait.ge [sflag:s23], $0x2000  }
0x3a: {  	[sflag:s23] =	ssyncset.done $0x0  }
0x3b: {  	[sflag:s23] =	ssyncadd.s32 $0xFFFFE000  }
0x3c: {  	[hbm4b:s18+s4] =	stream.linear.scatter [tilespmem:s22], [sflag:$0x3], $0x2000, $0x38;
	[tilespmem:$0x19000] =	vst v63  }
0x3d: {  	_ =	swait.ge [sflag:s23], $0x2000  }
0x3e: {  	[sflag:s23] =	ssyncset.done $0x0  }
0x3f: {  	[sflag:s23] =	ssyncadd.s32 $0xFFFFE000  }
0x40: {  	[tilespmem:s22], [sflag:$0x3] =	stream.linear.gather [spmem:s10], $0x2000, $0x38;
	[tilespmem:$0x19000] =	vst v63  }
0x41: {  	_ =	swait.ge [sflag:s23], $0x2000  }
0x42: {  	[sflag:s23] =	ssyncset.done $0x0  }
0x43: {  	[sflag:s23] =	ssyncadd.s32 $0xFFFFE000  }
0x44: {  	[hbm4b:s19+s4] =	stream.linear.scatter [tilespmem:s22], [sflag:$0x3], $0x2000, $0x38;
	[tilespmem:$0x19000] =	vst v63  }
0x45: {  	_ =	swait.ge [sflag:s23], $0x2000  }
0x46: {  	[sflag:s23] =	ssyncset.done $0x0  }
0x47: {  	[sflag:s23] =	ssyncadd.s32 $0xFFFFE000  }
0x48: {  	[tilespmem:s22], [sflag:$0x3] =	stream.linear.gather [spmem:s11], $0x2000, $0x38;
	[tilespmem:$0x19000] =	vst v63  }
0x49: {  	s31 =	sadd.s32 $0x1, s31;
	_ =	swait.ge [sflag:s23], $0x2000  }
0x4a: {  	p1 =	sne.s32 s31, s21;
	[sflag:s23] =	ssyncset.done $0x0  }
.Ltmp1:
0x4b: {  	[sflag:s23] =	ssyncadd.s32 $0xFFFFE000;
	(pc) =	sbr.rel @!p1 .LBB2_7-.Ltmp1, $4  }
0x4c: {  	[hbm4b:s20+s4] =	stream.linear.scatter [tilespmem:s22], [sflag:$0x3], $0x2000, $0x38;
	[tilespmem:$0x19000] =	vst v63  }
0x4d: {  	_ =	swait.ge [sflag:s23], $0x2000  }
0x4e: {  	[sflag:s23] =	ssyncset.done $0x0  }
0x4f: {  	[sflag:s23] =	ssyncadd.s32 $0xFFFFE000  }
.LBB2_1:
0x50: {  	s29 =	simm.s32 $0x100;
	s5 =	simm.s32 $0x0  }
.LBB2_2:
0x51: {  	p1 =	sne.s32 s29, $0x7F00;
	[tilespmem:s5+$0x5030] =	vst v0;
	s6 =	smov.u32 s29;
	s29 =	sadd.s32 $0x100, s29  }
.Ltmp2:
0x52: {  	[tilespmem:s5+$0x5020] =	vst v0;
	(pc) =	sbr.rel @p1 .LBB2_2-.Ltmp2, $3  }
0x53: {  	[tilespmem:s5+$0x5000] =	vst v0  }
0x54: {  	[tilespmem:s5+$0x5010] =	vst v0;
	_ =	sdelay $0x1  }
0x55: {  	s5 =	sshra.s32 s6, $0x2  }
0x56: {  	[tilespmem:s5+$0x5030] =	vst v0  }
0x57: {  	[tilespmem:s5+$0x5020] =	vst v0  }
0x58: {  	[tilespmem:s5+$0x5000] =	vst v0  }
0x59: {  	[tilespmem:s5+$0x5010] =	vst v0  }
0x5a: {  	[spmem:s7] =	stream.linear.scatter [tilespmem:s22], [sflag:$0x3], $0x2000, $0x38;
	[tilespmem:$0x19000] =	vst v63  }
0x5b: {  	_ =	swait.ge [sflag:s23], $0x2000  }
0x5c: {  	[sflag:s23] =	ssyncset.done $0x0  }
0x5d: {  	[sflag:s23] =	ssyncadd.s32 $0xFFFFE000  }
0x5e: {  	[spmem:s8] =	stream.linear.scatter [tilespmem:s22], [sflag:$0x3], $0x2000, $0x38;
	[tilespmem:$0x19000] =	vst v63  }
0x5f: {  	_ =	swait.ge [sflag:s23], $0x2000  }
0x60: {  	[sflag:s23] =	ssyncset.done $0x0  }
0x61: {  	[sflag:s23] =	ssyncadd.s32 $0xFFFFE000  }
0x62: {  	[spmem:s9] =	stream.linear.scatter [tilespmem:s22], [sflag:$0x3], $0x2000, $0x38;
	[tilespmem:$0x19000] =	vst v63  }
0x63: {  	_ =	swait.ge [sflag:s23], $0x2000  }
0x64: {  	[sflag:s23] =	ssyncset.done $0x0  }
0x65: {  	[sflag:s23] =	ssyncadd.s32 $0xFFFFE000  }
0x66: {  	[spmem:s10] =	stream.linear.scatter [tilespmem:s22], [sflag:$0x3], $0x2000, $0x38;
	[tilespmem:$0x19000] =	vst v63  }
0x67: {  	_ =	swait.ge [sflag:s23], $0x2000  }
0x68: {  	[sflag:s23] =	ssyncset.done $0x0  }
0x69: {  	[sflag:s23] =	ssyncadd.s32 $0xFFFFE000  }
0x6a: {  	[spmem:s11] =	stream.linear.scatter [tilespmem:s22], [sflag:$0x3], $0x2000, $0x38;
	[tilespmem:$0x19000] =	vst v63  }
0x6b: {  	_ =	swait.ge [sflag:s23], $0x2000  }
0x6c: {  	[sflag:s23] =	ssyncset.done $0x0  }
0x6d: {  	s5 =	simm.s32 @p0 $0x0;
	s6 =	rddreg [dreg:$0x8];
	[sflag:s23] =	ssyncadd.s32 $0xFFFFE000  }
0x6e: {  	[tilespmem:s5], [sflag:$0x3] =	stream.linear.gather @p0 [hbm4b:s6+s5], $0xA00, $0x38;
	[tilespmem:$0x19000] =	vst v63  }
0x6f: {  	s6 =	simm.s32 @p0 $0x3  }
0x70: {  	_ =	swait.ge @p0 [sflag:s6], $0xA00  }
0x71: {  	[sflag:s6] =	ssyncset.done @p0 $0x0  }
0x72: {  	s29 =	simm.s32 @p0 $0xA00;
	s12 =	rddreg [dreg:$0x4];
	[sflag:s6] =	ssyncadd.s32 @p0 $0xFFFFF600  }
0x73: {  	[tilespmem:s29], [sflag:$0x3] =	stream.linear.gather @p0 [hbm4b:s12+s5], $0x1E00, $0x38;
	[tilespmem:$0x19000] =	vst v63  }
0x74: {  	_ =	swait.ge @p0 [sflag:s6], $0x1E00  }
0x75: {  	[sflag:s6] =	ssyncset.done @p0 $0x0  }
0x76: {  	s29 =	simm.s32 @p0 $0x2800;
	s12 =	rddreg [dreg:$0x9];
	[sflag:s6] =	ssyncadd.s32 @p0 $0xFFFFE200  }
0x77: {  	[tilespmem:s29], [sflag:$0x3] =	stream.linear.gather @p0 [hbm4b:s12+s5], $0xA00, $0x38;
	[tilespmem:$0x19000] =	vst v63  }
0x78: {  	_ =	swait.ge @p0 [sflag:s6], $0xA00  }
0x79: {  	[sflag:s6] =	ssyncset.done @p0 $0x0  }
0x7a: {  	s29 =	simm.s32 @p0 $0x3200;
	s12 =	rddreg [dreg:$0x5];
	[sflag:s6] =	ssyncadd.s32 @p0 $0xFFFFF600  }
0x7b: {  	[tilespmem:s29], [sflag:$0x3] =	stream.linear.gather @p0 [hbm4b:s12+s5], $0x1E00, $0x38;
	[tilespmem:$0x19000] =	vst v63  }
0x7c: {  	_ =	swait.ge @p0 [sflag:s6], $0x1E00  }
0x7d: {  	[sflag:s6] =	ssyncset.done @p0 $0x0  }
0x7e: {  	s5 =	simm.s32 @!p0 $0x0;
	[sflag:s6] =	ssyncadd.s32 @p0 $0xFFFFE200;
	s6 =	rddreg [dreg:$0x6]  }
0x7f: {  	[tilespmem:s5], [sflag:$0x3] =	stream.linear.gather @!p0 [hbm4b:s6+s5], $0x2800, $0x38;
	[tilespmem:$0x19000] =	vst v63  }
0x80: {  	s6 =	simm.s32 @!p0 $0x3  }
0x81: {  	_ =	swait.ge @!p0 [sflag:s6], $0x2800  }
0x82: {  	[sflag:s6] =	ssyncset.done @!p0 $0x0  }
0x83: {  	s29 =	simm.s32 @!p0 $0x2800;
	s12 =	rddreg [dreg:$0x7];
	[sflag:s6] =	ssyncadd.s32 @!p0 $0xFFFFD800  }
0x84: {  	[tilespmem:s29], [sflag:$0x3] =	stream.linear.gather @!p0 [hbm4b:s12+s5], $0x2800, $0x38;
	[tilespmem:$0x19000] =	vst v63  }
0x85: {  	_ =	swait.ge @!p0 [sflag:s6], $0x2800  }
0x86: {  	[sflag:s6] =	ssyncset.done @!p0 $0x0  }
0x87: {  	[sflag:s6] =	ssyncadd.s32 @!p0 $0xFFFFD800  }
0x88: {  	s29 =	simm.s32 $0x0;
	[bflag:$0x0] =	sbarrier.arrive $0xFFFF  }
0x89: {  	[tilespmem:s22], [sflag:$0x1] =	stream.indirect.gather [hbm4b:s0+s24], $0x40, s29, s24, $0xb8;
	[tilespmem:$0x19000] =	vst v63  }
0x8a: {  	_ = 	snop  }
0x8b: {  	[tilespmem:s25], [sflag:$0x1] =	stream.indirect.gather [hbm4b:s0+s24], $0x40, s24, s24, $0xb8;
	[tilespmem:$0x19000] =	vst v63  }
0x8c: {  	s15 =	simm.s32 $0x100  }
0x8d: {  	[tilespmem:s28], [sflag:$0x1] =	stream.indirect.gather [hbm4b:s0+s24], $0x40, s15, s24, $0xb8;
	[tilespmem:$0x19000] =	vst v63  }
0x8e: {  	s6 =	simm.s32 $0x180  }
0x8f: {  	[tilespmem:s30], [sflag:$0x1] =	stream.indirect.gather [hbm4b:s0+s24], $0x40, s6, s24, $0xb8;
	[tilespmem:$0x19000] =	vst v63  }
0x90: {  	s12 =	simm.s32 $0x200  }
0x91: {  	[tilespmem:s1], [sflag:$0x1] =	stream.indirect.gather [hbm4b:s0+s24], $0x40, s12, s24, $0xb8;
	[tilespmem:$0x19000] =	vst v63  }
0x92: {  	_ =	swait.ge [sflag:s2], $0x2000  }
0x93: {  	[sflag:s2] =	ssyncset.done $0x0  }
0x94: {  	s13 =	simm.s32 $0x2800;
	[sflag:s2] =	ssyncadd.s32 $0xFFFFE000  }
0x95: {  	[spmem:s3] =	stream.indirect.scatter.add.f32 [tilespmem:s22], [sflag:$0x2], $0x40, s13, s24, $0xb8;
	[tilespmem:$0x19000] =	vst v63  }
0x96: {  	_ =	swait.ge [sflag:s2], $0x2000  }
0x97: {  	[sflag:s2] =	ssyncset.done $0x0  }
0x98: {  	s14 =	simm.s32 $0x2880;
	[sflag:s2] =	ssyncadd.s32 $0xFFFFE000  }
0x99: {  	[spmem:s3] =	stream.indirect.scatter.add.f32 [tilespmem:s25], [sflag:$0x2], $0x40, s14, s24, $0xb8;
	[tilespmem:$0x19000] =	vst v63  }
0x9a: {  	_ =	swait.ge [sflag:s2], $0x2000  }
0x9b: {  	[sflag:s2] =	ssyncset.done $0x0  }
0x9c: {  	s15 =	simm.s32 $0x2900;
	[sflag:s2] =	ssyncadd.s32 $0xFFFFE000  }
0x9d: {  	[spmem:s3] =	stream.indirect.scatter.add.f32 [tilespmem:s28], [sflag:$0x2], $0x40, s15, s24, $0xb8;
	[tilespmem:$0x19000] =	vst v63  }
0x9e: {  	_ =	swait.ge [sflag:s26], $0x2000  }
0x9f: {  	[sflag:s26] =	ssyncset.done $0x0  }
0xa0: {  	s6 =	simm.s32 $0x280;
	[sflag:s26] =	ssyncadd.s32 $0xFFFFE000  }
0xa1: {  	[tilespmem:s22], [sflag:$0x1] =	stream.indirect.gather [hbm4b:s0+s24], $0x40, s6, s24, $0xb8;
	[tilespmem:$0x19000] =	vst v63  }
0xa2: {  	_ =	swait.ge [sflag:s2], $0x2000  }
0xa3: {  	[sflag:s2] =	ssyncset.done $0x0  }
0xa4: {  	s12 =	simm.s32 $0x2980;
	[sflag:s2] =	ssyncadd.s32 $0xFFFFE000  }
0xa5: {  	[spmem:s3] =	stream.indirect.scatter.add.f32 [tilespmem:s30], [sflag:$0x2], $0x40, s12, s24, $0xb8;
	[tilespmem:$0x19000] =	vst v63  }
0xa6: {  	_ =	swait.ge [sflag:s26], $0x2000  }
0xa7: {  	[sflag:s26] =	ssyncset.done $0x0  }
0xa8: {  	s13 =	simm.s32 $0x300;
	[sflag:s26] =	ssyncadd.s32 $0xFFFFE000  }
0xa9: {  	[tilespmem:s25], [sflag:$0x1] =	stream.indirect.gather [hbm4b:s0+s24], $0x40, s13, s24, $0xb8;
	[tilespmem:$0x19000] =	vst v63  }
0xaa: {  	_ =	swait.ge [sflag:s2], $0x2000  }
0xab: {  	[sflag:s2] =	ssyncset.done $0x0  }
0xac: {  	s14 =	simm.s32 $0x2A00;
	[sflag:s2] =	ssyncadd.s32 $0xFFFFE000  }
0xad: {  	[spmem:s3] =	stream.indirect.scatter.add.f32 [tilespmem:s1], [sflag:$0x2], $0x40, s14, s24, $0xb8;
	[tilespmem:$0x19000] =	vst v63  }
0xae: {  	_ =	swait.ge [sflag:s26], $0x2000  }
0xaf: {  	[sflag:s26] =	ssyncset.done $0x0  }
0xb0: {  	s15 =	simm.s32 $0x380;
	[sflag:s26] =	ssyncadd.s32 $0xFFFFE000  }
0xb1: {  	[tilespmem:s28], [sflag:$0x1] =	stream.indirect.gather [hbm4b:s0+s24], $0x40, s15, s24, $0xb8;
	[tilespmem:$0x19000] =	vst v63  }
.LBB2_4:
0xb2: {  	_ =	swait.ge [sflag:s2], $0x2000  }
0xb3: {  	s5 =	sshra.s32 s29, $0x2;
	[sflag:s2] =	ssyncset.done $0x0  }
0xb4: {  	s6 =	sadd.s32 $0x2A80, s5;
	[sflag:s2] =	ssyncadd.s32 $0xFFFFE000  }
0xb5: {  	[spmem:s3] =	stream.indirect.scatter.add.f32 [tilespmem:s22], [sflag:$0x2], $0x40, s6, s24, $0xb8;
	[tilespmem:$0x19000] =	vst v63  }
0xb6: {  	_ =	swait.ge [sflag:s26], $0x2000  }
0xb7: {  	[sflag:s26] =	ssyncset.done $0x0  }
0xb8: {  	s15 =	sadd.s32 $0x400, s5;
	[sflag:s26] =	ssyncadd.s32 $0xFFFFE000  }
0xb9: {  	[tilespmem:s30], [sflag:$0x1] =	stream.indirect.gather [hbm4b:s0+s24], $0x40, s15, s24, $0xb8;
	[tilespmem:$0x19000] =	vst v63  }
0xba: {  	_ =	swait.ge [sflag:s2], $0x2000  }
0xbb: {  	[sflag:s2] =	ssyncset.done $0x0  }
0xbc: {  	s12 =	sadd.s32 $0x2B00, s5;
	[sflag:s2] =	ssyncadd.s32 $0xFFFFE000  }
0xbd: {  	[spmem:s3] =	stream.indirect.scatter.add.f32 [tilespmem:s25], [sflag:$0x2], $0x40, s12, s24, $0xb8;
	[tilespmem:$0x19000] =	vst v63  }
0xbe: {  	_ =	swait.ge [sflag:s26], $0x2000  }
0xbf: {  	[sflag:s26] =	ssyncset.done $0x0  }
0xc0: {  	s13 =	sadd.s32 $0x480, s5;
	[sflag:s26] =	ssyncadd.s32 $0xFFFFE000  }
0xc1: {  	[tilespmem:s1], [sflag:$0x1] =	stream.indirect.gather [hbm4b:s0+s24], $0x40, s13, s24, $0xb8;
	[tilespmem:$0x19000] =	vst v63  }
0xc2: {  	_ =	swait.ge [sflag:s2], $0x2000  }
0xc3: {  	p1 =	seq.s32 s29, $0x8C00;
	[sflag:s2] =	ssyncset.done $0x0  }
0xc4: {  	s14 =	sadd.s32 $0x2B80, s5;
	s6 =	simm.s32 @p1 $0x1;
	[sflag:s2] =	ssyncadd.s32 $0xFFFFE000  }
0xc5: {  	[spmem:s3] =	stream.indirect.scatter.add.f32 [tilespmem:s28], [sflag:$0x2], $0x40, s14, s24, $0xb8;
	[tilespmem:$0x19000] =	vst v63  }
0xc6: {  	_ =	swait.ge @p1 [sflag:s6], $0x2000  }
0xc7: {  	s12 =	simm.s32 @p1 $0x4F00;
	[sflag:s6] =	ssyncset.done @p1 $0x0  }
0xc8: {  	s13 =	simm.s32 @p1 $0xB000;
	[sflag:s6] =	ssyncadd.s32 @p1 $0xFFFFE000;
	s6 =	simm.s32 @p1 $0x80  }
0xc9: {  	[spmem:s3] =	stream.indirect.scatter.add.f32 @p1 [tilespmem:s13], [sflag:$0x2], $0x40, s12, s6, $0xb8;
	[tilespmem:$0x19000] =	vst v63  }
0xca: {  	s6 =	simm.s32 @!p1 $0x2  }
0xcb: {  	_ =	swait.ge @!p1 [sflag:s6], $0x2000  }
0xcc: {  	s15 =	simm.s32 @!p1 $0x5000;
	s12 =	sshra.s32 @!p1 s29, $0x2;
	[sflag:s6] =	ssyncset.done @!p1 $0x0  }
0xcd: {  	s14 =	simm.s32 @!p1 $0x80;
	s13 =	sadd.s32 @!p1 $0x500, s12;
	[sflag:s6] =	ssyncadd.s32 @!p1 $0xFFFFE000  }
0xce: {  	[tilespmem:s15], [sflag:$0x1] =	stream.indirect.gather @!p1 [hbm4b:s0+s14], $0x40, s13, s14, $0xb8;
	[tilespmem:$0x19000] =	vst v63  }
0xcf: {  	s13 =	simm.s32 @!p1 $0x1  }
0xd0: {  	_ =	swait.ge @!p1 [sflag:s13], $0x2000  }
0xd1: {  	[sflag:s13] =	ssyncset.done @!p1 $0x0  }
0xd2: {  	s15 =	simm.s32 @!p1 $0xB000;
	[sflag:s13] =	ssyncadd.s32 @!p1 $0xFFFFE000;
	s13 =	sadd.s32 @!p1 $0x2C00, s12  }
0xd3: {  	[spmem:s3] =	stream.indirect.scatter.add.f32 @!p1 [tilespmem:s15], [sflag:$0x2], $0x40, s13, s14, $0xb8;
	[tilespmem:$0x19000] =	vst v63  }
0xd4: {  	_ =	swait.ge @!p1 [sflag:s6], $0x2000  }
0xd5: {  	[sflag:s6] =	ssyncset.done @!p1 $0x0  }
0xd6: {  	[sflag:s6] =	ssyncadd.s32 @!p1 $0xFFFFE000;
	s6 =	sadd.s32 @!p1 $0x580, s12;
	s12 =	simm.s32 @!p1 $0x7000  }
0xd7: {  	[tilespmem:s12], [sflag:$0x1] =	stream.indirect.gather @!p1 [hbm4b:s0+s14], $0x40, s6, s14, $0xb8;
	[tilespmem:$0x19000] =	vst v63  }
0xd8: {  	_ =	swait.ge [sflag:s2], $0x2000  }
0xd9: {  	[sflag:s2] =	ssyncset.done $0x0  }
.Ltmp3:
0xda: {  	s15 =	sadd.s32 $0x2C80, s5;
	[sflag:s2] =	ssyncadd.s32 $0xFFFFE000;
	(pc) =	sbr.rel @p1 .LBB2_6-.Ltmp3, $4  }
0xdb: {  	[spmem:s3] =	stream.indirect.scatter.add.f32 [tilespmem:s1], [sflag:$0x2], $0x40, s15, s24, $0xb8;
	[tilespmem:$0x19000] =	vst v63  }
0xdc: {  	_ =	swait.ge [sflag:s26], $0x2000  }
0xdd: {  	[sflag:s26] =	ssyncset.done $0x0  }
0xde: {  	[sflag:s26] =	ssyncadd.s32 $0xFFFFE000  }
.Ltmp4:
0xdf: {  	(pc) =	sbr.rel .LBB2_4-.Ltmp4, $3  }
0xe0: {  	_ =	sdelay $0x1  }
0xe1: {  	s5 =	sadd.s32 $0x600, s5;
	s29 =	sadd.s32 $0xA00, s29  }
0xe2: {  	[tilespmem:s28], [sflag:$0x1] =	stream.indirect.gather [hbm4b:s0+s24], $0x40, s5, s24, $0xb8;
	[tilespmem:$0x19000] =	vst v63  }
.LBB2_7:
0xe3: {  	_ =	sfence.sel $0x180000  }
0xe4: {  	[bflag:$0x0] =	sbarrier.arrive $0xFFFF  }
0xe5: {  	_ =	strace $0x9000004D  }
0xe6: {  	s0 =	stileid.u32;
	[bflag:$0x2] =	sbarrier.arrive $0xFFFF  }
0xe7: {  	p0 =	sne.s32 s0, $0x0;
	s0 =	rddreg [dreg:$0x3]  }
0xe8: {  	s0 =	sadd.s32 @!p0 $0x100000, s0  }
0xe9: {  	[sflag:s0] =	ssyncadd.tile.s32 @!p0 $0x1;
	_ =	shalt  }
.Lfunc_end2:
_tile_overlayer_lowered:
.L_overlay_start_2:
0xea: {  	(tag) =	ssettag $0x2  }
0xeb: {  	s0 =	rddreg [dreg:$0x0];
	s2 =	stileid.u32  }
0xec: {  	s1 =	rddreg [dreg:$0x1];
	p0 =	sne.s32 s2, $0x0  }
0xed: {  	s3 =	rddreg [dreg:$0x2];
	[bflag:$0x3] =	sbarrier.arrive $0xFFFF;
	s2 =	simm.s32 @!p0 $0x1C03  }
0xee: {  	[timem:s3], [sflag:s2] =	dma.local @!p0 [hbm:s0], s1  }
0xef: {  	s0 =	simm.s32 @!p0 $0x3  }
0xf0: {  	_ =	swait.ge @!p0 [sflag:s0], s1  }
0xf1: {  	s1 =	ssub.s32 @!p0 $0x0, s1;
	[sflag:s0] =	ssyncset.done @!p0 $0x0  }
0xf2: {  	[sflag:s0] =	ssyncadd.s32 @!p0 s1  }
0xf3: {  	[bflag:$0x3] =	sbarrier.arrive $0xFFFF  }
0xf4: {  	_ =	shalt  }

// kernel: kernel.8.cloned.1.call-start
scs
__scs_entry_jumppad:
0x0: {  	(pc) =	sbr.rel $0x88, $3  }
0x1: {  	(tag) =	ssettag $0x0;
	lr =	simm.s32 $0x1  }
0x2: {  	[smem:$0x3F9B] =	sst lr;
	_ =	strace $0xD0000000  }
0x3: {  	_ = 	snop  }
0x4: {  	_ = 	snop  }
0x5: {  	_ = 	snop  }
0x6: {  	_ = 	snop  }
0x7: {  	_ = 	snop  }
__scs_overlays_trampoline_lowered:
0x8: {  	[smem:$0x3FAA] =	sst s0  }
0x9: {  	[smem:$0x3FAB] =	sst s1  }
0xa: {  	[smem:$0x3FAC] =	sst s2  }
0xb: {  	[smem:$0x3FAD] =	sst s3  }
0xc: {  	[smem:$0x3FAE] =	sst s4  }
0xd: {  	[smem:$0x3FAF] =	sst s5  }
0xe: {  	[smem:$0x3FB0] =	sst s6  }
0xf: {  	[smem:$0x3FB1] =	sst s7  }
0x10: {  	[smem:$0x3FB2] =	sst s8  }
0x11: {  	[smem:$0x3FB3] =	sst s9;
	s0 =	simm.s32 @!p0 $0x0  }
0x12: {  	s1 =	sld [smem:$0x3F99];
	s0 =	simm.s32 @p0 $0x1  }
0x13: {  	[smem:$0x3FB4] =	sst s0;
	s0 =	simm.s32 @!p1 $0x0  }
0x14: {  	s2 =	sld [smem:$0x3F98];
	s0 =	simm.s32 @p1 $0x1  }
0x15: {  	[smem:$0x3FB5] =	sst s0;
	s0 =	simm.s32 @!p2 $0x0  }
0x16: {  	s3 =	sld [smem:$0x3FDB];
	s0 =	simm.s32 @p2 $0x1  }
0x17: {  	s4 =	simm.s32 $0x1BF5;
	[smem:$0x3FB7] =	sst s0  }
0x18: {  	s0 =	sld [smem:$0x3F9A];
	_ =	swait.ge [sflag:s4], $0x0  }
0x19: {  	s7 =	sld [smem:$0x3F9B]  }
0x1a: {  	s8 =	sadd.s32 $0xFFFFE003, lr  }
0x1b: {  	s9 =	sadd.s32 $0xFFFFFEF7, lr;
	s5 =	simm.s32 $0xFFFFFFFF;
	p2 =	slt.u32 s8, $0xFFFFF086  }
0x1c: {  	p1 =	slt.u32 s9, $0xF7A;
	s5 =	simm.s32 @!p2 $0x0  }
0x1d: {  	s5 =	simm.s32 @p1 $0x1;
	p0 =	seq.s32 s7, s2  }
0x1e: {  	s7 =	smul.u32 @!p0 $0xF7A, s2;
	p2 =	seq.s32 @!p0 s5, $0x0  }
0x1f: {  	s9 =	smul.u32 $0xF7A, s1;
	s8 =	simm.s32 @!p0 $0x1BF5;
	p2 =	por !p2, p0  }
0x20: {  	[sflag:s8] =	ssyncset.s32 @!p0 $0xFFFFF086;
	s6 =	sadd.s32 @!p0 s3, s7;
	s7 =	simm.s32 @!p0 $0x108  }
0x21: {  	s3 =	sadd.s32 s3, s9;
	s6 =	sadd.s32 @!p0 $0x88, s6;
	s7 =	simm.s32 @p2 $0x1082  }
0x22: {  	[simem:s7], [sflag:s8] =	dma.local @!p0 [hbm:s6], $0xF7A  }
0x23: {  	s9 =	sor.u32 $0xD0000000, s2;
	s6 =	simm.s32 $0x108;
	_ =	swait.ge @!p0 [sflag:s8], $0x0  }
0x24: {  	s3 =	sadd.s32 $0x88, s3;
	s6 =	simm.s32 @!p1 $0x1082;
	[sflag:s4] =	ssyncset.s32 $0xFFFFF086  }
0x25: {  	[simem:s6], [sflag:s4] =	dma.local [hbm:s3], $0xF7A  }
0x26: {  	[smem:$0x3F9B] =	sst s1;
	(tag) =	ssettag s2;
	_ =	strace s9  }
0x27: {  	s1 =	sld [smem:$0x3FAB]  }
0x28: {  	s2 =	sld [smem:$0x3FAC]  }
0x29: {  	s4 =	sld [smem:$0x3FAE]  }
0x2a: {  	p0 =	seq.s32 s5, $0x0;
	s5 =	sld [smem:$0x3FAF]  }
0x2b: {  	s6 =	sld [smem:$0x3FB0]  }
0x2c: {  	s7 =	sld [smem:$0x3FB1]  }
0x2d: {  	s3 =	simm.s32 $0x108;
	s8 =	sld [smem:$0x3FB2]  }
0x2e: {  	s3 =	simm.s32 @!p0 $0x1082;
	s9 =	sld [smem:$0x3FB3]  }
0x2f: {  	lr =	sadd.s32 s0, s3;
	s0 =	sld [smem:$0x3FAA]  }
0x30: {  	s3 =	sld [smem:$0x3FAD]  }
0x31: {  	[smem:$0x3FB6] =	sst s10  }
0x32: {  	s10 =	sld [smem:$0x3FB4];
	_ =	sdelay $0x3  }
0x33: {  	p0 =	seq.s32 s10, $0x1;
	s10 =	sld [smem:$0x3FB6];
	_ =	sdelay $0x3  }
0x34: {  	[smem:$0x3FB6] =	sst s10  }
0x35: {  	s10 =	sld [smem:$0x3FB5];
	_ =	sdelay $0x3  }
0x36: {  	p1 =	seq.s32 s10, $0x1;
	s10 =	sld [smem:$0x3FB6];
	_ =	sdelay $0x3  }
0x37: {  	[smem:$0x3FB6] =	sst s10  }
0x38: {  	s10 =	sld [smem:$0x3FB7]  }
0x39: {  	_ = 	snop;
	(pc) =	sbr.ind lr, $3  }
0x3a: {  	_ = 	snop  }
0x3b: {  	_ = 	snop  }
0x3c: {  	p2 =	seq.s32 s10, $0x1;
	s10 =	sld [smem:$0x3FB6]  }
0x3d: {  	_ =	shalt  }
0x3e: {  	_ =	shalt  }
0x3f: {  	_ =	shalt  }
0x40: {  	_ =	shalt  }
0x41: {  	_ =	shalt  }
0x42: {  	_ =	shalt  }
0x43: {  	_ =	shalt  }
0x44: {  	_ =	shalt  }
0x45: {  	_ =	shalt  }
0x46: {  	_ =	shalt  }
0x47: {  	_ =	shalt  }
0x48: {  	_ =	shalt  }
0x49: {  	_ =	shalt  }
0x4a: {  	_ =	shalt  }
0x4b: {  	_ =	shalt  }
0x4c: {  	_ =	shalt  }
0x4d: {  	_ =	shalt  }
0x4e: {  	_ =	shalt  }
0x4f: {  	_ =	shalt  }
0x50: {  	_ =	shalt  }
0x51: {  	_ =	shalt  }
0x52: {  	_ =	shalt  }
0x53: {  	_ =	shalt  }
0x54: {  	_ =	shalt  }
0x55: {  	_ =	shalt  }
0x56: {  	_ =	shalt  }
0x57: {  	_ =	shalt  }
0x58: {  	_ =	shalt  }
0x59: {  	_ =	shalt  }
0x5a: {  	_ =	shalt  }
0x5b: {  	_ =	shalt  }
0x5c: {  	_ =	shalt  }
0x5d: {  	_ =	shalt  }
0x5e: {  	_ =	shalt  }
0x5f: {  	_ =	shalt  }
0x60: {  	_ =	shalt  }
0x61: {  	_ =	shalt  }
0x62: {  	_ =	shalt  }
0x63: {  	_ =	shalt  }
0x64: {  	_ =	shalt  }
0x65: {  	_ =	shalt  }
0x66: {  	_ =	shalt  }
0x67: {  	_ =	shalt  }
0x68: {  	_ =	shalt  }
0x69: {  	_ =	shalt  }
0x6a: {  	_ =	shalt  }
0x6b: {  	_ =	shalt  }
0x6c: {  	_ =	shalt  }
0x6d: {  	_ =	shalt  }
0x6e: {  	_ =	shalt  }
0x6f: {  	_ =	shalt  }
0x70: {  	_ =	shalt  }
0x71: {  	_ =	shalt  }
0x72: {  	_ =	shalt  }
0x73: {  	_ =	shalt  }
0x74: {  	_ =	shalt  }
0x75: {  	_ =	shalt  }
0x76: {  	_ =	shalt  }
0x77: {  	_ =	shalt  }
0x78: {  	_ =	shalt  }
0x79: {  	_ =	shalt  }
0x7a: {  	_ =	shalt  }
0x7b: {  	_ =	shalt  }
0x7c: {  	_ =	shalt  }
0x7d: {  	_ =	shalt  }
0x7e: {  	_ =	shalt  }
0x7f: {  	_ =	shalt  }
0x80: {  	_ =	shalt  }
0x81: {  	_ =	shalt  }
0x82: {  	_ =	shalt  }
0x83: {  	_ =	shalt  }
0x84: {  	_ =	shalt  }
0x85: {  	_ =	shalt  }
0x86: {  	_ =	shalt  }
0x87: {  	_ =	shalt  }
.Lfunc_end0:
.L_simem_size_0:
called_computation_lowered:
.L_overlay_start_0:
0x88: {  	s2 =	sld [smem:$0x3FD9]  }
0x89: {  	s3 =	sld [smem:$0x3FFE];
	_ =	sdelay $0x1  }
0x8a: {  	s1 =	srdreg.scid  }
0x8b: {  	s0 =	sand.u32 $0x1, s1  }
0x8c: {  	s17 =	sshll.u32 s0, $0xA;
	s2 =	sadd.s32 s3, s2  }
0x8d: {  	s2 =	sadd.s32 s2, s17  }
0x8e: {  	[smem:$0x3FC2] =	sst s2  }
0x8f: {  	_ = 	snop  }
0x90: {  	s2 =	sld [smem:$0x3FD0];
	(tm) =	ssettm $0x1  }
0x91: {  	s18 =	sld [smem:$0x3FFB];
	_ =	sdelay $0x3  }
0x92: {  	_ =	strace s18  }
0x93: {  	s3 =	sld [smem:$0x3FFC];
	_ =	sdelay $0x3  }
0x94: {  	_ =	strace s3  }
0x95: {  	s3 =	sld [smem:$0x3FFD];
	_ =	sdelay $0x3  }
0x96: {  	_ =	strace s3  }
0x97: {  	_ =	strace $0x8FFFFFFF  }
0x98: {  	s19 =	sld [smem:$0x3FDB];
	_ =	sdelay $0x1  }
0x99: {  	s4 =	simm.s32 $_scs_section_size  }
0x9a: {  	s5 =	simm.s32 $_size__tile_overlayer_lowered;
	s6 =	simm.s32 $_tile_overlayer_lowered  }
0x9b: {  	s22 =	simm.s32 $0x1BFF;
	s21 =	sshll.u32 s6, $0x1;
	s3 =	sadd.s32 s4, s19  }
0x9c: {  	s7 =	simm.s32 $0x0;
	s20 =	sshll.u32 s5, $0x1;
	s5 =	sadd.s32 s21, s3  }
0x9d: {  	[timem:s7], [sflag:s22] =	dma.local [hbm:s5], s20  }
0x9e: {  	_ =	swait.ge [sflag:s22], s20  }
0x9f: {  	s4 =	ssub.s32 $0x0, s20;
	[sflag:s22] =	ssyncset.done $0x0  }
0xa0: {  	[sflag:s22] =	ssyncadd.s32 s4;
	_ =	sdelay $0x1  }
0xa1: {  	s23 =	simm.s32 $0x1B8B  }
0xa2: {  	_ =	swait.ge [sflag:s23], $0x1  }
0xa3: {  	[sflag:s23] =	ssyncset.done $0x0  }
0xa4: {  	s25 =	simm.s32 $0x1B8E;
	s24 =	sld [smem:$0x3FFE];
	[sflag:s23] =	ssyncadd.s32 $0xFFFFFFFF  }
0xa5: {  	s26 =	simm.s32 $execute0_lowered;
	[smem:$0x3FD2] =	sst s25  }
0xa6: {  	s5 =	sshll.u32 s26, $0x1;
	_ =	strace $0x80000046;
	[dreg:$0x1] =	wrdreg $0xFFFFFFFF  }
0xa7: {  	s28 =	simm.s32 $_size_execute0_lowered;
	s3 =	sadd.s32 s3, s5;
	[dreg:$0x0] =	wrdreg $0x0  }
0xa8: {  	s5 =	sshll.u32 s28, $0x1;
	[dreg:$0x2] =	wrdreg s3  }
0xa9: {  	[dreg:$0x3] =	wrdreg s5  }
0xaa: {  	[dreg:$0x4] =	wrdreg $0xC0  }
0xab: {  	_ =	task [dreg:s7], $0x5FFFF  }
0xac: {  	[dreg:$0x1] =	wrdreg $0xFFFFFFFF  }
0xad: {  	[dreg:$0x0] =	wrdreg $0x60  }
0xae: {  	[dreg:$0x2] =	wrdreg s24  }
0xaf: {  	[dreg:$0x3] =	wrdreg s2  }
0xb0: {  	[dreg:$0x4] =	wrdreg $0x2B000  }
0xb1: {  	[dreg:$0x5] =	wrdreg $0x9  }
0xb2: {  	_ =	task.clear_ibuf [dreg:s7], $0x6FFFF;
	_ =	strace $0x90000046  }
0xb3: {  	s29 =	simm.s32 $0x9;
	_ =	strace $0x80000048  }
0xb4: {  	_ =	swait.ge [sflag:s29], $0x1  }
0xb5: {  	[sflag:s29] =	ssyncadd.s32 $0xFFFFFFFF  }
0xb6: {  	_ =	strace $0x90000048  }
0xb7: {  	_ =	sfence  }
0xb8: {  	s30 =	sld [smem:$0x0];
	_ =	sdelay $0x2  }
0xb9: {  	s31 =	sshll.u32 s1, $0xD;
	s1 =	sshrl.u32 s1, $0x2  }
0xba: {  	s3 =	sand.u32 $0x4000, s31;
	s1 =	sadd.s32 s1, s30  }
0xbb: {  	s0 =	sor.u32 s3, s0;
	s1 =	sshll.u32 s1, $0x11  }
0xbc: {  	s0 =	sor.u32 s1, s0  }
0xbd: {  	s0 =	sadd.s32 $0x8F2B, s0  }
0xbe: {  	[sflag:s0] =	ssyncadd.remote.s32 $0x1  }
0xbf: {  	_ =	sfence.sel $0xFFFF  }
0xc0: {  	[dreg:$0x0] =	wrdreg $0xFFFFFFFF;
	(pc) =	sbr.abs _section_cstart, $3  }
0xc1: {  	[dreg:$0x1] =	wrdreg $0xFFFFFFFF  }
0xc2: {  	_ =	task.clear_ibuf [dreg:s7], $0x2FFFF;
	_ =	strace $0x9FFFFFFF  }
0xc3: {  	(tm) =	ssettm $0x7FFFFFFF  }
tec
execute0_lowered:
.L_overlay_start_1:
0x0: {  	(tag) =	ssettag $0x1  }
0x1: {  	s7 =	rddreg [dreg:$0x0]  }
0x2: {  	s0 =	srdreg.scid;
	s8 =	rddreg [dreg:$0x1]  }
0x3: {  	s2 =	rddreg [dreg:$0x2];
	s3 =	simm.s32 $0x0;
	s13 =	simm.s32 $0x2800  }
0x4: {  	s14 =	simm.s32 $0x0;
	s4 =	sand.u32 $0x1, s0;
	s0 =	stileid.u32  }
0x5: {  	[smem:$0x7FF] =	sst s3;
	s1 =	sshll.u32 s4, $0x4;
	s6 =	smul.u32 $0x280, s0  }
0x6: {  	s9 =	ssub.s32 $0x2, s4;
	s11 =	smul.u32 $0x2800, s4;
	s4 =	sadd.s32 $0x15800, s7  }
0x7: {  	s10 =	sor.u32 s0, s1;
	s1 =	rddreg [dreg:$0x3];
	s31 =	sshrl.u32 s9, $0x1  }
0x8: {  	_ =	strace $0x80000047;
	s5 =	smul.u32 $0x500, s10;
	s9 =	ssub.s32 s9, s31  }
0x9: {  	s11 =	sadd.s32 s6, s11;
	p0 =	seq.s32 s10, $0x1F;
	s10 =	simm.s32 $0x2880  }
0xa: {  	s11 =	sshrl.u32 s11, $0x3;
	s9 =	smax.u32 s9, $0x1;
	s12 =	sadd.s32 s5, s7  }
0xb: {  	s5 =	sadd.s32 s6, s2;
	s7 =	sadd.s32 $0x15500, s7;
	s8 =	sadd.s32 s8, s11  }
0xc: {  	v0 =	vimm.f32 $1.000000000e+00;
	v1 =	vimm.f32 $0.0e+00;
	s11 =	simm.s32 $0x1;
	s6 =	sadd.s32 $0xBA00, s12;
	s12 =	simm.s32 $0x80  }
.LBB2_1:
0xd: {  	[tilespmem:$0x2800] =	vst v0  }
0xe: {  	[tilespmem:$0x2810] =	vst v0  }
0xf: {  	[tilespmem:$0x2820] =	vst v0  }
0x10: {  	[tilespmem:$0x2830] =	vst v0  }
0x11: {  	[tilespmem:$0x2840] =	vst v0  }
0x12: {  	[tilespmem:$0x2850] =	vst v0  }
0x13: {  	[tilespmem:$0x2860] =	vst v0  }
0x14: {  	[tilespmem:$0x2870] =	vst v0  }
0x15: {  	[tilespmem:$0x2880] =	vst v1  }
0x16: {  	[tilespmem:$0x2890] =	vst v1  }
0x17: {  	[tilespmem:$0x28A0] =	vst v1  }
0x18: {  	[tilespmem:$0x28B0] =	vst v1  }
0x19: {  	[tilespmem:$0x28C0] =	vst v1  }
0x1a: {  	[tilespmem:$0x28D0] =	vst v1  }
0x1b: {  	[tilespmem:$0x28E0] =	vst v1  }
0x1c: {  	[tilespmem:$0x28F0] =	vst v1  }
0x1d: {  	[tilespmem:$0x2900] =	vst v1  }
0x1e: {  	[tilespmem:$0x2910] =	vst v1  }
0x1f: {  	[tilespmem:$0x2920] =	vst v1  }
0x20: {  	[tilespmem:$0x2930] =	vst v1  }
0x21: {  	[tilespmem:$0x2940] =	vst v1  }
0x22: {  	[tilespmem:$0x2950] =	vst v1  }
0x23: {  	[tilespmem:$0x2960] =	vst v1  }
0x24: {  	[tilespmem:$0x2970] =	vst v1  }
0x25: {  	[tilespmem:$0x2980] =	vst v1  }
0x26: {  	[tilespmem:$0x2990] =	vst v1  }
0x27: {  	[tilespmem:$0x29A0] =	vst v1  }
0x28: {  	[tilespmem:$0x29B0] =	vst v1  }
0x29: {  	[tilespmem:$0x29C0] =	vst v1  }
0x2a: {  	[tilespmem:$0x29D0] =	vst v1  }
0x2b: {  	[tilespmem:$0x29E0] =	vst v1  }
0x2c: {  	[tilespmem:$0x29F0] =	vst v1  }
0x2d: {  	[tilespmem:$0x2A00] =	vst v1  }
0x2e: {  	[tilespmem:$0x2A10] =	vst v1  }
0x2f: {  	[tilespmem:$0x2A20] =	vst v1  }
0x30: {  	[tilespmem:$0x2A30] =	vst v1  }
0x31: {  	[tilespmem:$0x2A40] =	vst v1  }
0x32: {  	[tilespmem:$0x2A50] =	vst v1  }
0x33: {  	[tilespmem:$0x2A60] =	vst v1  }
0x34: {  	[tilespmem:$0x2A70] =	vst v1  }
0x35: {  	[tilespmem:$0x2A80] =	vst v1  }
0x36: {  	[tilespmem:$0x2A90] =	vst v1  }
0x37: {  	[tilespmem:$0x2AA0] =	vst v1  }
0x38: {  	[tilespmem:$0x2AB0] =	vst v1  }
0x39: {  	[tilespmem:$0x2AC0] =	vst v1  }
0x3a: {  	[tilespmem:$0x2AD0] =	vst v1  }
0x3b: {  	[tilespmem:$0x2AE0] =	vst v1  }
0x3c: {  	[tilespmem:$0x2AF0] =	vst v1  }
0x3d: {  	[spmem:s5] =	stream.linear.scatter [tilespmem:s10], [sflag:$0x1], $0x280, $0x38;
	[tilespmem:$0x2D80] =	vst v63  }
0x3e: {  	_ =	swait.ge [sflag:s11], $0x280  }
0x3f: {  	[sflag:s11] =	ssyncset.done $0x0  }
0x40: {  	s15 =	simm.s32 @p0 $0x0;
	s16 =	simm.s32 @p0 $0x1;
	[sflag:s11] =	ssyncadd.s32 $0xFFFFFD80  }
0x41: {  	[tilespmem:s15], [sflag:$0x1] =	stream.linear.gather @p0 [hbm4b:s7+s15], $0xA00, $0x38;
	[tilespmem:$0x2D80] =	vst v63  }
0x42: {  	_ =	swait.ge @p0 [sflag:s16], $0xA00  }
0x43: {  	[sflag:s16] =	ssyncset.done @p0 $0x0  }
0x44: {  	s17 =	simm.s32 @p0 $0xA00;
	[sflag:s16] =	ssyncadd.s32 @p0 $0xFFFFF600  }
0x45: {  	[tilespmem:s17], [sflag:$0x1] =	stream.linear.gather @p0 [hbm4b:s4+s15], $0x1E00, $0x38;
	[tilespmem:$0x2D80] =	vst v63  }
0x46: {  	_ =	swait.ge @p0 [sflag:s16], $0x1E00  }
0x47: {  	[sflag:s16] =	ssyncset.done @p0 $0x0  }
0x48: {  	s15 =	simm.s32 @!p0 $0x0;
	[sflag:s16] =	ssyncadd.s32 @p0 $0xFFFFE200  }
0x49: {  	[tilespmem:s15], [sflag:$0x1] =	stream.linear.gather @!p0 [hbm4b:s6+s15], $0x2800, $0x38;
	[tilespmem:$0x2D80] =	vst v63  }
0x4a: {  	s15 =	simm.s32 @!p0 $0x1  }
0x4b: {  	_ =	swait.ge @!p0 [sflag:s15], $0x2800  }
0x4c: {  	[sflag:s15] =	ssyncset.done @!p0 $0x0  }
0x4d: {  	[sflag:s15] =	ssyncadd.s32 @!p0 $0xFFFFD800  }
0x4e: {  	s31 =	simm.s32 $0x0;
	[bflag:$0x0] =	sbarrier.arrive $0xFFFF  }
0x4f: {  	[spmem:s2] =	stream.indirect.scatter.add.f32 [tilespmem:s13], [sflag:$0x1], $0x1, s31, s12, $0xb8;
	[tilespmem:$0x2D80] =	vst v63  }
0x50: {  	_ =	swait.ge [sflag:s11], $0x80  }
0x51: {  	s15 =	simm.s32 $0x200;
	[sflag:s11] =	ssyncset.done $0x0  }
.LBB2_2:
0x52: {  	s16 =	sshra.s32 s15, $0x2;
	[sflag:s11] =	ssyncadd.s32 $0xFFFFFF80;
	p1 =	sne.s32 s15, $0x9E00  }
0x53: {  	[spmem:s2] =	stream.indirect.scatter.add.f32 [tilespmem:s13], [sflag:$0x1], $0x1, s16, s12, $0xb8;
	[tilespmem:$0x2D80] =	vst v63  }
.Ltmp0:
0x54: {  	_ = 	snop;
	(pc) =	sbr.rel @p1 .LBB2_2-.Ltmp0, $4  }
0x55: {  	_ = 	snop  }
0x56: {  	s15 =	sadd.s32 $0x200, s15  }
0x57: {  	_ =	swait.ge [sflag:s11], $0x80  }
0x58: {  	[sflag:s11] =	ssyncset.done $0x0  }
0x59: {  	[sflag:s11] =	ssyncadd.s32 $0xFFFFFF80  }
0x5a: {  	[bflag:$0x0] =	sbarrier.arrive $0xFFFF  }
0x5b: {  	[tilespmem:s10], [sflag:$0x1] =	stream.linear.gather [spmem:s5], $0x280, $0x38;
	[tilespmem:$0x2D80] =	vst v63  }
0x5c: {  	s14 =	sadd.s32 $0x1, s14;
	_ =	swait.ge [sflag:s11], $0x280  }
0x5d: {  	p1 =	sne.s32 s14, s9;
	[sflag:s11] =	ssyncset.done $0x0  }
.Ltmp1:
0x5e: {  	[sflag:s11] =	ssyncadd.s32 $0xFFFFFD80;
	(pc) =	sbr.rel @p1 .LBB2_1-.Ltmp1, $4  }
0x5f: {  	[hbm4b:s8+s3] =	stream.linear.scatter [tilespmem:s10], [sflag:$0x1], $0x280, $0x38;
	[tilespmem:$0x2D80] =	vst v63  }
0x60: {  	_ =	swait.ge [sflag:s11], $0x280  }
0x61: {  	[sflag:s11] =	ssyncset.done $0x0  }
0x62: {  	[sflag:s11] =	ssyncadd.s32 $0xFFFFFD80  }
0x63: {  	_ =	sfence.sel $0x180000  }
0x64: {  	[bflag:$0x0] =	sbarrier.arrive $0xFFFF  }
0x65: {  	p0 =	sne.s32 s0, $0x0;
	_ =	strace $0x90000047  }
0x66: {  	s0 =	sadd.s32 @!p0 $0x100000, s1;
	[bflag:$0x2] =	sbarrier.arrive $0xFFFF  }
0x67: {  	[sflag:s0] =	ssyncadd.tile.s32 @!p0 $0x1;
	_ =	shalt  }
.Lfunc_end2:
_tile_overlayer_lowered:
.L_overlay_start_2:
0x68: {  	(tag) =	ssettag $0x2  }
0x69: {  	s0 =	rddreg [dreg:$0x0];
	s2 =	stileid.u32  }
0x6a: {  	s1 =	rddreg [dreg:$0x1];
	p0 =	sne.s32 s2, $0x0  }
0x6b: {  	s3 =	rddreg [dreg:$0x2];
	[bflag:$0x3] =	sbarrier.arrive $0xFFFF;
	s2 =	simm.s32 @!p0 $0x1C01  }
0x6c: {  	[timem:s3], [sflag:s2] =	dma.local @!p0 [hbm:s0], s1  }
0x6d: {  	s0 =	simm.s32 @!p0 $0x1  }
0x6e: {  	_ =	swait.ge @!p0 [sflag:s0], s1  }
0x6f: {  	s1 =	ssub.s32 @!p0 $0x0, s1;
	[sflag:s0] =	ssyncset.done @!p0 $0x0  }
0x70: {  	[sflag:s0] =	ssyncadd.s32 @!p0 s1  }
0x71: {  	[bflag:$0x3] =	sbarrier.arrive $0xFFFF  }
0x72: {  	_ =	shalt  }

</sc_bundles>
